<compile_context>
chip_gen: v7x
topology: tpu7x:2x2x1
jax: 0.10.2.dev20260603
libtpu: 0.0.44.dev20260713+nightly
codegen_flags: <defaults>
</compile_context>

<pallas_src>
import functools

import jax
import jax.numpy as jnp
from jax import lax
from jax.experimental import pallas as pl
from jax.experimental.pallas import tpu as pltpu
from jax.experimental.pallas import tpu_sc as plsc

LABEL_SIZE = 1000
HIDDEN = 768
EPS = 1e-12

NUM_CORES = 2
NUM_SUBCORES = 16
NW = NUM_CORES * NUM_SUBCORES

GROUP_ROWS = 40
GROUPS = LABEL_SIZE // GROUP_ROWS
STAGE_GROUPS = 2
INNER = 40


def _ln_body(w_ref, gamma_ref, beta_ref, out_ref):
    x = w_ref[...]
    mu = jnp.mean(x, axis=-1, keepdims=True)
    var = jnp.mean(jnp.square(x - mu), axis=-1, keepdims=True)
    out_ref[...] = (x - mu) * lax.rsqrt(var + EPS) * gamma_ref[...] + beta_ref[...]


def _layer_norm_table(W, gamma, beta):
    return pl.pallas_call(
        _ln_body,
        out_shape=jax.ShapeDtypeStruct((LABEL_SIZE, HIDDEN), jnp.float32),
    )(W, gamma, beta)


def _bcast_body(batch, ln_hbm, out_hbm, buf, sem):
    tasks_per_w = GROUPS * batch // NW
    waves = tasks_per_w // INNER
    assert waves * INNER == tasks_per_w

    wid = lax.axis_index("s") * NUM_CORES + lax.axis_index("c")
    t0 = wid * tasks_per_w
    g0 = jnp.minimum(t0 // batch, GROUPS - STAGE_GROUPS)

    pltpu.sync_copy(
        ln_hbm.at[pl.ds(g0 * GROUP_ROWS, STAGE_GROUPS * GROUP_ROWS), :], buf
    )

    def wave(i, carry):
        base = t0 + i * INNER
        copies = []
        for j in range(INNER):
            t = base + j
            g = t // batch
            b = t % batch
            local = g - g0
            copies.append(
                pltpu.async_copy(
                    buf.at[pl.ds(local * GROUP_ROWS, GROUP_ROWS), :],
                    out_hbm.at[b, pl.ds(g * GROUP_ROWS, GROUP_ROWS), :],
                    sem,
                )
            )
        for c in copies:
            c.wait()
        return carry

    lax.fori_loop(0, waves, wave, None)


def kernel(input_ids, W, gamma, beta):
    batch = input_ids.shape[0]
    assert (GROUPS * batch) % (NW * INNER) == 0

    ln = _layer_norm_table(W, gamma, beta)

    mesh = plsc.VectorSubcoreMesh(core_axis_name="c", subcore_axis_name="s")
    bcast = functools.partial(
        pl.kernel,
        out_type=jax.ShapeDtypeStruct((batch, LABEL_SIZE, HIDDEN), jnp.float32),
        mesh=mesh,
        scratch_types=[
            pltpu.VMEM((STAGE_GROUPS * GROUP_ROWS, HIDDEN), jnp.float32),
            pltpu.SemaphoreType.DMA,
        ],
    )(functools.partial(_bcast_body, batch))
    return bcast(ln)

# --- scband reference (transcript-rebuilt; emitter-appended) ---
"""Pipeline reference for scband-bert-embeddings-label-10780367913480 (READ-ONLY COPY).

The authoritative reference and input builder live on the scoring server;
editing this copy changes nothing except your own understanding.
"""

import jax, jax.numpy as jnp
import numpy as np

LABEL_SIZE = 1000
HIDDEN = 768
EPS = 1e-12
BATCH = 256


def layer_norm(x, gamma, beta, eps):
    mu = jnp.mean(x, axis=-1, keepdims=True)
    var = jnp.mean(jnp.square(x - mu), axis=-1, keepdims=True)
    return (x - mu) / jnp.sqrt(var + eps) * gamma + beta


def setup_inputs(seed: int = 0) -> dict:
    key = jax.random.key(seed)
    k1, k2 = jax.random.split(key, 2)
    input_ids = jax.random.randint(k1, (BATCH,), 0, LABEL_SIZE, dtype=jnp.int64 if jax.config.jax_enable_x64 else jnp.int32)
    W = jax.random.normal(k2, (LABEL_SIZE, HIDDEN), dtype=jnp.float32) * 0.02
    gamma = jnp.ones((HIDDEN,), dtype=jnp.float32)
    beta = jnp.zeros((HIDDEN,), dtype=jnp.float32)
    return {"input_ids": input_ids, "W": W, "gamma": gamma, "beta": beta}


def reference(input_ids, W, gamma, beta):
    # LayerNorm applied to the FULL embedding weight matrix (not a gather)
    emb = layer_norm(W, gamma, beta, EPS)
    # expand to batch dimension; input_ids only contributes its leading dim
    emb = jnp.broadcast_to(emb[None, :, :], (input_ids.shape[0], W.shape[0], W.shape[1]))
    # dropout is identity in eval mode
    return emb

if __name__ == "__main__":
    import jax
    _d = setup_inputs()
    print(jax.jit(kernel)(*tuple(_d.values())))

</pallas_src>

<mosaic_0001>
#map = affine_map<(d0, d1) -> (0, 0)>
#map1 = affine_map<(d0, d1) -> (0, 0, 0)>
module attributes {stable_mosaic.version = 14 : i64} {
  func.func @_bcast_body(%arg0: i32, %arg1: i32, %arg2: memref<1000x768xf32, #tpu.memory_space<hbm>>, %arg3: memref<256x1000x768xf32, #tpu.memory_space<hbm>>, %arg4: memref<80x768xf32, #tpu.memory_space<vmem>>, %arg5: memref<!tpu.dma_semaphore, #tpu.memory_space<semaphore_mem>>) attributes {dimension_semantics = [#tpu.dimension_semantics<core_parallel>, #tpu.dimension_semantics<subcore_parallel>], iteration_bounds = array<i64: 2, 16>, scalar_prefetch = 0 : i64, scratch_operands = 2 : i64, tpu.core_type = #tpu.core_type<sc_vector_subcore>, window_params = [{transform_indices = #map}, {transform_indices = #map1}]} {
    %mul3A = arith.constant 2 : i32
    %mul3A_0 = arith.muli %arg1, %mul3A : i32
    %add3A = arith.addi %mul3A_0, %arg0 : i32
    %mul3A_1 = arith.constant 200 : i32
    %mul3A_2 = arith.muli %add3A, %mul3A_1 : i32
    %jit3A = arith.constant 256 : i32
    %div3A = arith.divsi %mul3A_2, %jit3A : i32
    %sign3A = arith.constant 0 : i32
    %sign3A_3 = arith.cmpi sgt, %mul3A_2, %sign3A : i32
    %sign3A_4 = arith.extui %sign3A_3 : i1 to i32
    %sign3A_5 = arith.constant 0 : i32
    %sign3A_6 = arith.cmpi slt, %mul3A_2, %sign3A_5 : i32
    %sign3A_7 = arith.extui %sign3A_6 : i1 to i32
    %sign3A_8 = arith.subi %sign3A_4, %sign3A_7 : i32
    %sign3A_9 = arith.constant 0 : i32
    %sign3A_10 = arith.cmpi sgt, %jit3A, %sign3A_9 : i32
    %sign3A_11 = arith.extui %sign3A_10 : i1 to i32
    %sign3A_12 = arith.constant 0 : i32
    %sign3A_13 = arith.cmpi slt, %jit3A, %sign3A_12 : i32
    %sign3A_14 = arith.extui %sign3A_13 : i1 to i32
    %sign3A_15 = arith.subi %sign3A_11, %sign3A_14 : i32
    %ne3A = arith.cmpi ne, %sign3A_8, %sign3A_15 : i32
    %rem3A = arith.remsi %mul3A_2, %jit3A : i32
    %ne3A_16 = arith.constant 0 : i32
    %ne3A_17 = arith.cmpi ne, %rem3A, %ne3A_16 : i32
    %and3A = arith.andi %ne3A, %ne3A_17 : i1
    %sub3A = arith.constant 1 : i32
    %sub3A_18 = arith.subi %div3A, %sub3A : i32
    %select_n3A = arith.select %and3A, %sub3A_18, %div3A : i32
    %min3A = arith.constant 23 : i32
    %min3A_19 = arith.minsi %select_n3A, %min3A : i32
    %mul3A_20 = arith.constant 40 : i32
    %mul3A_21 = arith.muli %min3A_19, %mul3A_20 : i32
    "tpu.region"() ({
      %run_scoped3A = tpu.sem_alloc : memref<!tpu.dma_semaphore, #tpu.memory_space<semaphore_mem>>
      %dma_start3A = arith.constant 0 : i32
      %dma_start3A_26 = tpu.memref_slice %arg2[%mul3A_21, %dma_start3A] : memref<1000x768xf32, #tpu.memory_space<hbm>> -> memref<80x768xf32, #tpu.memory_space<hbm>>
      %dma_start3A_27 = arith.constant 0 : i32
      %dma_start3A_28 = tpu.memref_slice %arg2[%mul3A_21, %dma_start3A_27] : memref<1000x768xf32, #tpu.memory_space<hbm>> -> memref<80x768xf32, #tpu.memory_space<hbm>>
      tpu.enqueue_dma source(%dma_start3A_28 : memref<80x768xf32, #tpu.memory_space<hbm>>) target(%arg4 : memref<80x768xf32, #tpu.memory_space<vmem>>) target_semaphore(%run_scoped3A : memref<!tpu.dma_semaphore, #tpu.memory_space<semaphore_mem>>)
      %dma_wait3A = arith.constant 0 : i32
      %dma_wait3A_29 = tpu.memref_slice %arg2[%mul3A_21, %dma_wait3A] : memref<1000x768xf32, #tpu.memory_space<hbm>> -> memref<80x768xf32, #tpu.memory_space<hbm>>
      %dma_wait3A_30 = arith.constant 0 : i32
      %dma_wait3A_31 = tpu.memref_slice %arg2[%mul3A_21, %dma_wait3A_30] : memref<1000x768xf32, #tpu.memory_space<hbm>> -> memref<80x768xf32, #tpu.memory_space<hbm>>
      tpu.wait_dma2 semaphore(%run_scoped3A : memref<!tpu.dma_semaphore, #tpu.memory_space<semaphore_mem>>) src(%dma_wait3A_31 : memref<80x768xf32, #tpu.memory_space<hbm>>) dst(%arg4 : memref<80x768xf32, #tpu.memory_space<vmem>>)
      tpu.yield
    }) : () -> ()
    %scan3A = arith.constant 0 : i32
    %scan3A_22 = arith.constant 5 : i32
    %scan3A_23 = arith.addi %scan3A, %scan3A_22 : i32
    %scan3A_24 = arith.constant 1 : i32
    scf.for %scan3A_26 = %scan3A to %scan3A_23 step %scan3A_24  : i32 {
      %mul3A_27 = arith.constant 40 : i32
      %mul3A_28 = arith.muli %scan3A_26, %mul3A_27 : i32
      %add3A_29 = arith.addi %mul3A_2, %mul3A_28 : i32
      %add3A_30 = arith.constant 0 : i32
      %add3A_31 = arith.addi %add3A_29, %add3A_30 : i32
      %jit3A_32 = arith.constant 256 : i32
      %div3A_33 = arith.divsi %add3A_31, %jit3A_32 : i32
      %sign3A_34 = arith.constant 0 : i32
      %sign3A_35 = arith.cmpi sgt, %add3A_31, %sign3A_34 : i32
      %sign3A_36 = arith.extui %sign3A_35 : i1 to i32
      %sign3A_37 = arith.constant 0 : i32
      %sign3A_38 = arith.cmpi slt, %add3A_31, %sign3A_37 : i32
      %sign3A_39 = arith.extui %sign3A_38 : i1 to i32
      %sign3A_40 = arith.subi %sign3A_36, %sign3A_39 : i32
      %sign3A_41 = arith.constant 0 : i32
      %sign3A_42 = arith.cmpi sgt, %jit3A_32, %sign3A_41 : i32
      %sign3A_43 = arith.extui %sign3A_42 : i1 to i32
      %sign3A_44 = arith.constant 0 : i32
      %sign3A_45 = arith.cmpi slt, %jit3A_32, %sign3A_44 : i32
      %sign3A_46 = arith.extui %sign3A_45 : i1 to i32
      %sign3A_47 = arith.subi %sign3A_43, %sign3A_46 : i32
      %ne3A_48 = arith.cmpi ne, %sign3A_40, %sign3A_47 : i32
      %rem3A_49 = arith.remsi %add3A_31, %jit3A_32 : i32
      %ne3A_50 = arith.constant 0 : i32
      %ne3A_51 = arith.cmpi ne, %rem3A_49, %ne3A_50 : i32
      %and3A_52 = arith.andi %ne3A_48, %ne3A_51 : i1
      %sub3A_53 = arith.constant 1 : i32
      %sub3A_54 = arith.subi %div3A_33, %sub3A_53 : i32
      %select_n3A_55 = arith.select %and3A_52, %sub3A_54, %div3A_33 : i32
      %jit3A_56 = arith.constant 256 : i32
      %eq3A = arith.constant 0 : i32
      %eq3A_57 = arith.cmpi eq, %jit3A_56, %eq3A : i32
      %jit3A_58 = arith.constant 1 : i32
      %select_n3A_59 = arith.select %eq3A_57, %jit3A_58, %jit3A_56 : i32
      %rem3A_60 = arith.remsi %add3A_31, %select_n3A_59 : i32
      %ne3A_61 = arith.constant 0 : i32
      %ne3A_62 = arith.cmpi ne, %rem3A_60, %ne3A_61 : i32
      %lt3A = arith.constant 0 : i32
      %lt3A_63 = arith.cmpi slt, %rem3A_60, %lt3A : i32
      %lt3A_64 = arith.constant 0 : i32
      %lt3A_65 = arith.cmpi slt, %select_n3A_59, %lt3A_64 : i32
      %ne3A_66 = arith.xori %lt3A_63, %lt3A_65 : i1
      %and3A_67 = arith.andi %ne3A_66, %ne3A_62 : i1
      %add3A_68 = arith.addi %rem3A_60, %select_n3A_59 : i32
      %select_n3A_69 = arith.select %and3A_67, %add3A_68, %rem3A_60 : i32
      %sub3A_70 = arith.subi %select_n3A_55, %min3A_19 : i32
      %mul3A_71 = arith.constant 40 : i32
      %mul3A_72 = arith.muli %sub3A_70, %mul3A_71 : i32
      %mul3A_73 = arith.constant 40 : i32
      %mul3A_74 = arith.muli %select_n3A_55, %mul3A_73 : i32
      %dma_start3A = arith.constant 0 : i32
      %dma_start3A_75 = tpu.memref_slice %arg4[%mul3A_72, %dma_start3A] : memref<80x768xf32, #tpu.memory_space<vmem>> -> memref<40x768xf32, #tpu.memory_space<vmem>>
      %dma_start3A_76 = arith.constant 0 : i32
      %dma_start3A_77 = tpu.memref_slice %arg3[%select_n3A_69, %mul3A_74, %dma_start3A_76] : memref<256x1000x768xf32, #tpu.memory_space<hbm>> -> memref<1x40x768xf32, #tpu.memory_space<hbm>>
      %dma_start3A_78 = tpu.memref_squeeze %dma_start3A_77 : memref<1x40x768xf32, #tpu.memory_space<hbm>> -> memref<40x768xf32, #tpu.memory_space<hbm>>
      %dma_start3A_79 = arith.constant 0 : i32
      %dma_start3A_80 = tpu.memref_slice %arg3[%select_n3A_69, %mul3A_74, %dma_start3A_79] : memref<256x1000x768xf32, #tpu.memory_space<hbm>> -> memref<1x40x768xf32, #tpu.memory_space<hbm>>
      %dma_start3A_81 = tpu.memref_squeeze %dma_start3A_80 : memref<1x40x768xf32, #tpu.memory_space<hbm>> -> memref<40x768xf32, #tpu.memory_space<hbm>>
      %dma_start3A_82 = arith.constant 0 : i32
      %dma_start3A_83 = tpu.memref_slice %arg4[%mul3A_72, %dma_start3A_82] : memref<80x768xf32, #tpu.memory_space<vmem>> -> memref<40x768xf32, #tpu.memory_space<vmem>>
      tpu.enqueue_dma source(%dma_start3A_83 : memref<40x768xf32, #tpu.memory_space<vmem>>) target(%dma_start3A_81 : memref<40x768xf32, #tpu.memory_space<hbm>>) target_semaphore(%arg5 : memref<!tpu.dma_semaphore, #tpu.memory_space<semaphore_mem>>)
      %add3A_84 = arith.constant 1 : i32
      %add3A_85 = arith.addi %add3A_29, %add3A_84 : i32
      %jit3A_86 = arith.constant 256 : i32
      %div3A_87 = arith.divsi %add3A_85, %jit3A_86 : i32
      %sign3A_88 = arith.constant 0 : i32
      %sign3A_89 = arith.cmpi sgt, %add3A_85, %sign3A_88 : i32
      %sign3A_90 = arith.extui %sign3A_89 : i1 to i32
      %sign3A_91 = arith.constant 0 : i32
      %sign3A_92 = arith.cmpi slt, %add3A_85, %sign3A_91 : i32
      %sign3A_93 = arith.extui %sign3A_92 : i1 to i32
      %sign3A_94 = arith.subi %sign3A_90, %sign3A_93 : i32
      %sign3A_95 = arith.constant 0 : i32
      %sign3A_96 = arith.cmpi sgt, %jit3A_86, %sign3A_95 : i32
      %sign3A_97 = arith.extui %sign3A_96 : i1 to i32
      %sign3A_98 = arith.constant 0 : i32
      %sign3A_99 = arith.cmpi slt, %jit3A_86, %sign3A_98 : i32
      %sign3A_100 = arith.extui %sign3A_99 : i1 to i32
      %sign3A_101 = arith.subi %sign3A_97, %sign3A_100 : i32
      %ne3A_102 = arith.cmpi ne, %sign3A_94, %sign3A_101 : i32
      %rem3A_103 = arith.remsi %add3A_85, %jit3A_86 : i32
      %ne3A_104 = arith.constant 0 : i32
      %ne3A_105 = arith.cmpi ne, %rem3A_103, %ne3A_104 : i32
      %and3A_106 = arith.andi %ne3A_102, %ne3A_105 : i1
      %sub3A_107 = arith.constant 1 : i32
      %sub3A_108 = arith.subi %div3A_87, %sub3A_107 : i32
      %select_n3A_109 = arith.select %and3A_106, %sub3A_108, %div3A_87 : i32
      %jit3A_110 = arith.constant 256 : i32
      %eq3A_111 = arith.constant 0 : i32
      %eq3A_112 = arith.cmpi eq, %jit3A_110, %eq3A_111 : i32
      %jit3A_113 = arith.constant 1 : i32
      %select_n3A_114 = arith.select %eq3A_112, %jit3A_113, %jit3A_110 : i32
      %rem3A_115 = arith.remsi %add3A_85, %select_n3A_114 : i32
      %ne3A_116 = arith.constant 0 : i32
      %ne3A_117 = arith.cmpi ne, %rem3A_115, %ne3A_116 : i32
      %lt3A_118 = arith.constant 0 : i32
      %lt3A_119 = arith.cmpi slt, %rem3A_115, %lt3A_118 : i32
      %lt3A_120 = arith.constant 0 : i32
      %lt3A_121 = arith.cmpi slt, %select_n3A_114, %lt3A_120 : i32
      %ne3A_122 = arith.xori %lt3A_119, %lt3A_121 : i1
      %and3A_123 = arith.andi %ne3A_122, %ne3A_117 : i1
      %add3A_124 = arith.addi %rem3A_115, %select_n3A_114 : i32
      %select_n3A_125 = arith.select %and3A_123, %add3A_124, %rem3A_115 : i32
      %sub3A_126 = arith.subi %select_n3A_109, %min3A_19 : i32
      %mul3A_127 = arith.constant 40 : i32
      %mul3A_128 = arith.muli %sub3A_126, %mul3A_127 : i32
      %mul3A_129 = arith.constant 40 : i32
      %mul3A_130 = arith.muli %select_n3A_109, %mul3A_129 : i32
      %dma_start3A_131 = arith.constant 0 : i32
      %dma_start3A_132 = tpu.memref_slice %arg4[%mul3A_128, %dma_start3A_131] : memref<80x768xf32, #tpu.memory_space<vmem>> -> memref<40x768xf32, #tpu.memory_space<vmem>>
      %dma_start3A_133 = arith.constant 0 : i32
      %dma_start3A_134 = tpu.memref_slice %arg3[%select_n3A_125, %mul3A_130, %dma_start3A_133] : memref<256x1000x768xf32, #tpu.memory_space<hbm>> -> memref<1x40x768xf32, #tpu.memory_space<hbm>>
      %dma_start3A_135 = tpu.memref_squeeze %dma_start3A_134 : memref<1x40x768xf32, #tpu.memory_space<hbm>> -> memref<40x768xf32, #tpu.memory_space<hbm>>
      %dma_start3A_136 = arith.constant 0 : i32
      %dma_start3A_137 = tpu.memref_slice %arg3[%select_n3A_125, %mul3A_130, %dma_start3A_136] : memref<256x1000x768xf32, #tpu.memory_space<hbm>> -> memref<1x40x768xf32, #tpu.memory_space<hbm>>
      %dma_start3A_138 = tpu.memref_squeeze %dma_start3A_137 : memref<1x40x768xf32, #tpu.memory_space<hbm>> -> memref<40x768xf32, #tpu.memory_space<hbm>>
      %dma_start3A_139 = arith.constant 0 : i32
      %dma_start3A_140 = tpu.memref_slice %arg4[%mul3A_128, %dma_start3A_139] : memref<80x768xf32, #tpu.memory_space<vmem>> -> memref<40x768xf32, #tpu.memory_space<vmem>>
      tpu.enqueue_dma source(%dma_start3A_140 : memref<40x768xf32, #tpu.memory_space<vmem>>) target(%dma_start3A_138 : memref<40x768xf32, #tpu.memory_space<hbm>>) target_semaphore(%arg5 : memref<!tpu.dma_semaphore, #tpu.memory_space<semaphore_mem>>)
      %add3A_141 = arith.constant 2 : i32
      %add3A_142 = arith.addi %add3A_29, %add3A_141 : i32
      %jit3A_143 = arith.constant 256 : i32
      %div3A_144 = arith.divsi %add3A_142, %jit3A_143 : i32
      %sign3A_145 = arith.constant 0 : i32
      %sign3A_146 = arith.cmpi sgt, %add3A_142, %sign3A_145 : i32
      %sign3A_147 = arith.extui %sign3A_146 : i1 to i32
      %sign3A_148 = arith.constant 0 : i32
      %sign3A_149 = arith.cmpi slt, %add3A_142, %sign3A_148 : i32
      %sign3A_150 = arith.extui %sign3A_149 : i1 to i32
      %sign3A_151 = arith.subi %sign3A_147, %sign3A_150 : i32
      %sign3A_152 = arith.constant 0 : i32
      %sign3A_153 = arith.cmpi sgt, %jit3A_143, %sign3A_152 : i32
      %sign3A_154 = arith.extui %sign3A_153 : i1 to i32
      %sign3A_155 = arith.constant 0 : i32
      %sign3A_156 = arith.cmpi slt, %jit3A_143, %sign3A_155 : i32
      %sign3A_157 = arith.extui %sign3A_156 : i1 to i32
      %sign3A_158 = arith.subi %sign3A_154, %sign3A_157 : i32
      %ne3A_159 = arith.cmpi ne, %sign3A_151, %sign3A_158 : i32
      %rem3A_160 = arith.remsi %add3A_142, %jit3A_143 : i32
      %ne3A_161 = arith.constant 0 : i32
      %ne3A_162 = arith.cmpi ne, %rem3A_160, %ne3A_161 : i32
      %and3A_163 = arith.andi %ne3A_159, %ne3A_162 : i1
      %sub3A_164 = arith.constant 1 : i32
      %sub3A_165 = arith.subi %div3A_144, %sub3A_164 : i32
      %select_n3A_166 = arith.select %and3A_163, %sub3A_165, %div3A_144 : i32
      %jit3A_167 = arith.constant 256 : i32
      %eq3A_168 = arith.constant 0 : i32
      %eq3A_169 = arith.cmpi eq, %jit3A_167, %eq3A_168 : i32
      %jit3A_170 = arith.constant 1 : i32
      %select_n3A_171 = arith.select %eq3A_169, %jit3A_170, %jit3A_167 : i32
      %rem3A_172 = arith.remsi %add3A_142, %select_n3A_171 : i32
      %ne3A_173 = arith.constant 0 : i32
      %ne3A_174 = arith.cmpi ne, %rem3A_172, %ne3A_173 : i32
      %lt3A_175 = arith.constant 0 : i32
      %lt3A_176 = arith.cmpi slt, %rem3A_172, %lt3A_175 : i32
      %lt3A_177 = arith.constant 0 : i32
      %lt3A_178 = arith.cmpi slt, %select_n3A_171, %lt3A_177 : i32
      %ne3A_179 = arith.xori %lt3A_176, %lt3A_178 : i1
      %and3A_180 = arith.andi %ne3A_179, %ne3A_174 : i1
      %add3A_181 = arith.addi %rem3A_172, %select_n3A_171 : i32
      %select_n3A_182 = arith.select %and3A_180, %add3A_181, %rem3A_172 : i32
      %sub3A_183 = arith.subi %select_n3A_166, %min3A_19 : i32
      %mul3A_184 = arith.constant 40 : i32
      %mul3A_185 = arith.muli %sub3A_183, %mul3A_184 : i32
      %mul3A_186 = arith.constant 40 : i32
      %mul3A_187 = arith.muli %select_n3A_166, %mul3A_186 : i32
      %dma_start3A_188 = arith.constant 0 : i32
      %dma_start3A_189 = tpu.memref_slice %arg4[%mul3A_185, %dma_start3A_188] : memref<80x768xf32, #tpu.memory_space<vmem>> -> memref<40x768xf32, #tpu.memory_space<vmem>>
      %dma_start3A_190 = arith.constant 0 : i32
      %dma_start3A_191 = tpu.memref_slice %arg3[%select_n3A_182, %mul3A_187, %dma_start3A_190] : memref<256x1000x768xf32, #tpu.memory_space<hbm>> -> memref<1x40x768xf32, #tpu.memory_space<hbm>>
      %dma_start3A_192 = tpu.memref_squeeze %dma_start3A_191 : memref<1x40x768xf32, #tpu.memory_space<hbm>> -> memref<40x768xf32, #tpu.memory_space<hbm>>
      %dma_start3A_193 = arith.constant 0 : i32
      %dma_start3A_194 = tpu.memref_slice %arg3[%select_n3A_182, %mul3A_187, %dma_start3A_193] : memref<256x1000x768xf32, #tpu.memory_space<hbm>> -> memref<1x40x768xf32, #tpu.memory_space<hbm>>
      %dma_start3A_195 = tpu.memref_squeeze %dma_start3A_194 : memref<1x40x768xf32, #tpu.memory_space<hbm>> -> memref<40x768xf32, #tpu.memory_space<hbm>>
      %dma_start3A_196 = arith.constant 0 : i32
      %dma_start3A_197 = tpu.memref_slice %arg4[%mul3A_185, %dma_start3A_196] : memref<80x768xf32, #tpu.memory_space<vmem>> -> memref<40x768xf32, #tpu.memory_space<vmem>>
      tpu.enqueue_dma source(%dma_start3A_197 : memref<40x768xf32, #tpu.memory_space<vmem>>) target(%dma_start3A_195 : memref<40x768xf32, #tpu.memory_space<hbm>>) target_semaphore(%arg5 : memref<!tpu.dma_semaphore, #tpu.memory_space<semaphore_mem>>)
      %add3A_198 = arith.constant 3 : i32
      %add3A_199 = arith.addi %add3A_29, %add3A_198 : i32
      %jit3A_200 = arith.constant 256 : i32
      %div3A_201 = arith.divsi %add3A_199, %jit3A_200 : i32
      %sign3A_202 = arith.constant 0 : i32
      %sign3A_203 = arith.cmpi sgt, %add3A_199, %sign3A_202 : i32
      %sign3A_204 = arith.extui %sign3A_203 : i1 to i32
      %sign3A_205 = arith.constant 0 : i32
      %sign3A_206 = arith.cmpi slt, %add3A_199, %sign3A_205 : i32
      %sign3A_207 = arith.extui %sign3A_206 : i1 to i32
      %sign3A_208 = arith.subi %sign3A_204, %sign3A_207 : i32
      %sign3A_209 = arith.constant 0 : i32
      %sign3A_210 = arith.cmpi sgt, %jit3A_200, %sign3A_209 : i32
      %sign3A_211 = arith.extui %sign3A_210 : i1 to i32
      %sign3A_212 = arith.constant 0 : i32
      %sign3A_213 = arith.cmpi slt, %jit3A_200, %sign3A_212 : i32
      %sign3A_214 = arith.extui %sign3A_213 : i1 to i32
      %sign3A_215 = arith.subi %sign3A_211, %sign3A_214 : i32
      %ne3A_216 = arith.cmpi ne, %sign3A_208, %sign3A_215 : i32
      %rem3A_217 = arith.remsi %add3A_199, %jit3A_200 : i32
      %ne3A_218 = arith.constant 0 : i32
      %ne3A_219 = arith.cmpi ne, %rem3A_217, %ne3A_218 : i32
      %and3A_220 = arith.andi %ne3A_216, %ne3A_219 : i1
      %sub3A_221 = arith.constant 1 : i32
      %sub3A_222 = arith.subi %div3A_201, %sub3A_221 : i32
      %select_n3A_223 = arith.select %and3A_220, %sub3A_222, %div3A_201 : i32
      %jit3A_224 = arith.constant 256 : i32
      %eq3A_225 = arith.constant 0 : i32
      %eq3A_226 = arith.cmpi eq, %jit3A_224, %eq3A_225 : i32
      %jit3A_227 = arith.constant 1 : i32
      %select_n3A_228 = arith.select %eq3A_226, %jit3A_227, %jit3A_224 : i32
      %rem3A_229 = arith.remsi %add3A_199, %select_n3A_228 : i32
      %ne3A_230 = arith.constant 0 : i32
      %ne3A_231 = arith.cmpi ne, %rem3A_229, %ne3A_230 : i32
      %lt3A_232 = arith.constant 0 : i32
      %lt3A_233 = arith.cmpi slt, %rem3A_229, %lt3A_232 : i32
      %lt3A_234 = arith.constant 0 : i32
      %lt3A_235 = arith.cmpi slt, %select_n3A_228, %lt3A_234 : i32
      %ne3A_236 = arith.xori %lt3A_233, %lt3A_235 : i1
      %and3A_237 = arith.andi %ne3A_236, %ne3A_231 : i1
      %add3A_238 = arith.addi %rem3A_229, %select_n3A_228 : i32
      %select_n3A_239 = arith.select %and3A_237, %add3A_238, %rem3A_229 : i32
      %sub3A_240 = arith.subi %select_n3A_223, %min3A_19 : i32
      %mul3A_241 = arith.constant 40 : i32
      %mul3A_242 = arith.muli %sub3A_240, %mul3A_241 : i32
      %mul3A_243 = arith.constant 40 : i32
      %mul3A_244 = arith.muli %select_n3A_223, %mul3A_243 : i32
      %dma_start3A_245 = arith.constant 0 : i32
      %dma_start3A_246 = tpu.memref_slice %arg4[%mul3A_242, %dma_start3A_245] : memref<80x768xf32, #tpu.memory_space<vmem>> -> memref<40x768xf32, #tpu.memory_space<vmem>>
      %dma_start3A_247 = arith.constant 0 : i32
      %dma_start3A_248 = tpu.memref_slice %arg3[%select_n3A_239, %mul3A_244, %dma_start3A_247] : memref<256x1000x768xf32, #tpu.memory_space<hbm>> -> memref<1x40x768xf32, #tpu.memory_space<hbm>>
      %dma_start3A_249 = tpu.memref_squeeze %dma_start3A_248 : memref<1x40x768xf32, #tpu.memory_space<hbm>> -> memref<40x768xf32, #tpu.memory_space<hbm>>
      %dma_start3A_250 = arith.constant 0 : i32
      %dma_start3A_251 = tpu.memref_slice %arg3[%select_n3A_239, %mul3A_244, %dma_start3A_250] : memref<256x1000x768xf32, #tpu.memory_space<hbm>> -> memref<1x40x768xf32, #tpu.memory_space<hbm>>
      %dma_start3A_252 = tpu.memref_squeeze %dma_start3A_251 : memref<1x40x768xf32, #tpu.memory_space<hbm>> -> memref<40x768xf32, #tpu.memory_space<hbm>>
      %dma_start3A_253 = arith.constant 0 : i32
      %dma_start3A_254 = tpu.memref_slice %arg4[%mul3A_242, %dma_start3A_253] : memref<80x768xf32, #tpu.memory_space<vmem>> -> memref<40x768xf32, #tpu.memory_space<vmem>>
      tpu.enqueue_dma source(%dma_start3A_254 : memref<40x768xf32, #tpu.memory_space<vmem>>) target(%dma_start3A_252 : memref<40x768xf32, #tpu.memory_space<hbm>>) target_semaphore(%arg5 : memref<!tpu.dma_semaphore, #tpu.memory_space<semaphore_mem>>)
      %add3A_255 = arith.constant 4 : i32
      %add3A_256 = arith.addi %add3A_29, %add3A_255 : i32
      %jit3A_257 = arith.constant 256 : i32
      %div3A_258 = arith.divsi %add3A_256, %jit3A_257 : i32
      %sign3A_259 = arith.constant 0 : i32
      %sign3A_260 = arith.cmpi sgt, %add3A_256, %sign3A_259 : i32
      %sign3A_261 = arith.extui %sign3A_260 : i1 to i32
      %sign3A_262 = arith.constant 0 : i32
      %sign3A_263 = arith.cmpi slt, %add3A_256, %sign3A_262 : i32
      %sign3A_264 = arith.extui %sign3A_263 : i1 to i32
      %sign3A_265 = arith.subi %sign3A_261, %sign3A_264 : i32
      %sign3A_266 = arith.constant 0 : i32
      %sign3A_267 = arith.cmpi sgt, %jit3A_257, %sign3A_266 : i32
      %sign3A_268 = arith.extui %sign3A_267 : i1 to i32
      %sign3A_269 = arith.constant 0 : i32
      %sign3A_270 = arith.cmpi slt, %jit3A_257, %sign3A_269 : i32
      %sign3A_271 = arith.extui %sign3A_270 : i1 to i32
      %sign3A_272 = arith.subi %sign3A_268, %sign3A_271 : i32
      %ne3A_273 = arith.cmpi ne, %sign3A_265, %sign3A_272 : i32
      %rem3A_274 = arith.remsi %add3A_256, %jit3A_257 : i32
      %ne3A_275 = arith.constant 0 : i32
      %ne3A_276 = arith.cmpi ne, %rem3A_274, %ne3A_275 : i32
      %and3A_277 = arith.andi %ne3A_273, %ne3A_276 : i1
      %sub3A_278 = arith.constant 1 : i32
      %sub3A_279 = arith.subi %div3A_258, %sub3A_278 : i32
      %select_n3A_280 = arith.select %and3A_277, %sub3A_279, %div3A_258 : i32
      %jit3A_281 = arith.constant 256 : i32
      %eq3A_282 = arith.constant 0 : i32
      %eq3A_283 = arith.cmpi eq, %jit3A_281, %eq3A_282 : i32
      %jit3A_284 = arith.constant 1 : i32
      %select_n3A_285 = arith.select %eq3A_283, %jit3A_284, %jit3A_281 : i32
      %rem3A_286 = arith.remsi %add3A_256, %select_n3A_285 : i32
      %ne3A_287 = arith.constant 0 : i32
      %ne3A_288 = arith.cmpi ne, %rem3A_286, %ne3A_287 : i32
      %lt3A_289 = arith.constant 0 : i32
      %lt3A_290 = arith.cmpi slt, %rem3A_286, %lt3A_289 : i32
      %lt3A_291 = arith.constant 0 : i32
      %lt3A_292 = arith.cmpi slt, %select_n3A_285, %lt3A_291 : i32
      %ne3A_293 = arith.xori %lt3A_290, %lt3A_292 : i1
      %and3A_294 = arith.andi %ne3A_293, %ne3A_288 : i1
      %add3A_295 = arith.addi %rem3A_286, %select_n3A_285 : i32
      %select_n3A_296 = arith.select %and3A_294, %add3A_295, %rem3A_286 : i32
      %sub3A_297 = arith.subi %select_n3A_280, %min3A_19 : i32
      %mul3A_298 = arith.constant 40 : i32
      %mul3A_299 = arith.muli %sub3A_297, %mul3A_298 : i32
      %mul3A_300 = arith.constant 40 : i32
      %mul3A_301 = arith.muli %select_n3A_280, %mul3A_300 : i32
      %dma_start3A_302 = arith.constant 0 : i32
      %dma_start3A_303 = tpu.memref_slice %arg4[%mul3A_299, %dma_start3A_302] : memref<80x768xf32, #tpu.memory_space<vmem>> -> memref<40x768xf32, #tpu.memory_space<vmem>>
      %dma_start3A_304 = arith.constant 0 : i32
      %dma_start3A_305 = tpu.memref_slice %arg3[%select_n3A_296, %mul3A_301, %dma_start3A_304] : memref<256x1000x768xf32, #tpu.memory_space<hbm>> -> memref<1x40x768xf32, #tpu.memory_space<hbm>>
      %dma_start3A_306 = tpu.memref_squeeze %dma_start3A_305 : memref<1x40x768xf32, #tpu.memory_space<hbm>> -> memref<40x768xf32, #tpu.memory_space<hbm>>
      %dma_start3A_307 = arith.constant 0 : i32
      %dma_start3A_308 = tpu.memref_slice %arg3[%select_n3A_296, %mul3A_301, %dma_start3A_307] : memref<256x1000x768xf32, #tpu.memory_space<hbm>> -> memref<1x40x768xf32, #tpu.memory_space<hbm>>
      %dma_start3A_309 = tpu.memref_squeeze %dma_start3A_308 : memref<1x40x768xf32, #tpu.memory_space<hbm>> -> memref<40x768xf32, #tpu.memory_space<hbm>>
      %dma_start3A_310 = arith.constant 0 : i32
      %dma_start3A_311 = tpu.memref_slice %arg4[%mul3A_299, %dma_start3A_310] : memref<80x768xf32, #tpu.memory_space<vmem>> -> memref<40x768xf32, #tpu.memory_space<vmem>>
      tpu.enqueue_dma source(%dma_start3A_311 : memref<40x768xf32, #tpu.memory_space<vmem>>) target(%dma_start3A_309 : memref<40x768xf32, #tpu.memory_space<hbm>>) target_semaphore(%arg5 : memref<!tpu.dma_semaphore, #tpu.memory_space<semaphore_mem>>)
      %add3A_312 = arith.constant 5 : i32
      %add3A_313 = arith.addi %add3A_29, %add3A_312 : i32
      %jit3A_314 = arith.constant 256 : i32
      %div3A_315 = arith.divsi %add3A_313, %jit3A_314 : i32
      %sign3A_316 = arith.constant 0 : i32
      %sign3A_317 = arith.cmpi sgt, %add3A_313, %sign3A_316 : i32
      %sign3A_318 = arith.extui %sign3A_317 : i1 to i32
      %sign3A_319 = arith.constant 0 : i32
      %sign3A_320 = arith.cmpi slt, %add3A_313, %sign3A_319 : i32
      %sign3A_321 = arith.extui %sign3A_320 : i1 to i32
      %sign3A_322 = arith.subi %sign3A_318, %sign3A_321 : i32
      %sign3A_323 = arith.constant 0 : i32
      %sign3A_324 = arith.cmpi sgt, %jit3A_314, %sign3A_323 : i32
      %sign3A_325 = arith.extui %sign3A_324 : i1 to i32
      %sign3A_326 = arith.constant 0 : i32
      %sign3A_327 = arith.cmpi slt, %jit3A_314, %sign3A_326 : i32
      %sign3A_328 = arith.extui %sign3A_327 : i1 to i32
      %sign3A_329 = arith.subi %sign3A_325, %sign3A_328 : i32
      %ne3A_330 = arith.cmpi ne, %sign3A_322, %sign3A_329 : i32
      %rem3A_331 = arith.remsi %add3A_313, %jit3A_314 : i32
      %ne3A_332 = arith.constant 0 : i32
      %ne3A_333 = arith.cmpi ne, %rem3A_331, %ne3A_332 : i32
      %and3A_334 = arith.andi %ne3A_330, %ne3A_333 : i1
      %sub3A_335 = arith.constant 1 : i32
      %sub3A_336 = arith.subi %div3A_315, %sub3A_335 : i32
      %select_n3A_337 = arith.select %and3A_334, %sub3A_336, %div3A_315 : i32
      %jit3A_338 = arith.constant 256 : i32
      %eq3A_339 = arith.constant 0 : i32
      %eq3A_340 = arith.cmpi eq, %jit3A_338, %eq3A_339 : i32
      %jit3A_341 = arith.constant 1 : i32
      %select_n3A_342 = arith.select %eq3A_340, %jit3A_341, %jit3A_338 : i32
      %rem3A_343 = arith.remsi %add3A_313, %select_n3A_342 : i32
      %ne3A_344 = arith.constant 0 : i32
      %ne3A_345 = arith.cmpi ne, %rem3A_343, %ne3A_344 : i32
      %lt3A_346 = arith.constant 0 : i32
      %lt3A_347 = arith.cmpi slt, %rem3A_343, %lt3A_346 : i32
      %lt3A_348 = arith.constant 0 : i32
      %lt3A_349 = arith.cmpi slt, %select_n3A_342, %lt3A_348 : i32
      %ne3A_350 = arith.xori %lt3A_347, %lt3A_349 : i1
      %and3A_351 = arith.andi %ne3A_350, %ne3A_345 : i1
      %add3A_352 = arith.addi %rem3A_343, %select_n3A_342 : i32
      %select_n3A_353 = arith.select %and3A_351, %add3A_352, %rem3A_343 : i32
      %sub3A_354 = arith.subi %select_n3A_337, %min3A_19 : i32
      %mul3A_355 = arith.constant 40 : i32
      %mul3A_356 = arith.muli %sub3A_354, %mul3A_355 : i32
      %mul3A_357 = arith.constant 40 : i32
      %mul3A_358 = arith.muli %select_n3A_337, %mul3A_357 : i32
      %dma_start3A_359 = arith.constant 0 : i32
      %dma_start3A_360 = tpu.memref_slice %arg4[%mul3A_356, %dma_start3A_359] : memref<80x768xf32, #tpu.memory_space<vmem>> -> memref<40x768xf32, #tpu.memory_space<vmem>>
      %dma_start3A_361 = arith.constant 0 : i32
      %dma_start3A_362 = tpu.memref_slice %arg3[%select_n3A_353, %mul3A_358, %dma_start3A_361] : memref<256x1000x768xf32, #tpu.memory_space<hbm>> -> memref<1x40x768xf32, #tpu.memory_space<hbm>>
      %dma_start3A_363 = tpu.memref_squeeze %dma_start3A_362 : memref<1x40x768xf32, #tpu.memory_space<hbm>> -> memref<40x768xf32, #tpu.memory_space<hbm>>
      %dma_start3A_364 = arith.constant 0 : i32
      %dma_start3A_365 = tpu.memref_slice %arg3[%select_n3A_353, %mul3A_358, %dma_start3A_364] : memref<256x1000x768xf32, #tpu.memory_space<hbm>> -> memref<1x40x768xf32, #tpu.memory_space<hbm>>
      %dma_start3A_366 = tpu.memref_squeeze %dma_start3A_365 : memref<1x40x768xf32, #tpu.memory_space<hbm>> -> memref<40x768xf32, #tpu.memory_space<hbm>>
      %dma_start3A_367 = arith.constant 0 : i32
      %dma_start3A_368 = tpu.memref_slice %arg4[%mul3A_356, %dma_start3A_367] : memref<80x768xf32, #tpu.memory_space<vmem>> -> memref<40x768xf32, #tpu.memory_space<vmem>>
      tpu.enqueue_dma source(%dma_start3A_368 : memref<40x768xf32, #tpu.memory_space<vmem>>) target(%dma_start3A_366 : memref<40x768xf32, #tpu.memory_space<hbm>>) target_semaphore(%arg5 : memref<!tpu.dma_semaphore, #tpu.memory_space<semaphore_mem>>)
      %add3A_369 = arith.constant 6 : i32
      %add3A_370 = arith.addi %add3A_29, %add3A_369 : i32
      %jit3A_371 = arith.constant 256 : i32
      %div3A_372 = arith.divsi %add3A_370, %jit3A_371 : i32
      %sign3A_373 = arith.constant 0 : i32
      %sign3A_374 = arith.cmpi sgt, %add3A_370, %sign3A_373 : i32
      %sign3A_375 = arith.extui %sign3A_374 : i1 to i32
      %sign3A_376 = arith.constant 0 : i32
      %sign3A_377 = arith.cmpi slt, %add3A_370, %sign3A_376 : i32
      %sign3A_378 = arith.extui %sign3A_377 : i1 to i32
      %sign3A_379 = arith.subi %sign3A_375, %sign3A_378 : i32
      %sign3A_380 = arith.constant 0 : i32
      %sign3A_381 = arith.cmpi sgt, %jit3A_371, %sign3A_380 : i32
      %sign3A_382 = arith.extui %sign3A_381 : i1 to i32
      %sign3A_383 = arith.constant 0 : i32
      %sign3A_384 = arith.cmpi slt, %jit3A_371, %sign3A_383 : i32
      %sign3A_385 = arith.extui %sign3A_384 : i1 to i32
      %sign3A_386 = arith.subi %sign3A_382, %sign3A_385 : i32
      %ne3A_387 = arith.cmpi ne, %sign3A_379, %sign3A_386 : i32
      %rem3A_388 = arith.remsi %add3A_370, %jit3A_371 : i32
      %ne3A_389 = arith.constant 0 : i32
      %ne3A_390 = arith.cmpi ne, %rem3A_388, %ne3A_389 : i32
      %and3A_391 = arith.andi %ne3A_387, %ne3A_390 : i1
      %sub3A_392 = arith.constant 1 : i32
      %sub3A_393 = arith.subi %div3A_372, %sub3A_392 : i32
      %select_n3A_394 = arith.select %and3A_391, %sub3A_393, %div3A_372 : i32
      %jit3A_395 = arith.constant 256 : i32
      %eq3A_396 = arith.constant 0 : i32
      %eq3A_397 = arith.cmpi eq, %jit3A_395, %eq3A_396 : i32
      %jit3A_398 = arith.constant 1 : i32
      %select_n3A_399 = arith.select %eq3A_397, %jit3A_398, %jit3A_395 : i32
      %rem3A_400 = arith.remsi %add3A_370, %select_n3A_399 : i32
      %ne3A_401 = arith.constant 0 : i32
      %ne3A_402 = arith.cmpi ne, %rem3A_400, %ne3A_401 : i32
      %lt3A_403 = arith.constant 0 : i32
      %lt3A_404 = arith.cmpi slt, %rem3A_400, %lt3A_403 : i32
      %lt3A_405 = arith.constant 0 : i32
      %lt3A_406 = arith.cmpi slt, %select_n3A_399, %lt3A_405 : i32
      %ne3A_407 = arith.xori %lt3A_404, %lt3A_406 : i1
      %and3A_408 = arith.andi %ne3A_407, %ne3A_402 : i1
      %add3A_409 = arith.addi %rem3A_400, %select_n3A_399 : i32
      %select_n3A_410 = arith.select %and3A_408, %add3A_409, %rem3A_400 : i32
      %sub3A_411 = arith.subi %select_n3A_394, %min3A_19 : i32
      %mul3A_412 = arith.constant 40 : i32
      %mul3A_413 = arith.muli %sub3A_411, %mul3A_412 : i32
      %mul3A_414 = arith.constant 40 : i32
      %mul3A_415 = arith.muli %select_n3A_394, %mul3A_414 : i32
      %dma_start3A_416 = arith.constant 0 : i32
      %dma_start3A_417 = tpu.memref_slice %arg4[%mul3A_413, %dma_start3A_416] : memref<80x768xf32, #tpu.memory_space<vmem>> -> memref<40x768xf32, #tpu.memory_space<vmem>>
      %dma_start3A_418 = arith.constant 0 : i32
      %dma_start3A_419 = tpu.memref_slice %arg3[%select_n3A_410, %mul3A_415, %dma_start3A_418] : memref<256x1000x768xf32, #tpu.memory_space<hbm>> -> memref<1x40x768xf32, #tpu.memory_space<hbm>>
      %dma_start3A_420 = tpu.memref_squeeze %dma_start3A_419 : memref<1x40x768xf32, #tpu.memory_space<hbm>> -> memref<40x768xf32, #tpu.memory_space<hbm>>
      %dma_start3A_421 = arith.constant 0 : i32
      %dma_start3A_422 = tpu.memref_slice %arg3[%select_n3A_410, %mul3A_415, %dma_start3A_421] : memref<256x1000x768xf32, #tpu.memory_space<hbm>> -> memref<1x40x768xf32, #tpu.memory_space<hbm>>
      %dma_start3A_423 = tpu.memref_squeeze %dma_start3A_422 : memref<1x40x768xf32, #tpu.memory_space<hbm>> -> memref<40x768xf32, #tpu.memory_space<hbm>>
      %dma_start3A_424 = arith.constant 0 : i32
      %dma_start3A_425 = tpu.memref_slice %arg4[%mul3A_413, %dma_start3A_424] : memref<80x768xf32, #tpu.memory_space<vmem>> -> memref<40x768xf32, #tpu.memory_space<vmem>>
      tpu.enqueue_dma source(%dma_start3A_425 : memref<40x768xf32, #tpu.memory_space<vmem>>) target(%dma_start3A_423 : memref<40x768xf32, #tpu.memory_space<hbm>>) target_semaphore(%arg5 : memref<!tpu.dma_semaphore, #tpu.memory_space<semaphore_mem>>)
      %add3A_426 = arith.constant 7 : i32
      %add3A_427 = arith.addi %add3A_29, %add3A_426 : i32
      %jit3A_428 = arith.constant 256 : i32
      %div3A_429 = arith.divsi %add3A_427, %jit3A_428 : i32
      %sign3A_430 = arith.constant 0 : i32
      %sign3A_431 = arith.cmpi sgt, %add3A_427, %sign3A_430 : i32
      %sign3A_432 = arith.extui %sign3A_431 : i1 to i32
      %sign3A_433 = arith.constant 0 : i32
      %sign3A_434 = arith.cmpi slt, %add3A_427, %sign3A_433 : i32
      %sign3A_435 = arith.extui %sign3A_434 : i1 to i32
      %sign3A_436 = arith.subi %sign3A_432, %sign3A_435 : i32
      %sign3A_437 = arith.constant 0 : i32
      %sign3A_438 = arith.cmpi sgt, %jit3A_428, %sign3A_437 : i32
      %sign3A_439 = arith.extui %sign3A_438 : i1 to i32
      %sign3A_440 = arith.constant 0 : i32
      %sign3A_441 = arith.cmpi slt, %jit3A_428, %sign3A_440 : i32
      %sign3A_442 = arith.extui %sign3A_441 : i1 to i32
      %sign3A_443 = arith.subi %sign3A_439, %sign3A_442 : i32
      %ne3A_444 = arith.cmpi ne, %sign3A_436, %sign3A_443 : i32
      %rem3A_445 = arith.remsi %add3A_427, %jit3A_428 : i32
      %ne3A_446 = arith.constant 0 : i32
      %ne3A_447 = arith.cmpi ne, %rem3A_445, %ne3A_446 : i32
      %and3A_448 = arith.andi %ne3A_444, %ne3A_447 : i1
      %sub3A_449 = arith.constant 1 : i32
      %sub3A_450 = arith.subi %div3A_429, %sub3A_449 : i32
      %select_n3A_451 = arith.select %and3A_448, %sub3A_450, %div3A_429 : i32
      %jit3A_452 = arith.constant 256 : i32
      %eq3A_453 = arith.constant 0 : i32
      %eq3A_454 = arith.cmpi eq, %jit3A_452, %eq3A_453 : i32
      %jit3A_455 = arith.constant 1 : i32
      %select_n3A_456 = arith.select %eq3A_454, %jit3A_455, %jit3A_452 : i32
      %rem3A_457 = arith.remsi %add3A_427, %select_n3A_456 : i32
      %ne3A_458 = arith.constant 0 : i32
      %ne3A_459 = arith.cmpi ne, %rem3A_457, %ne3A_458 : i32
      %lt3A_460 = arith.constant 0 : i32
      %lt3A_461 = arith.cmpi slt, %rem3A_457, %lt3A_460 : i32
      %lt3A_462 = arith.constant 0 : i32
      %lt3A_463 = arith.cmpi slt, %select_n3A_456, %lt3A_462 : i32
      %ne3A_464 = arith.xori %lt3A_461, %lt3A_463 : i1
      %and3A_465 = arith.andi %ne3A_464, %ne3A_459 : i1
      %add3A_466 = arith.addi %rem3A_457, %select_n3A_456 : i32
      %select_n3A_467 = arith.select %and3A_465, %add3A_466, %rem3A_457 : i32
      %sub3A_468 = arith.subi %select_n3A_451, %min3A_19 : i32
      %mul3A_469 = arith.constant 40 : i32
      %mul3A_470 = arith.muli %sub3A_468, %mul3A_469 : i32
      %mul3A_471 = arith.constant 40 : i32
      %mul3A_472 = arith.muli %select_n3A_451, %mul3A_471 : i32
      %dma_start3A_473 = arith.constant 0 : i32
      %dma_start3A_474 = tpu.memref_slice %arg4[%mul3A_470, %dma_start3A_473] : memref<80x768xf32, #tpu.memory_space<vmem>> -> memref<40x768xf32, #tpu.memory_space<vmem>>
      %dma_start3A_475 = arith.constant 0 : i32
      %dma_start3A_476 = tpu.memref_slice %arg3[%select_n3A_467, %mul3A_472, %dma_start3A_475] : memref<256x1000x768xf32, #tpu.memory_space<hbm>> -> memref<1x40x768xf32, #tpu.memory_space<hbm>>
      %dma_start3A_477 = tpu.memref_squeeze %dma_start3A_476 : memref<1x40x768xf32, #tpu.memory_space<hbm>> -> memref<40x768xf32, #tpu.memory_space<hbm>>
      %dma_start3A_478 = arith.constant 0 : i32
      %dma_start3A_479 = tpu.memref_slice %arg3[%select_n3A_467, %mul3A_472, %dma_start3A_478] : memref<256x1000x768xf32, #tpu.memory_space<hbm>> -> memref<1x40x768xf32, #tpu.memory_space<hbm>>
      %dma_start3A_480 = tpu.memref_squeeze %dma_start3A_479 : memref<1x40x768xf32, #tpu.memory_space<hbm>> -> memref<40x768xf32, #tpu.memory_space<hbm>>
      %dma_start3A_481 = arith.constant 0 : i32
      %dma_start3A_482 = tpu.memref_slice %arg4[%mul3A_470, %dma_start3A_481] : memref<80x768xf32, #tpu.memory_space<vmem>> -> memref<40x768xf32, #tpu.memory_space<vmem>>
      tpu.enqueue_dma source(%dma_start3A_482 : memref<40x768xf32, #tpu.memory_space<vmem>>) target(%dma_start3A_480 : memref<40x768xf32, #tpu.memory_space<hbm>>) target_semaphore(%arg5 : memref<!tpu.dma_semaphore, #tpu.memory_space<semaphore_mem>>)
      %add3A_483 = arith.constant 8 : i32
      %add3A_484 = arith.addi %add3A_29, %add3A_483 : i32
      %jit3A_485 = arith.constant 256 : i32
      %div3A_486 = arith.divsi %add3A_484, %jit3A_485 : i32
      %sign3A_487 = arith.constant 0 : i32
      %sign3A_488 = arith.cmpi sgt, %add3A_484, %sign3A_487 : i32
      %sign3A_489 = arith.extui %sign3A_488 : i1 to i32
      %sign3A_490 = arith.constant 0 : i32
      %sign3A_491 = arith.cmpi slt, %add3A_484, %sign3A_490 : i32
      %sign3A_492 = arith.extui %sign3A_491 : i1 to i32
      %sign3A_493 = arith.subi %sign3A_489, %sign3A_492 : i32
      %sign3A_494 = arith.constant 0 : i32
      %sign3A_495 = arith.cmpi sgt, %jit3A_485, %sign3A_494 : i32
      %sign3A_496 = arith.extui %sign3A_495 : i1 to i32
      %sign3A_497 = arith.constant 0 : i32
      %sign3A_498 = arith.cmpi slt, %jit3A_485, %sign3A_497 : i32
      %sign3A_499 = arith.extui %sign3A_498 : i1 to i32
      %sign3A_500 = arith.subi %sign3A_496, %sign3A_499 : i32
      %ne3A_501 = arith.cmpi ne, %sign3A_493, %sign3A_500 : i32
      %rem3A_502 = arith.remsi %add3A_484, %jit3A_485 : i32
      %ne3A_503 = arith.constant 0 : i32
      %ne3A_504 = arith.cmpi ne, %rem3A_502, %ne3A_503 : i32
      %and3A_505 = arith.andi %ne3A_501, %ne3A_504 : i1
      %sub3A_506 = arith.constant 1 : i32
      %sub3A_507 = arith.subi %div3A_486, %sub3A_506 : i32
      %select_n3A_508 = arith.select %and3A_505, %sub3A_507, %div3A_486 : i32
      %jit3A_509 = arith.constant 256 : i32
      %eq3A_510 = arith.constant 0 : i32
      %eq3A_511 = arith.cmpi eq, %jit3A_509, %eq3A_510 : i32
      %jit3A_512 = arith.constant 1 : i32
      %select_n3A_513 = arith.select %eq3A_511, %jit3A_512, %jit3A_509 : i32
      %rem3A_514 = arith.remsi %add3A_484, %select_n3A_513 : i32
      %ne3A_515 = arith.constant 0 : i32
      %ne3A_516 = arith.cmpi ne, %rem3A_514, %ne3A_515 : i32
      %lt3A_517 = arith.constant 0 : i32
      %lt3A_518 = arith.cmpi slt, %rem3A_514, %lt3A_517 : i32
      %lt3A_519 = arith.constant 0 : i32
      %lt3A_520 = arith.cmpi slt, %select_n3A_513, %lt3A_519 : i32
      %ne3A_521 = arith.xori %lt3A_518, %lt3A_520 : i1
      %and3A_522 = arith.andi %ne3A_521, %ne3A_516 : i1
      %add3A_523 = arith.addi %rem3A_514, %select_n3A_513 : i32
      %select_n3A_524 = arith.select %and3A_522, %add3A_523, %rem3A_514 : i32
      %sub3A_525 = arith.subi %select_n3A_508, %min3A_19 : i32
      %mul3A_526 = arith.constant 40 : i32
      %mul3A_527 = arith.muli %sub3A_525, %mul3A_526 : i32
      %mul3A_528 = arith.constant 40 : i32
      %mul3A_529 = arith.muli %select_n3A_508, %mul3A_528 : i32
      %dma_start3A_530 = arith.constant 0 : i32
      %dma_start3A_531 = tpu.memref_slice %arg4[%mul3A_527, %dma_start3A_530] : memref<80x768xf32, #tpu.memory_space<vmem>> -> memref<40x768xf32, #tpu.memory_space<vmem>>
      %dma_start3A_532 = arith.constant 0 : i32
      %dma_start3A_533 = tpu.memref_slice %arg3[%select_n3A_524, %mul3A_529, %dma_start3A_532] : memref<256x1000x768xf32, #tpu.memory_space<hbm>> -> memref<1x40x768xf32, #tpu.memory_space<hbm>>
      %dma_start3A_534 = tpu.memref_squeeze %dma_start3A_533 : memref<1x40x768xf32, #tpu.memory_space<hbm>> -> memref<40x768xf32, #tpu.memory_space<hbm>>
      %dma_start3A_535 = arith.constant 0 : i32
      %dma_start3A_536 = tpu.memref_slice %arg3[%select_n3A_524, %mul3A_529, %dma_start3A_535] : memref<256x1000x768xf32, #tpu.memory_space<hbm>> -> memref<1x40x768xf32, #tpu.memory_space<hbm>>
      %dma_start3A_537 = tpu.memref_squeeze %dma_start3A_536 : memref<1x40x768xf32, #tpu.memory_space<hbm>> -> memref<40x768xf32, #tpu.memory_space<hbm>>
      %dma_start3A_538 = arith.constant 0 : i32
      %dma_start3A_539 = tpu.memref_slice %arg4[%mul3A_527, %dma_start3A_538] : memref<80x768xf32, #tpu.memory_space<vmem>> -> memref<40x768xf32, #tpu.memory_space<vmem>>
      tpu.enqueue_dma source(%dma_start3A_539 : memref<40x768xf32, #tpu.memory_space<vmem>>) target(%dma_start3A_537 : memref<40x768xf32, #tpu.memory_space<hbm>>) target_semaphore(%arg5 : memref<!tpu.dma_semaphore, #tpu.memory_space<semaphore_mem>>)
      %add3A_540 = arith.constant 9 : i32
      %add3A_541 = arith.addi %add3A_29, %add3A_540 : i32
      %jit3A_542 = arith.constant 256 : i32
      %div3A_543 = arith.divsi %add3A_541, %jit3A_542 : i32
      %sign3A_544 = arith.constant 0 : i32
      %sign3A_545 = arith.cmpi sgt, %add3A_541, %sign3A_544 : i32
      %sign3A_546 = arith.extui %sign3A_545 : i1 to i32
      %sign3A_547 = arith.constant 0 : i32
      %sign3A_548 = arith.cmpi slt, %add3A_541, %sign3A_547 : i32
      %sign3A_549 = arith.extui %sign3A_548 : i1 to i32
      %sign3A_550 = arith.subi %sign3A_546, %sign3A_549 : i32
      %sign3A_551 = arith.constant 0 : i32
      %sign3A_552 = arith.cmpi sgt, %jit3A_542, %sign3A_551 : i32
      %sign3A_553 = arith.extui %sign3A_552 : i1 to i32
      %sign3A_554 = arith.constant 0 : i32
      %sign3A_555 = arith.cmpi slt, %jit3A_542, %sign3A_554 : i32
      %sign3A_556 = arith.extui %sign3A_555 : i1 to i32
      %sign3A_557 = arith.subi %sign3A_553, %sign3A_556 : i32
      %ne3A_558 = arith.cmpi ne, %sign3A_550, %sign3A_557 : i32
      %rem3A_559 = arith.remsi %add3A_541, %jit3A_542 : i32
      %ne3A_560 = arith.constant 0 : i32
      %ne3A_561 = arith.cmpi ne, %rem3A_559, %ne3A_560 : i32
      %and3A_562 = arith.andi %ne3A_558, %ne3A_561 : i1
      %sub3A_563 = arith.constant 1 : i32
      %sub3A_564 = arith.subi %div3A_543, %sub3A_563 : i32
      %select_n3A_565 = arith.select %and3A_562, %sub3A_564, %div3A_543 : i32
      %jit3A_566 = arith.constant 256 : i32
      %eq3A_567 = arith.constant 0 : i32
      %eq3A_568 = arith.cmpi eq, %jit3A_566, %eq3A_567 : i32
      %jit3A_569 = arith.constant 1 : i32
      %select_n3A_570 = arith.select %eq3A_568, %jit3A_569, %jit3A_566 : i32
      %rem3A_571 = arith.remsi %add3A_541, %select_n3A_570 : i32
      %ne3A_572 = arith.constant 0 : i32
      %ne3A_573 = arith.cmpi ne, %rem3A_571, %ne3A_572 : i32
      %lt3A_574 = arith.constant 0 : i32
      %lt3A_575 = arith.cmpi slt, %rem3A_571, %lt3A_574 : i32
      %lt3A_576 = arith.constant 0 : i32
      %lt3A_577 = arith.cmpi slt, %select_n3A_570, %lt3A_576 : i32
      %ne3A_578 = arith.xori %lt3A_575, %lt3A_577 : i1
      %and3A_579 = arith.andi %ne3A_578, %ne3A_573 : i1
      %add3A_580 = arith.addi %rem3A_571, %select_n3A_570 : i32
      %select_n3A_581 = arith.select %and3A_579, %add3A_580, %rem3A_571 : i32
      %sub3A_582 = arith.subi %select_n3A_565, %min3A_19 : i32
      %mul3A_583 = arith.constant 40 : i32
      %mul3A_584 = arith.muli %sub3A_582, %mul3A_583 : i32
      %mul3A_585 = arith.constant 40 : i32
      %mul3A_586 = arith.muli %select_n3A_565, %mul3A_585 : i32
      %dma_start3A_587 = arith.constant 0 : i32
      %dma_start3A_588 = tpu.memref_slice %arg4[%mul3A_584, %dma_start3A_587] : memref<80x768xf32, #tpu.memory_space<vmem>> -> memref<40x768xf32, #tpu.memory_space<vmem>>
      %dma_start3A_589 = arith.constant 0 : i32
      %dma_start3A_590 = tpu.memref_slice %arg3[%select_n3A_581, %mul3A_586, %dma_start3A_589] : memref<256x1000x768xf32, #tpu.memory_space<hbm>> -> memref<1x40x768xf32, #tpu.memory_space<hbm>>
      %dma_start3A_591 = tpu.memref_squeeze %dma_start3A_590 : memref<1x40x768xf32, #tpu.memory_space<hbm>> -> memref<40x768xf32, #tpu.memory_space<hbm>>
      %dma_start3A_592 = arith.constant 0 : i32
      %dma_start3A_593 = tpu.memref_slice %arg3[%select_n3A_581, %mul3A_586, %dma_start3A_592] : memref<256x1000x768xf32, #tpu.memory_space<hbm>> -> memref<1x40x768xf32, #tpu.memory_space<hbm>>
      %dma_start3A_594 = tpu.memref_squeeze %dma_start3A_593 : memref<1x40x768xf32, #tpu.memory_space<hbm>> -> memref<40x768xf32, #tpu.memory_space<hbm>>
      %dma_start3A_595 = arith.constant 0 : i32
      %dma_start3A_596 = tpu.memref_slice %arg4[%mul3A_584, %dma_start3A_595] : memref<80x768xf32, #tpu.memory_space<vmem>> -> memref<40x768xf32, #tpu.memory_space<vmem>>
      tpu.enqueue_dma source(%dma_start3A_596 : memref<40x768xf32, #tpu.memory_space<vmem>>) target(%dma_start3A_594 : memref<40x768xf32, #tpu.memory_space<hbm>>) target_semaphore(%arg5 : memref<!tpu.dma_semaphore, #tpu.memory_space<semaphore_mem>>)
      %add3A_597 = arith.constant 10 : i32
      %add3A_598 = arith.addi %add3A_29, %add3A_597 : i32
      %jit3A_599 = arith.constant 256 : i32
      %div3A_600 = arith.divsi %add3A_598, %jit3A_599 : i32
      %sign3A_601 = arith.constant 0 : i32
      %sign3A_602 = arith.cmpi sgt, %add3A_598, %sign3A_601 : i32
      %sign3A_603 = arith.extui %sign3A_602 : i1 to i32
      %sign3A_604 = arith.constant 0 : i32
      %sign3A_605 = arith.cmpi slt, %add3A_598, %sign3A_604 : i32
      %sign3A_606 = arith.extui %sign3A_605 : i1 to i32
      %sign3A_607 = arith.subi %sign3A_603, %sign3A_606 : i32
      %sign3A_608 = arith.constant 0 : i32
      %sign3A_609 = arith.cmpi sgt, %jit3A_599, %sign3A_608 : i32
      %sign3A_610 = arith.extui %sign3A_609 : i1 to i32
      %sign3A_611 = arith.constant 0 : i32
      %sign3A_612 = arith.cmpi slt, %jit3A_599, %sign3A_611 : i32
      %sign3A_613 = arith.extui %sign3A_612 : i1 to i32
      %sign3A_614 = arith.subi %sign3A_610, %sign3A_613 : i32
      %ne3A_615 = arith.cmpi ne, %sign3A_607, %sign3A_614 : i32
      %rem3A_616 = arith.remsi %add3A_598, %jit3A_599 : i32
      %ne3A_617 = arith.constant 0 : i32
      %ne3A_618 = arith.cmpi ne, %rem3A_616, %ne3A_617 : i32
      %and3A_619 = arith.andi %ne3A_615, %ne3A_618 : i1
      %sub3A_620 = arith.constant 1 : i32
      %sub3A_621 = arith.subi %div3A_600, %sub3A_620 : i32
      %select_n3A_622 = arith.select %and3A_619, %sub3A_621, %div3A_600 : i32
      %jit3A_623 = arith.constant 256 : i32
      %eq3A_624 = arith.constant 0 : i32
      %eq3A_625 = arith.cmpi eq, %jit3A_623, %eq3A_624 : i32
      %jit3A_626 = arith.constant 1 : i32
      %select_n3A_627 = arith.select %eq3A_625, %jit3A_626, %jit3A_623 : i32
      %rem3A_628 = arith.remsi %add3A_598, %select_n3A_627 : i32
      %ne3A_629 = arith.constant 0 : i32
      %ne3A_630 = arith.cmpi ne, %rem3A_628, %ne3A_629 : i32
      %lt3A_631 = arith.constant 0 : i32
      %lt3A_632 = arith.cmpi slt, %rem3A_628, %lt3A_631 : i32
      %lt3A_633 = arith.constant 0 : i32
      %lt3A_634 = arith.cmpi slt, %select_n3A_627, %lt3A_633 : i32
      %ne3A_635 = arith.xori %lt3A_632, %lt3A_634 : i1
      %and3A_636 = arith.andi %ne3A_635, %ne3A_630 : i1
      %add3A_637 = arith.addi %rem3A_628, %select_n3A_627 : i32
      %select_n3A_638 = arith.select %and3A_636, %add3A_637, %rem3A_628 : i32
      %sub3A_639 = arith.subi %select_n3A_622, %min3A_19 : i32
      %mul3A_640 = arith.constant 40 : i32
      %mul3A_641 = arith.muli %sub3A_639, %mul3A_640 : i32
      %mul3A_642 = arith.constant 40 : i32
      %mul3A_643 = arith.muli %select_n3A_622, %mul3A_642 : i32
      %dma_start3A_644 = arith.constant 0 : i32
      %dma_start3A_645 = tpu.memref_slice %arg4[%mul3A_641, %dma_start3A_644] : memref<80x768xf32, #tpu.memory_space<vmem>> -> memref<40x768xf32, #tpu.memory_space<vmem>>
      %dma_start3A_646 = arith.constant 0 : i32
      %dma_start3A_647 = tpu.memref_slice %arg3[%select_n3A_638, %mul3A_643, %dma_start3A_646] : memref<256x1000x768xf32, #tpu.memory_space<hbm>> -> memref<1x40x768xf32, #tpu.memory_space<hbm>>
      %dma_start3A_648 = tpu.memref_squeeze %dma_start3A_647 : memref<1x40x768xf32, #tpu.memory_space<hbm>> -> memref<40x768xf32, #tpu.memory_space<hbm>>
      %dma_start3A_649 = arith.constant 0 : i32
      %dma_start3A_650 = tpu.memref_slice %arg3[%select_n3A_638, %mul3A_643, %dma_start3A_649] : memref<256x1000x768xf32, #tpu.memory_space<hbm>> -> memref<1x40x768xf32, #tpu.memory_space<hbm>>
      %dma_start3A_651 = tpu.memref_squeeze %dma_start3A_650 : memref<1x40x768xf32, #tpu.memory_space<hbm>> -> memref<40x768xf32, #tpu.memory_space<hbm>>
      %dma_start3A_652 = arith.constant 0 : i32
      %dma_start3A_653 = tpu.memref_slice %arg4[%mul3A_641, %dma_start3A_652] : memref<80x768xf32, #tpu.memory_space<vmem>> -> memref<40x768xf32, #tpu.memory_space<vmem>>
      tpu.enqueue_dma source(%dma_start3A_653 : memref<40x768xf32, #tpu.memory_space<vmem>>) target(%dma_start3A_651 : memref<40x768xf32, #tpu.memory_space<hbm>>) target_semaphore(%arg5 : memref<!tpu.dma_semaphore, #tpu.memory_space<semaphore_mem>>)
      %add3A_654 = arith.constant 11 : i32
      %add3A_655 = arith.addi %add3A_29, %add3A_654 : i32
      %jit3A_656 = arith.constant 256 : i32
      %div3A_657 = arith.divsi %add3A_655, %jit3A_656 : i32
      %sign3A_658 = arith.constant 0 : i32
      %sign3A_659 = arith.cmpi sgt, %add3A_655, %sign3A_658 : i32
      %sign3A_660 = arith.extui %sign3A_659 : i1 to i32
      %sign3A_661 = arith.constant 0 : i32
      %sign3A_662 = arith.cmpi slt, %add3A_655, %sign3A_661 : i32
      %sign3A_663 = arith.extui %sign3A_662 : i1 to i32
      %sign3A_664 = arith.subi %sign3A_660, %sign3A_663 : i32
      %sign3A_665 = arith.constant 0 : i32
      %sign3A_666 = arith.cmpi sgt, %jit3A_656, %sign3A_665 : i32
      %sign3A_667 = arith.extui %sign3A_666 : i1 to i32
      %sign3A_668 = arith.constant 0 : i32
      %sign3A_669 = arith.cmpi slt, %jit3A_656, %sign3A_668 : i32
      %sign3A_670 = arith.extui %sign3A_669 : i1 to i32
      %sign3A_671 = arith.subi %sign3A_667, %sign3A_670 : i32
      %ne3A_672 = arith.cmpi ne, %sign3A_664, %sign3A_671 : i32
      %rem3A_673 = arith.remsi %add3A_655, %jit3A_656 : i32
      %ne3A_674 = arith.constant 0 : i32
      %ne3A_675 = arith.cmpi ne, %rem3A_673, %ne3A_674 : i32
      %and3A_676 = arith.andi %ne3A_672, %ne3A_675 : i1
      %sub3A_677 = arith.constant 1 : i32
      %sub3A_678 = arith.subi %div3A_657, %sub3A_677 : i32
      %select_n3A_679 = arith.select %and3A_676, %sub3A_678, %div3A_657 : i32
      %jit3A_680 = arith.constant 256 : i32
      %eq3A_681 = arith.constant 0 : i32
      %eq3A_682 = arith.cmpi eq, %jit3A_680, %eq3A_681 : i32
      %jit3A_683 = arith.constant 1 : i32
      %select_n3A_684 = arith.select %eq3A_682, %jit3A_683, %jit3A_680 : i32
      %rem3A_685 = arith.remsi %add3A_655, %select_n3A_684 : i32
      %ne3A_686 = arith.constant 0 : i32
      %ne3A_687 = arith.cmpi ne, %rem3A_685, %ne3A_686 : i32
      %lt3A_688 = arith.constant 0 : i32
      %lt3A_689 = arith.cmpi slt, %rem3A_685, %lt3A_688 : i32
      %lt3A_690 = arith.constant 0 : i32
      %lt3A_691 = arith.cmpi slt, %select_n3A_684, %lt3A_690 : i32
      %ne3A_692 = arith.xori %lt3A_689, %lt3A_691 : i1
      %and3A_693 = arith.andi %ne3A_692, %ne3A_687 : i1
      %add3A_694 = arith.addi %rem3A_685, %select_n3A_684 : i32
      %select_n3A_695 = arith.select %and3A_693, %add3A_694, %rem3A_685 : i32
      %sub3A_696 = arith.subi %select_n3A_679, %min3A_19 : i32
      %mul3A_697 = arith.constant 40 : i32
      %mul3A_698 = arith.muli %sub3A_696, %mul3A_697 : i32
      %mul3A_699 = arith.constant 40 : i32
      %mul3A_700 = arith.muli %select_n3A_679, %mul3A_699 : i32
      %dma_start3A_701 = arith.constant 0 : i32
      %dma_start3A_702 = tpu.memref_slice %arg4[%mul3A_698, %dma_start3A_701] : memref<80x768xf32, #tpu.memory_space<vmem>> -> memref<40x768xf32, #tpu.memory_space<vmem>>
      %dma_start3A_703 = arith.constant 0 : i32
      %dma_start3A_704 = tpu.memref_slice %arg3[%select_n3A_695, %mul3A_700, %dma_start3A_703] : memref<256x1000x768xf32, #tpu.memory_space<hbm>> -> memref<1x40x768xf32, #tpu.memory_space<hbm>>
      %dma_start3A_705 = tpu.memref_squeeze %dma_start3A_704 : memref<1x40x768xf32, #tpu.memory_space<hbm>> -> memref<40x768xf32, #tpu.memory_space<hbm>>
      %dma_start3A_706 = arith.constant 0 : i32
      %dma_start3A_707 = tpu.memref_slice %arg3[%select_n3A_695, %mul3A_700, %dma_start3A_706] : memref<256x1000x768xf32, #tpu.memory_space<hbm>> -> memref<1x40x768xf32, #tpu.memory_space<hbm>>
      %dma_start3A_708 = tpu.memref_squeeze %dma_start3A_707 : memref<1x40x768xf32, #tpu.memory_space<hbm>> -> memref<40x768xf32, #tpu.memory_space<hbm>>
      %dma_start3A_709 = arith.constant 0 : i32
      %dma_start3A_710 = tpu.memref_slice %arg4[%mul3A_698, %dma_start3A_709] : memref<80x768xf32, #tpu.memory_space<vmem>> -> memref<40x768xf32, #tpu.memory_space<vmem>>
      tpu.enqueue_dma source(%dma_start3A_710 : memref<40x768xf32, #tpu.memory_space<vmem>>) target(%dma_start3A_708 : memref<40x768xf32, #tpu.memory_space<hbm>>) target_semaphore(%arg5 : memref<!tpu.dma_semaphore, #tpu.memory_space<semaphore_mem>>)
      %add3A_711 = arith.constant 12 : i32
      %add3A_712 = arith.addi %add3A_29, %add3A_711 : i32
      %jit3A_713 = arith.constant 256 : i32
      %div3A_714 = arith.divsi %add3A_712, %jit3A_713 : i32
      %sign3A_715 = arith.constant 0 : i32
      %sign3A_716 = arith.cmpi sgt, %add3A_712, %sign3A_715 : i32
      %sign3A_717 = arith.extui %sign3A_716 : i1 to i32
      %sign3A_718 = arith.constant 0 : i32
      %sign3A_719 = arith.cmpi slt, %add3A_712, %sign3A_718 : i32
      %sign3A_720 = arith.extui %sign3A_719 : i1 to i32
      %sign3A_721 = arith.subi %sign3A_717, %sign3A_720 : i32
      %sign3A_722 = arith.constant 0 : i32
      %sign3A_723 = arith.cmpi sgt, %jit3A_713, %sign3A_722 : i32
      %sign3A_724 = arith.extui %sign3A_723 : i1 to i32
      %sign3A_725 = arith.constant 0 : i32
      %sign3A_726 = arith.cmpi slt, %jit3A_713, %sign3A_725 : i32
      %sign3A_727 = arith.extui %sign3A_726 : i1 to i32
      %sign3A_728 = arith.subi %sign3A_724, %sign3A_727 : i32
      %ne3A_729 = arith.cmpi ne, %sign3A_721, %sign3A_728 : i32
      %rem3A_730 = arith.remsi %add3A_712, %jit3A_713 : i32
      %ne3A_731 = arith.constant 0 : i32
      %ne3A_732 = arith.cmpi ne, %rem3A_730, %ne3A_731 : i32
      %and3A_733 = arith.andi %ne3A_729, %ne3A_732 : i1
      %sub3A_734 = arith.constant 1 : i32
      %sub3A_735 = arith.subi %div3A_714, %sub3A_734 : i32
      %select_n3A_736 = arith.select %and3A_733, %sub3A_735, %div3A_714 : i32
      %jit3A_737 = arith.constant 256 : i32
      %eq3A_738 = arith.constant 0 : i32
      %eq3A_739 = arith.cmpi eq, %jit3A_737, %eq3A_738 : i32
      %jit3A_740 = arith.constant 1 : i32
      %select_n3A_741 = arith.select %eq3A_739, %jit3A_740, %jit3A_737 : i32
      %rem3A_742 = arith.remsi %add3A_712, %select_n3A_741 : i32
      %ne3A_743 = arith.constant 0 : i32
      %ne3A_744 = arith.cmpi ne, %rem3A_742, %ne3A_743 : i32
      %lt3A_745 = arith.constant 0 : i32
      %lt3A_746 = arith.cmpi slt, %rem3A_742, %lt3A_745 : i32
      %lt3A_747 = arith.constant 0 : i32
      %lt3A_748 = arith.cmpi slt, %select_n3A_741, %lt3A_747 : i32
      %ne3A_749 = arith.xori %lt3A_746, %lt3A_748 : i1
      %and3A_750 = arith.andi %ne3A_749, %ne3A_744 : i1
      %add3A_751 = arith.addi %rem3A_742, %select_n3A_741 : i32
      %select_n3A_752 = arith.select %and3A_750, %add3A_751, %rem3A_742 : i32
      %sub3A_753 = arith.subi %select_n3A_736, %min3A_19 : i32
      %mul3A_754 = arith.constant 40 : i32
      %mul3A_755 = arith.muli %sub3A_753, %mul3A_754 : i32
      %mul3A_756 = arith.constant 40 : i32
      %mul3A_757 = arith.muli %select_n3A_736, %mul3A_756 : i32
      %dma_start3A_758 = arith.constant 0 : i32
      %dma_start3A_759 = tpu.memref_slice %arg4[%mul3A_755, %dma_start3A_758] : memref<80x768xf32, #tpu.memory_space<vmem>> -> memref<40x768xf32, #tpu.memory_space<vmem>>
      %dma_start3A_760 = arith.constant 0 : i32
      %dma_start3A_761 = tpu.memref_slice %arg3[%select_n3A_752, %mul3A_757, %dma_start3A_760] : memref<256x1000x768xf32, #tpu.memory_space<hbm>> -> memref<1x40x768xf32, #tpu.memory_space<hbm>>
      %dma_start3A_762 = tpu.memref_squeeze %dma_start3A_761 : memref<1x40x768xf32, #tpu.memory_space<hbm>> -> memref<40x768xf32, #tpu.memory_space<hbm>>
      %dma_start3A_763 = arith.constant 0 : i32
      %dma_start3A_764 = tpu.memref_slice %arg3[%select_n3A_752, %mul3A_757, %dma_start3A_763] : memref<256x1000x768xf32, #tpu.memory_space<hbm>> -> memref<1x40x768xf32, #tpu.memory_space<hbm>>
      %dma_start3A_765 = tpu.memref_squeeze %dma_start3A_764 : memref<1x40x768xf32, #tpu.memory_space<hbm>> -> memref<40x768xf32, #tpu.memory_space<hbm>>
      %dma_start3A_766 = arith.constant 0 : i32
      %dma_start3A_767 = tpu.memref_slice %arg4[%mul3A_755, %dma_start3A_766] : memref<80x768xf32, #tpu.memory_space<vmem>> -> memref<40x768xf32, #tpu.memory_space<vmem>>
      tpu.enqueue_dma source(%dma_start3A_767 : memref<40x768xf32, #tpu.memory_space<vmem>>) target(%dma_start3A_765 : memref<40x768xf32, #tpu.memory_space<hbm>>) target_semaphore(%arg5 : memref<!tpu.dma_semaphore, #tpu.memory_space<semaphore_mem>>)
      %add3A_768 = arith.constant 13 : i32
      %add3A_769 = arith.addi %add3A_29, %add3A_768 : i32
      %jit3A_770 = arith.constant 256 : i32
      %div3A_771 = arith.divsi %add3A_769, %jit3A_770 : i32
      %sign3A_772 = arith.constant 0 : i32
      %sign3A_773 = arith.cmpi sgt, %add3A_769, %sign3A_772 : i32
      %sign3A_774 = arith.extui %sign3A_773 : i1 to i32
      %sign3A_775 = arith.constant 0 : i32
      %sign3A_776 = arith.cmpi slt, %add3A_769, %sign3A_775 : i32
      %sign3A_777 = arith.extui %sign3A_776 : i1 to i32
      %sign3A_778 = arith.subi %sign3A_774, %sign3A_777 : i32
      %sign3A_779 = arith.constant 0 : i32
      %sign3A_780 = arith.cmpi sgt, %jit3A_770, %sign3A_779 : i32
      %sign3A_781 = arith.extui %sign3A_780 : i1 to i32
      %sign3A_782 = arith.constant 0 : i32
      %sign3A_783 = arith.cmpi slt, %jit3A_770, %sign3A_782 : i32
      %sign3A_784 = arith.extui %sign3A_783 : i1 to i32
      %sign3A_785 = arith.subi %sign3A_781, %sign3A_784 : i32
      %ne3A_786 = arith.cmpi ne, %sign3A_778, %sign3A_785 : i32
      %rem3A_787 = arith.remsi %add3A_769, %jit3A_770 : i32
      %ne3A_788 = arith.constant 0 : i32
      %ne3A_789 = arith.cmpi ne, %rem3A_787, %ne3A_788 : i32
      %and3A_790 = arith.andi %ne3A_786, %ne3A_789 : i1
      %sub3A_791 = arith.constant 1 : i32
      %sub3A_792 = arith.subi %div3A_771, %sub3A_791 : i32
      %select_n3A_793 = arith.select %and3A_790, %sub3A_792, %div3A_771 : i32
      %jit3A_794 = arith.constant 256 : i32
      %eq3A_795 = arith.constant 0 : i32
      %eq3A_796 = arith.cmpi eq, %jit3A_794, %eq3A_795 : i32
      %jit3A_797 = arith.constant 1 : i32
      %select_n3A_798 = arith.select %eq3A_796, %jit3A_797, %jit3A_794 : i32
      %rem3A_799 = arith.remsi %add3A_769, %select_n3A_798 : i32
      %ne3A_800 = arith.constant 0 : i32
      %ne3A_801 = arith.cmpi ne, %rem3A_799, %ne3A_800 : i32
      %lt3A_802 = arith.constant 0 : i32
      %lt3A_803 = arith.cmpi slt, %rem3A_799, %lt3A_802 : i32
      %lt3A_804 = arith.constant 0 : i32
      %lt3A_805 = arith.cmpi slt, %select_n3A_798, %lt3A_804 : i32
      %ne3A_806 = arith.xori %lt3A_803, %lt3A_805 : i1
      %and3A_807 = arith.andi %ne3A_806, %ne3A_801 : i1
      %add3A_808 = arith.addi %rem3A_799, %select_n3A_798 : i32
      %select_n3A_809 = arith.select %and3A_807, %add3A_808, %rem3A_799 : i32
      %sub3A_810 = arith.subi %select_n3A_793, %min3A_19 : i32
      %mul3A_811 = arith.constant 40 : i32
      %mul3A_812 = arith.muli %sub3A_810, %mul3A_811 : i32
      %mul3A_813 = arith.constant 40 : i32
      %mul3A_814 = arith.muli %select_n3A_793, %mul3A_813 : i32
      %dma_start3A_815 = arith.constant 0 : i32
      %dma_start3A_816 = tpu.memref_slice %arg4[%mul3A_812, %dma_start3A_815] : memref<80x768xf32, #tpu.memory_space<vmem>> -> memref<40x768xf32, #tpu.memory_space<vmem>>
      %dma_start3A_817 = arith.constant 0 : i32
      %dma_start3A_818 = tpu.memref_slice %arg3[%select_n3A_809, %mul3A_814, %dma_start3A_817] : memref<256x1000x768xf32, #tpu.memory_space<hbm>> -> memref<1x40x768xf32, #tpu.memory_space<hbm>>
      %dma_start3A_819 = tpu.memref_squeeze %dma_start3A_818 : memref<1x40x768xf32, #tpu.memory_space<hbm>> -> memref<40x768xf32, #tpu.memory_space<hbm>>
      %dma_start3A_820 = arith.constant 0 : i32
      %dma_start3A_821 = tpu.memref_slice %arg3[%select_n3A_809, %mul3A_814, %dma_start3A_820] : memref<256x1000x768xf32, #tpu.memory_space<hbm>> -> memref<1x40x768xf32, #tpu.memory_space<hbm>>
      %dma_start3A_822 = tpu.memref_squeeze %dma_start3A_821 : memref<1x40x768xf32, #tpu.memory_space<hbm>> -> memref<40x768xf32, #tpu.memory_space<hbm>>
      %dma_start3A_823 = arith.constant 0 : i32
      %dma_start3A_824 = tpu.memref_slice %arg4[%mul3A_812, %dma_start3A_823] : memref<80x768xf32, #tpu.memory_space<vmem>> -> memref<40x768xf32, #tpu.memory_space<vmem>>
      tpu.enqueue_dma source(%dma_start3A_824 : memref<40x768xf32, #tpu.memory_space<vmem>>) target(%dma_start3A_822 : memref<40x768xf32, #tpu.memory_space<hbm>>) target_semaphore(%arg5 : memref<!tpu.dma_semaphore, #tpu.memory_space<semaphore_mem>>)
      %add3A_825 = arith.constant 14 : i32
      %add3A_826 = arith.addi %add3A_29, %add3A_825 : i32
      %jit3A_827 = arith.constant 256 : i32
      %div3A_828 = arith.divsi %add3A_826, %jit3A_827 : i32
      %sign3A_829 = arith.constant 0 : i32
      %sign3A_830 = arith.cmpi sgt, %add3A_826, %sign3A_829 : i32
      %sign3A_831 = arith.extui %sign3A_830 : i1 to i32
      %sign3A_832 = arith.constant 0 : i32
      %sign3A_833 = arith.cmpi slt, %add3A_826, %sign3A_832 : i32
      %sign3A_834 = arith.extui %sign3A_833 : i1 to i32
      %sign3A_835 = arith.subi %sign3A_831, %sign3A_834 : i32
      %sign3A_836 = arith.constant 0 : i32
      %sign3A_837 = arith.cmpi sgt, %jit3A_827, %sign3A_836 : i32
      %sign3A_838 = arith.extui %sign3A_837 : i1 to i32
      %sign3A_839 = arith.constant 0 : i32
      %sign3A_840 = arith.cmpi slt, %jit3A_827, %sign3A_839 : i32
      %sign3A_841 = arith.extui %sign3A_840 : i1 to i32
      %sign3A_842 = arith.subi %sign3A_838, %sign3A_841 : i32
      %ne3A_843 = arith.cmpi ne, %sign3A_835, %sign3A_842 : i32
      %rem3A_844 = arith.remsi %add3A_826, %jit3A_827 : i32
      %ne3A_845 = arith.constant 0 : i32
      %ne3A_846 = arith.cmpi ne, %rem3A_844, %ne3A_845 : i32
      %and3A_847 = arith.andi %ne3A_843, %ne3A_846 : i1
      %sub3A_848 = arith.constant 1 : i32
      %sub3A_849 = arith.subi %div3A_828, %sub3A_848 : i32
      %select_n3A_850 = arith.select %and3A_847, %sub3A_849, %div3A_828 : i32
      %jit3A_851 = arith.constant 256 : i32
      %eq3A_852 = arith.constant 0 : i32
      %eq3A_853 = arith.cmpi eq, %jit3A_851, %eq3A_852 : i32
      %jit3A_854 = arith.constant 1 : i32
      %select_n3A_855 = arith.select %eq3A_853, %jit3A_854, %jit3A_851 : i32
      %rem3A_856 = arith.remsi %add3A_826, %select_n3A_855 : i32
      %ne3A_857 = arith.constant 0 : i32
      %ne3A_858 = arith.cmpi ne, %rem3A_856, %ne3A_857 : i32
      %lt3A_859 = arith.constant 0 : i32
      %lt3A_860 = arith.cmpi slt, %rem3A_856, %lt3A_859 : i32
      %lt3A_861 = arith.constant 0 : i32
      %lt3A_862 = arith.cmpi slt, %select_n3A_855, %lt3A_861 : i32
      %ne3A_863 = arith.xori %lt3A_860, %lt3A_862 : i1
      %and3A_864 = arith.andi %ne3A_863, %ne3A_858 : i1
      %add3A_865 = arith.addi %rem3A_856, %select_n3A_855 : i32
      %select_n3A_866 = arith.select %and3A_864, %add3A_865, %rem3A_856 : i32
      %sub3A_867 = arith.subi %select_n3A_850, %min3A_19 : i32
      %mul3A_868 = arith.constant 40 : i32
      %mul3A_869 = arith.muli %sub3A_867, %mul3A_868 : i32
      %mul3A_870 = arith.constant 40 : i32
      %mul3A_871 = arith.muli %select_n3A_850, %mul3A_870 : i32
      %dma_start3A_872 = arith.constant 0 : i32
      %dma_start3A_873 = tpu.memref_slice %arg4[%mul3A_869, %dma_start3A_872] : memref<80x768xf32, #tpu.memory_space<vmem>> -> memref<40x768xf32, #tpu.memory_space<vmem>>
      %dma_start3A_874 = arith.constant 0 : i32
      %dma_start3A_875 = tpu.memref_slice %arg3[%select_n3A_866, %mul3A_871, %dma_start3A_874] : memref<256x1000x768xf32, #tpu.memory_space<hbm>> -> memref<1x40x768xf32, #tpu.memory_space<hbm>>
      %dma_start3A_876 = tpu.memref_squeeze %dma_start3A_875 : memref<1x40x768xf32, #tpu.memory_space<hbm>> -> memref<40x768xf32, #tpu.memory_space<hbm>>
      %dma_start3A_877 = arith.constant 0 : i32
      %dma_start3A_878 = tpu.memref_slice %arg3[%select_n3A_866, %mul3A_871, %dma_start3A_877] : memref<256x1000x768xf32, #tpu.memory_space<hbm>> -> memref<1x40x768xf32, #tpu.memory_space<hbm>>
      %dma_start3A_879 = tpu.memref_squeeze %dma_start3A_878 : memref<1x40x768xf32, #tpu.memory_space<hbm>> -> memref<40x768xf32, #tpu.memory_space<hbm>>
      %dma_start3A_880 = arith.constant 0 : i32
      %dma_start3A_881 = tpu.memref_slice %arg4[%mul3A_869, %dma_start3A_880] : memref<80x768xf32, #tpu.memory_space<vmem>> -> memref<40x768xf32, #tpu.memory_space<vmem>>
      tpu.enqueue_dma source(%dma_start3A_881 : memref<40x768xf32, #tpu.memory_space<vmem>>) target(%dma_start3A_879 : memref<40x768xf32, #tpu.memory_space<hbm>>) target_semaphore(%arg5 : memref<!tpu.dma_semaphore, #tpu.memory_space<semaphore_mem>>)
      %add3A_882 = arith.constant 15 : i32
      %add3A_883 = arith.addi %add3A_29, %add3A_882 : i32
      %jit3A_884 = arith.constant 256 : i32
      %div3A_885 = arith.divsi %add3A_883, %jit3A_884 : i32
      %sign3A_886 = arith.constant 0 : i32
      %sign3A_887 = arith.cmpi sgt, %add3A_883, %sign3A_886 : i32
      %sign3A_888 = arith.extui %sign3A_887 : i1 to i32
      %sign3A_889 = arith.constant 0 : i32
      %sign3A_890 = arith.cmpi slt, %add3A_883, %sign3A_889 : i32
      %sign3A_891 = arith.extui %sign3A_890 : i1 to i32
      %sign3A_892 = arith.subi %sign3A_888, %sign3A_891 : i32
      %sign3A_893 = arith.constant 0 : i32
      %sign3A_894 = arith.cmpi sgt, %jit3A_884, %sign3A_893 : i32
      %sign3A_895 = arith.extui %sign3A_894 : i1 to i32
      %sign3A_896 = arith.constant 0 : i32
      %sign3A_897 = arith.cmpi slt, %jit3A_884, %sign3A_896 : i32
      %sign3A_898 = arith.extui %sign3A_897 : i1 to i32
      %sign3A_899 = arith.subi %sign3A_895, %sign3A_898 : i32
      %ne3A_900 = arith.cmpi ne, %sign3A_892, %sign3A_899 : i32
      %rem3A_901 = arith.remsi %add3A_883, %jit3A_884 : i32
      %ne3A_902 = arith.constant 0 : i32
      %ne3A_903 = arith.cmpi ne, %rem3A_901, %ne3A_902 : i32
      %and3A_904 = arith.andi %ne3A_900, %ne3A_903 : i1
      %sub3A_905 = arith.constant 1 : i32
      %sub3A_906 = arith.subi %div3A_885, %sub3A_905 : i32
      %select_n3A_907 = arith.select %and3A_904, %sub3A_906, %div3A_885 : i32
      %jit3A_908 = arith.constant 256 : i32
      %eq3A_909 = arith.constant 0 : i32
      %eq3A_910 = arith.cmpi eq, %jit3A_908, %eq3A_909 : i32
      %jit3A_911 = arith.constant 1 : i32
      %select_n3A_912 = arith.select %eq3A_910, %jit3A_911, %jit3A_908 : i32
      %rem3A_913 = arith.remsi %add3A_883, %select_n3A_912 : i32
      %ne3A_914 = arith.constant 0 : i32
      %ne3A_915 = arith.cmpi ne, %rem3A_913, %ne3A_914 : i32
      %lt3A_916 = arith.constant 0 : i32
      %lt3A_917 = arith.cmpi slt, %rem3A_913, %lt3A_916 : i32
      %lt3A_918 = arith.constant 0 : i32
      %lt3A_919 = arith.cmpi slt, %select_n3A_912, %lt3A_918 : i32
      %ne3A_920 = arith.xori %lt3A_917, %lt3A_919 : i1
      %and3A_921 = arith.andi %ne3A_920, %ne3A_915 : i1
      %add3A_922 = arith.addi %rem3A_913, %select_n3A_912 : i32
      %select_n3A_923 = arith.select %and3A_921, %add3A_922, %rem3A_913 : i32
      %sub3A_924 = arith.subi %select_n3A_907, %min3A_19 : i32
      %mul3A_925 = arith.constant 40 : i32
      %mul3A_926 = arith.muli %sub3A_924, %mul3A_925 : i32
      %mul3A_927 = arith.constant 40 : i32
      %mul3A_928 = arith.muli %select_n3A_907, %mul3A_927 : i32
      %dma_start3A_929 = arith.constant 0 : i32
      %dma_start3A_930 = tpu.memref_slice %arg4[%mul3A_926, %dma_start3A_929] : memref<80x768xf32, #tpu.memory_space<vmem>> -> memref<40x768xf32, #tpu.memory_space<vmem>>
      %dma_start3A_931 = arith.constant 0 : i32
      %dma_start3A_932 = tpu.memref_slice %arg3[%select_n3A_923, %mul3A_928, %dma_start3A_931] : memref<256x1000x768xf32, #tpu.memory_space<hbm>> -> memref<1x40x768xf32, #tpu.memory_space<hbm>>
      %dma_start3A_933 = tpu.memref_squeeze %dma_start3A_932 : memref<1x40x768xf32, #tpu.memory_space<hbm>> -> memref<40x768xf32, #tpu.memory_space<hbm>>
      %dma_start3A_934 = arith.constant 0 : i32
      %dma_start3A_935 = tpu.memref_slice %arg3[%select_n3A_923, %mul3A_928, %dma_start3A_934] : memref<256x1000x768xf32, #tpu.memory_space<hbm>> -> memref<1x40x768xf32, #tpu.memory_space<hbm>>
      %dma_start3A_936 = tpu.memref_squeeze %dma_start3A_935 : memref<1x40x768xf32, #tpu.memory_space<hbm>> -> memref<40x768xf32, #tpu.memory_space<hbm>>
      %dma_start3A_937 = arith.constant 0 : i32
      %dma_start3A_938 = tpu.memref_slice %arg4[%mul3A_926, %dma_start3A_937] : memref<80x768xf32, #tpu.memory_space<vmem>> -> memref<40x768xf32, #tpu.memory_space<vmem>>
      tpu.enqueue_dma source(%dma_start3A_938 : memref<40x768xf32, #tpu.memory_space<vmem>>) target(%dma_start3A_936 : memref<40x768xf32, #tpu.memory_space<hbm>>) target_semaphore(%arg5 : memref<!tpu.dma_semaphore, #tpu.memory_space<semaphore_mem>>)
      %add3A_939 = arith.constant 16 : i32
      %add3A_940 = arith.addi %add3A_29, %add3A_939 : i32
      %jit3A_941 = arith.constant 256 : i32
      %div3A_942 = arith.divsi %add3A_940, %jit3A_941 : i32
      %sign3A_943 = arith.constant 0 : i32
      %sign3A_944 = arith.cmpi sgt, %add3A_940, %sign3A_943 : i32
      %sign3A_945 = arith.extui %sign3A_944 : i1 to i32
      %sign3A_946 = arith.constant 0 : i32
      %sign3A_947 = arith.cmpi slt, %add3A_940, %sign3A_946 : i32
      %sign3A_948 = arith.extui %sign3A_947 : i1 to i32
      %sign3A_949 = arith.subi %sign3A_945, %sign3A_948 : i32
      %sign3A_950 = arith.constant 0 : i32
      %sign3A_951 = arith.cmpi sgt, %jit3A_941, %sign3A_950 : i32
      %sign3A_952 = arith.extui %sign3A_951 : i1 to i32
      %sign3A_953 = arith.constant 0 : i32
      %sign3A_954 = arith.cmpi slt, %jit3A_941, %sign3A_953 : i32
      %sign3A_955 = arith.extui %sign3A_954 : i1 to i32
      %sign3A_956 = arith.subi %sign3A_952, %sign3A_955 : i32
      %ne3A_957 = arith.cmpi ne, %sign3A_949, %sign3A_956 : i32
      %rem3A_958 = arith.remsi %add3A_940, %jit3A_941 : i32
      %ne3A_959 = arith.constant 0 : i32
      %ne3A_960 = arith.cmpi ne, %rem3A_958, %ne3A_959 : i32
      %and3A_961 = arith.andi %ne3A_957, %ne3A_960 : i1
      %sub3A_962 = arith.constant 1 : i32
      %sub3A_963 = arith.subi %div3A_942, %sub3A_962 : i32
      %select_n3A_964 = arith.select %and3A_961, %sub3A_963, %div3A_942 : i32
      %jit3A_965 = arith.constant 256 : i32
      %eq3A_966 = arith.constant 0 : i32
      %eq3A_967 = arith.cmpi eq, %jit3A_965, %eq3A_966 : i32
      %jit3A_968 = arith.constant 1 : i32
      %select_n3A_969 = arith.select %eq3A_967, %jit3A_968, %jit3A_965 : i32
      %rem3A_970 = arith.remsi %add3A_940, %select_n3A_969 : i32
      %ne3A_971 = arith.constant 0 : i32
      %ne3A_972 = arith.cmpi ne, %rem3A_970, %ne3A_971 : i32
      %lt3A_973 = arith.constant 0 : i32
      %lt3A_974 = arith.cmpi slt, %rem3A_970, %lt3A_973 : i32
      %lt3A_975 = arith.constant 0 : i32
      %lt3A_976 = arith.cmpi slt, %select_n3A_969, %lt3A_975 : i32
      %ne3A_977 = arith.xori %lt3A_974, %lt3A_976 : i1
      %and3A_978 = arith.andi %ne3A_977, %ne3A_972 : i1
      %add3A_979 = arith.addi %rem3A_970, %select_n3A_969 : i32
      %select_n3A_980 = arith.select %and3A_978, %add3A_979, %rem3A_970 : i32
      %sub3A_981 = arith.subi %select_n3A_964, %min3A_19 : i32
      %mul3A_982 = arith.constant 40 : i32
      %mul3A_983 = arith.muli %sub3A_981, %mul3A_982 : i32
      %mul3A_984 = arith.constant 40 : i32
      %mul3A_985 = arith.muli %select_n3A_964, %mul3A_984 : i32
      %dma_start3A_986 = arith.constant 0 : i32
      %dma_start3A_987 = tpu.memref_slice %arg4[%mul3A_983, %dma_start3A_986] : memref<80x768xf32, #tpu.memory_space<vmem>> -> memref<40x768xf32, #tpu.memory_space<vmem>>
      %dma_start3A_988 = arith.constant 0 : i32
      %dma_start3A_989 = tpu.memref_slice %arg3[%select_n3A_980, %mul3A_985, %dma_start3A_988] : memref<256x1000x768xf32, #tpu.memory_space<hbm>> -> memref<1x40x768xf32, #tpu.memory_space<hbm>>
      %dma_start3A_990 = tpu.memref_squeeze %dma_start3A_989 : memref<1x40x768xf32, #tpu.memory_space<hbm>> -> memref<40x768xf32, #tpu.memory_space<hbm>>
      %dma_start3A_991 = arith.constant 0 : i32
      %dma_start3A_992 = tpu.memref_slice %arg3[%select_n3A_980, %mul3A_985, %dma_start3A_991] : memref<256x1000x768xf32, #tpu.memory_space<hbm>> -> memref<1x40x768xf32, #tpu.memory_space<hbm>>
      %dma_start3A_993 = tpu.memref_squeeze %dma_start3A_992 : memref<1x40x768xf32, #tpu.memory_space<hbm>> -> memref<40x768xf32, #tpu.memory_space<hbm>>
      %dma_start3A_994 = arith.constant 0 : i32
      %dma_start3A_995 = tpu.memref_slice %arg4[%mul3A_983, %dma_start3A_994] : memref<80x768xf32, #tpu.memory_space<vmem>> -> memref<40x768xf32, #tpu.memory_space<vmem>>
      tpu.enqueue_dma source(%dma_start3A_995 : memref<40x768xf32, #tpu.memory_space<vmem>>) target(%dma_start3A_993 : memref<40x768xf32, #tpu.memory_space<hbm>>) target_semaphore(%arg5 : memref<!tpu.dma_semaphore, #tpu.memory_space<semaphore_mem>>)
      %add3A_996 = arith.constant 17 : i32
      %add3A_997 = arith.addi %add3A_29, %add3A_996 : i32
      %jit3A_998 = arith.constant 256 : i32
      %div3A_999 = arith.divsi %add3A_997, %jit3A_998 : i32
      %sign3A_1000 = arith.constant 0 : i32
      %sign3A_1001 = arith.cmpi sgt, %add3A_997, %sign3A_1000 : i32
      %sign3A_1002 = arith.extui %sign3A_1001 : i1 to i32
      %sign3A_1003 = arith.constant 0 : i32
      %sign3A_1004 = arith.cmpi slt, %add3A_997, %sign3A_1003 : i32
      %sign3A_1005 = arith.extui %sign3A_1004 : i1 to i32
      %sign3A_1006 = arith.subi %sign3A_1002, %sign3A_1005 : i32
      %sign3A_1007 = arith.constant 0 : i32
      %sign3A_1008 = arith.cmpi sgt, %jit3A_998, %sign3A_1007 : i32
      %sign3A_1009 = arith.extui %sign3A_1008 : i1 to i32
      %sign3A_1010 = arith.constant 0 : i32
      %sign3A_1011 = arith.cmpi slt, %jit3A_998, %sign3A_1010 : i32
      %sign3A_1012 = arith.extui %sign3A_1011 : i1 to i32
      %sign3A_1013 = arith.subi %sign3A_1009, %sign3A_1012 : i32
      %ne3A_1014 = arith.cmpi ne, %sign3A_1006, %sign3A_1013 : i32
      %rem3A_1015 = arith.remsi %add3A_997, %jit3A_998 : i32
      %ne3A_1016 = arith.constant 0 : i32
      %ne3A_1017 = arith.cmpi ne, %rem3A_1015, %ne3A_1016 : i32
      %and3A_1018 = arith.andi %ne3A_1014, %ne3A_1017 : i1
      %sub3A_1019 = arith.constant 1 : i32
      %sub3A_1020 = arith.subi %div3A_999, %sub3A_1019 : i32
      %select_n3A_1021 = arith.select %and3A_1018, %sub3A_1020, %div3A_999 : i32
      %jit3A_1022 = arith.constant 256 : i32
      %eq3A_1023 = arith.constant 0 : i32
      %eq3A_1024 = arith.cmpi eq, %jit3A_1022, %eq3A_1023 : i32
      %jit3A_1025 = arith.constant 1 : i32
      %select_n3A_1026 = arith.select %eq3A_1024, %jit3A_1025, %jit3A_1022 : i32
      %rem3A_1027 = arith.remsi %add3A_997, %select_n3A_1026 : i32
      %ne3A_1028 = arith.constant 0 : i32
      %ne3A_1029 = arith.cmpi ne, %rem3A_1027, %ne3A_1028 : i32
      %lt3A_1030 = arith.constant 0 : i32
      %lt3A_1031 = arith.cmpi slt, %rem3A_1027, %lt3A_1030 : i32
      %lt3A_1032 = arith.constant 0 : i32
      %lt3A_1033 = arith.cmpi slt, %select_n3A_1026, %lt3A_1032 : i32
      %ne3A_1034 = arith.xori %lt3A_1031, %lt3A_1033 : i1
      %and3A_1035 = arith.andi %ne3A_1034, %ne3A_1029 : i1
      %add3A_1036 = arith.addi %rem3A_1027, %select_n3A_1026 : i32
      %select_n3A_1037 = arith.select %and3A_1035, %add3A_1036, %rem3A_1027 : i32
      %sub3A_1038 = arith.subi %select_n3A_1021, %min3A_19 : i32
      %mul3A_1039 = arith.constant 40 : i32
      %mul3A_1040 = arith.muli %sub3A_1038, %mul3A_1039 : i32
      %mul3A_1041 = arith.constant 40 : i32
      %mul3A_1042 = arith.muli %select_n3A_1021, %mul3A_1041 : i32
      %dma_start3A_1043 = arith.constant 0 : i32
      %dma_start3A_1044 = tpu.memref_slice %arg4[%mul3A_1040, %dma_start3A_1043] : memref<80x768xf32, #tpu.memory_space<vmem>> -> memref<40x768xf32, #tpu.memory_space<vmem>>
      %dma_start3A_1045 = arith.constant 0 : i32
      %dma_start3A_1046 = tpu.memref_slice %arg3[%select_n3A_1037, %mul3A_1042, %dma_start3A_1045] : memref<256x1000x768xf32, #tpu.memory_space<hbm>> -> memref<1x40x768xf32, #tpu.memory_space<hbm>>
      %dma_start3A_1047 = tpu.memref_squeeze %dma_start3A_1046 : memref<1x40x768xf32, #tpu.memory_space<hbm>> -> memref<40x768xf32, #tpu.memory_space<hbm>>
      %dma_start3A_1048 = arith.constant 0 : i32
      %dma_start3A_1049 = tpu.memref_slice %arg3[%select_n3A_1037, %mul3A_1042, %dma_start3A_1048] : memref<256x1000x768xf32, #tpu.memory_space<hbm>> -> memref<1x40x768xf32, #tpu.memory_space<hbm>>
      %dma_start3A_1050 = tpu.memref_squeeze %dma_start3A_1049 : memref<1x40x768xf32, #tpu.memory_space<hbm>> -> memref<40x768xf32, #tpu.memory_space<hbm>>
      %dma_start3A_1051 = arith.constant 0 : i32
      %dma_start3A_1052 = tpu.memref_slice %arg4[%mul3A_1040, %dma_start3A_1051] : memref<80x768xf32, #tpu.memory_space<vmem>> -> memref<40x768xf32, #tpu.memory_space<vmem>>
      tpu.enqueue_dma source(%dma_start3A_1052 : memref<40x768xf32, #tpu.memory_space<vmem>>) target(%dma_start3A_1050 : memref<40x768xf32, #tpu.memory_space<hbm>>) target_semaphore(%arg5 : memref<!tpu.dma_semaphore, #tpu.memory_space<semaphore_mem>>)
      %add3A_1053 = arith.constant 18 : i32
      %add3A_1054 = arith.addi %add3A_29, %add3A_1053 : i32
      %jit3A_1055 = arith.constant 256 : i32
      %div3A_1056 = arith.divsi %add3A_1054, %jit3A_1055 : i32
      %sign3A_1057 = arith.constant 0 : i32
      %sign3A_1058 = arith.cmpi sgt, %add3A_1054, %sign3A_1057 : i32
      %sign3A_1059 = arith.extui %sign3A_1058 : i1 to i32
      %sign3A_1060 = arith.constant 0 : i32
      %sign3A_1061 = arith.cmpi slt, %add3A_1054, %sign3A_1060 : i32
      %sign3A_1062 = arith.extui %sign3A_1061 : i1 to i32
      %sign3A_1063 = arith.subi %sign3A_1059, %sign3A_1062 : i32
      %sign3A_1064 = arith.constant 0 : i32
      %sign3A_1065 = arith.cmpi sgt, %jit3A_1055, %sign3A_1064 : i32
      %sign3A_1066 = arith.extui %sign3A_1065 : i1 to i32
      %sign3A_1067 = arith.constant 0 : i32
      %sign3A_1068 = arith.cmpi slt, %jit3A_1055, %sign3A_1067 : i32
      %sign3A_1069 = arith.extui %sign3A_1068 : i1 to i32
      %sign3A_1070 = arith.subi %sign3A_1066, %sign3A_1069 : i32
      %ne3A_1071 = arith.cmpi ne, %sign3A_1063, %sign3A_1070 : i32
      %rem3A_1072 = arith.remsi %add3A_1054, %jit3A_1055 : i32
      %ne3A_1073 = arith.constant 0 : i32
      %ne3A_1074 = arith.cmpi ne, %rem3A_1072, %ne3A_1073 : i32
      %and3A_1075 = arith.andi %ne3A_1071, %ne3A_1074 : i1
      %sub3A_1076 = arith.constant 1 : i32
      %sub3A_1077 = arith.subi %div3A_1056, %sub3A_1076 : i32
      %select_n3A_1078 = arith.select %and3A_1075, %sub3A_1077, %div3A_1056 : i32
      %jit3A_1079 = arith.constant 256 : i32
      %eq3A_1080 = arith.constant 0 : i32
      %eq3A_1081 = arith.cmpi eq, %jit3A_1079, %eq3A_1080 : i32
      %jit3A_1082 = arith.constant 1 : i32
      %select_n3A_1083 = arith.select %eq3A_1081, %jit3A_1082, %jit3A_1079 : i32
      %rem3A_1084 = arith.remsi %add3A_1054, %select_n3A_1083 : i32
      %ne3A_1085 = arith.constant 0 : i32
      %ne3A_1086 = arith.cmpi ne, %rem3A_1084, %ne3A_1085 : i32
      %lt3A_1087 = arith.constant 0 : i32
      %lt3A_1088 = arith.cmpi slt, %rem3A_1084, %lt3A_1087 : i32
      %lt3A_1089 = arith.constant 0 : i32
      %lt3A_1090 = arith.cmpi slt, %select_n3A_1083, %lt3A_1089 : i32
      %ne3A_1091 = arith.xori %lt3A_1088, %lt3A_1090 : i1
      %and3A_1092 = arith.andi %ne3A_1091, %ne3A_1086 : i1
      %add3A_1093 = arith.addi %rem3A_1084, %select_n3A_1083 : i32
      %select_n3A_1094 = arith.select %and3A_1092, %add3A_1093, %rem3A_1084 : i32
      %sub3A_1095 = arith.subi %select_n3A_1078, %min3A_19 : i32
      %mul3A_1096 = arith.constant 40 : i32
      %mul3A_1097 = arith.muli %sub3A_1095, %mul3A_1096 : i32
      %mul3A_1098 = arith.constant 40 : i32
      %mul3A_1099 = arith.muli %select_n3A_1078, %mul3A_1098 : i32
      %dma_start3A_1100 = arith.constant 0 : i32
      %dma_start3A_1101 = tpu.memref_slice %arg4[%mul3A_1097, %dma_start3A_1100] : memref<80x768xf32, #tpu.memory_space<vmem>> -> memref<40x768xf32, #tpu.memory_space<vmem>>
      %dma_start3A_1102 = arith.constant 0 : i32
      %dma_start3A_1103 = tpu.memref_slice %arg3[%select_n3A_1094, %mul3A_1099, %dma_start3A_1102] : memref<256x1000x768xf32, #tpu.memory_space<hbm>> -> memref<1x40x768xf32, #tpu.memory_space<hbm>>
      %dma_start3A_1104 = tpu.memref_squeeze %dma_start3A_1103 : memref<1x40x768xf32, #tpu.memory_space<hbm>> -> memref<40x768xf32, #tpu.memory_space<hbm>>
      %dma_start3A_1105 = arith.constant 0 : i32
      %dma_start3A_1106 = tpu.memref_slice %arg3[%select_n3A_1094, %mul3A_1099, %dma_start3A_1105] : memref<256x1000x768xf32, #tpu.memory_space<hbm>> -> memref<1x40x768xf32, #tpu.memory_space<hbm>>
      %dma_start3A_1107 = tpu.memref_squeeze %dma_start3A_1106 : memref<1x40x768xf32, #tpu.memory_space<hbm>> -> memref<40x768xf32, #tpu.memory_space<hbm>>
      %dma_start3A_1108 = arith.constant 0 : i32
      %dma_start3A_1109 = tpu.memref_slice %arg4[%mul3A_1097, %dma_start3A_1108] : memref<80x768xf32, #tpu.memory_space<vmem>> -> memref<40x768xf32, #tpu.memory_space<vmem>>
      tpu.enqueue_dma source(%dma_start3A_1109 : memref<40x768xf32, #tpu.memory_space<vmem>>) target(%dma_start3A_1107 : memref<40x768xf32, #tpu.memory_space<hbm>>) target_semaphore(%arg5 : memref<!tpu.dma_semaphore, #tpu.memory_space<semaphore_mem>>)
      %add3A_1110 = arith.constant 19 : i32
      %add3A_1111 = arith.addi %add3A_29, %add3A_1110 : i32
      %jit3A_1112 = arith.constant 256 : i32
      %div3A_1113 = arith.divsi %add3A_1111, %jit3A_1112 : i32
      %sign3A_1114 = arith.constant 0 : i32
      %sign3A_1115 = arith.cmpi sgt, %add3A_1111, %sign3A_1114 : i32
      %sign3A_1116 = arith.extui %sign3A_1115 : i1 to i32
      %sign3A_1117 = arith.constant 0 : i32
      %sign3A_1118 = arith.cmpi slt, %add3A_1111, %sign3A_1117 : i32
      %sign3A_1119 = arith.extui %sign3A_1118 : i1 to i32
      %sign3A_1120 = arith.subi %sign3A_1116, %sign3A_1119 : i32
      %sign3A_1121 = arith.constant 0 : i32
      %sign3A_1122 = arith.cmpi sgt, %jit3A_1112, %sign3A_1121 : i32
      %sign3A_1123 = arith.extui %sign3A_1122 : i1 to i32
      %sign3A_1124 = arith.constant 0 : i32
      %sign3A_1125 = arith.cmpi slt, %jit3A_1112, %sign3A_1124 : i32
      %sign3A_1126 = arith.extui %sign3A_1125 : i1 to i32
      %sign3A_1127 = arith.subi %sign3A_1123, %sign3A_1126 : i32
      %ne3A_1128 = arith.cmpi ne, %sign3A_1120, %sign3A_1127 : i32
      %rem3A_1129 = arith.remsi %add3A_1111, %jit3A_1112 : i32
      %ne3A_1130 = arith.constant 0 : i32
      %ne3A_1131 = arith.cmpi ne, %rem3A_1129, %ne3A_1130 : i32
      %and3A_1132 = arith.andi %ne3A_1128, %ne3A_1131 : i1
      %sub3A_1133 = arith.constant 1 : i32
      %sub3A_1134 = arith.subi %div3A_1113, %sub3A_1133 : i32
      %select_n3A_1135 = arith.select %and3A_1132, %sub3A_1134, %div3A_1113 : i32
      %jit3A_1136 = arith.constant 256 : i32
      %eq3A_1137 = arith.constant 0 : i32
      %eq3A_1138 = arith.cmpi eq, %jit3A_1136, %eq3A_1137 : i32
      %jit3A_1139 = arith.constant 1 : i32
      %select_n3A_1140 = arith.select %eq3A_1138, %jit3A_1139, %jit3A_1136 : i32
      %rem3A_1141 = arith.remsi %add3A_1111, %select_n3A_1140 : i32
      %ne3A_1142 = arith.constant 0 : i32
      %ne3A_1143 = arith.cmpi ne, %rem3A_1141, %ne3A_1142 : i32
      %lt3A_1144 = arith.constant 0 : i32
      %lt3A_1145 = arith.cmpi slt, %rem3A_1141, %lt3A_1144 : i32
      %lt3A_1146 = arith.constant 0 : i32
      %lt3A_1147 = arith.cmpi slt, %select_n3A_1140, %lt3A_1146 : i32
      %ne3A_1148 = arith.xori %lt3A_1145, %lt3A_1147 : i1
      %and3A_1149 = arith.andi %ne3A_1148, %ne3A_1143 : i1
      %add3A_1150 = arith.addi %rem3A_1141, %select_n3A_1140 : i32
      %select_n3A_1151 = arith.select %and3A_1149, %add3A_1150, %rem3A_1141 : i32
      %sub3A_1152 = arith.subi %select_n3A_1135, %min3A_19 : i32
      %mul3A_1153 = arith.constant 40 : i32
      %mul3A_1154 = arith.muli %sub3A_1152, %mul3A_1153 : i32
      %mul3A_1155 = arith.constant 40 : i32
      %mul3A_1156 = arith.muli %select_n3A_1135, %mul3A_1155 : i32
      %dma_start3A_1157 = arith.constant 0 : i32
      %dma_start3A_1158 = tpu.memref_slice %arg4[%mul3A_1154, %dma_start3A_1157] : memref<80x768xf32, #tpu.memory_space<vmem>> -> memref<40x768xf32, #tpu.memory_space<vmem>>
      %dma_start3A_1159 = arith.constant 0 : i32
      %dma_start3A_1160 = tpu.memref_slice %arg3[%select_n3A_1151, %mul3A_1156, %dma_start3A_1159] : memref<256x1000x768xf32, #tpu.memory_space<hbm>> -> memref<1x40x768xf32, #tpu.memory_space<hbm>>
      %dma_start3A_1161 = tpu.memref_squeeze %dma_start3A_1160 : memref<1x40x768xf32, #tpu.memory_space<hbm>> -> memref<40x768xf32, #tpu.memory_space<hbm>>
      %dma_start3A_1162 = arith.constant 0 : i32
      %dma_start3A_1163 = tpu.memref_slice %arg3[%select_n3A_1151, %mul3A_1156, %dma_start3A_1162] : memref<256x1000x768xf32, #tpu.memory_space<hbm>> -> memref<1x40x768xf32, #tpu.memory_space<hbm>>
      %dma_start3A_1164 = tpu.memref_squeeze %dma_start3A_1163 : memref<1x40x768xf32, #tpu.memory_space<hbm>> -> memref<40x768xf32, #tpu.memory_space<hbm>>
      %dma_start3A_1165 = arith.constant 0 : i32
      %dma_start3A_1166 = tpu.memref_slice %arg4[%mul3A_1154, %dma_start3A_1165] : memref<80x768xf32, #tpu.memory_space<vmem>> -> memref<40x768xf32, #tpu.memory_space<vmem>>
      tpu.enqueue_dma source(%dma_start3A_1166 : memref<40x768xf32, #tpu.memory_space<vmem>>) target(%dma_start3A_1164 : memref<40x768xf32, #tpu.memory_space<hbm>>) target_semaphore(%arg5 : memref<!tpu.dma_semaphore, #tpu.memory_space<semaphore_mem>>)
      %add3A_1167 = arith.constant 20 : i32
      %add3A_1168 = arith.addi %add3A_29, %add3A_1167 : i32
      %jit3A_1169 = arith.constant 256 : i32
      %div3A_1170 = arith.divsi %add3A_1168, %jit3A_1169 : i32
      %sign3A_1171 = arith.constant 0 : i32
      %sign3A_1172 = arith.cmpi sgt, %add3A_1168, %sign3A_1171 : i32
      %sign3A_1173 = arith.extui %sign3A_1172 : i1 to i32
      %sign3A_1174 = arith.constant 0 : i32
      %sign3A_1175 = arith.cmpi slt, %add3A_1168, %sign3A_1174 : i32
      %sign3A_1176 = arith.extui %sign3A_1175 : i1 to i32
      %sign3A_1177 = arith.subi %sign3A_1173, %sign3A_1176 : i32
      %sign3A_1178 = arith.constant 0 : i32
      %sign3A_1179 = arith.cmpi sgt, %jit3A_1169, %sign3A_1178 : i32
      %sign3A_1180 = arith.extui %sign3A_1179 : i1 to i32
      %sign3A_1181 = arith.constant 0 : i32
      %sign3A_1182 = arith.cmpi slt, %jit3A_1169, %sign3A_1181 : i32
      %sign3A_1183 = arith.extui %sign3A_1182 : i1 to i32
      %sign3A_1184 = arith.subi %sign3A_1180, %sign3A_1183 : i32
      %ne3A_1185 = arith.cmpi ne, %sign3A_1177, %sign3A_1184 : i32
      %rem3A_1186 = arith.remsi %add3A_1168, %jit3A_1169 : i32
      %ne3A_1187 = arith.constant 0 : i32
      %ne3A_1188 = arith.cmpi ne, %rem3A_1186, %ne3A_1187 : i32
      %and3A_1189 = arith.andi %ne3A_1185, %ne3A_1188 : i1
      %sub3A_1190 = arith.constant 1 : i32
      %sub3A_1191 = arith.subi %div3A_1170, %sub3A_1190 : i32
      %select_n3A_1192 = arith.select %and3A_1189, %sub3A_1191, %div3A_1170 : i32
      %jit3A_1193 = arith.constant 256 : i32
      %eq3A_1194 = arith.constant 0 : i32
      %eq3A_1195 = arith.cmpi eq, %jit3A_1193, %eq3A_1194 : i32
      %jit3A_1196 = arith.constant 1 : i32
      %select_n3A_1197 = arith.select %eq3A_1195, %jit3A_1196, %jit3A_1193 : i32
      %rem3A_1198 = arith.remsi %add3A_1168, %select_n3A_1197 : i32
      %ne3A_1199 = arith.constant 0 : i32
      %ne3A_1200 = arith.cmpi ne, %rem3A_1198, %ne3A_1199 : i32
      %lt3A_1201 = arith.constant 0 : i32
      %lt3A_1202 = arith.cmpi slt, %rem3A_1198, %lt3A_1201 : i32
      %lt3A_1203 = arith.constant 0 : i32
      %lt3A_1204 = arith.cmpi slt, %select_n3A_1197, %lt3A_1203 : i32
      %ne3A_1205 = arith.xori %lt3A_1202, %lt3A_1204 : i1
      %and3A_1206 = arith.andi %ne3A_1205, %ne3A_1200 : i1
      %add3A_1207 = arith.addi %rem3A_1198, %select_n3A_1197 : i32
      %select_n3A_1208 = arith.select %and3A_1206, %add3A_1207, %rem3A_1198 : i32
      %sub3A_1209 = arith.subi %select_n3A_1192, %min3A_19 : i32
      %mul3A_1210 = arith.constant 40 : i32
      %mul3A_1211 = arith.muli %sub3A_1209, %mul3A_1210 : i32
      %mul3A_1212 = arith.constant 40 : i32
      %mul3A_1213 = arith.muli %select_n3A_1192, %mul3A_1212 : i32
      %dma_start3A_1214 = arith.constant 0 : i32
      %dma_start3A_1215 = tpu.memref_slice %arg4[%mul3A_1211, %dma_start3A_1214] : memref<80x768xf32, #tpu.memory_space<vmem>> -> memref<40x768xf32, #tpu.memory_space<vmem>>
      %dma_start3A_1216 = arith.constant 0 : i32
      %dma_start3A_1217 = tpu.memref_slice %arg3[%select_n3A_1208, %mul3A_1213, %dma_start3A_1216] : memref<256x1000x768xf32, #tpu.memory_space<hbm>> -> memref<1x40x768xf32, #tpu.memory_space<hbm>>
      %dma_start3A_1218 = tpu.memref_squeeze %dma_start3A_1217 : memref<1x40x768xf32, #tpu.memory_space<hbm>> -> memref<40x768xf32, #tpu.memory_space<hbm>>
      %dma_start3A_1219 = arith.constant 0 : i32
      %dma_start3A_1220 = tpu.memref_slice %arg3[%select_n3A_1208, %mul3A_1213, %dma_start3A_1219] : memref<256x1000x768xf32, #tpu.memory_space<hbm>> -> memref<1x40x768xf32, #tpu.memory_space<hbm>>
      %dma_start3A_1221 = tpu.memref_squeeze %dma_start3A_1220 : memref<1x40x768xf32, #tpu.memory_space<hbm>> -> memref<40x768xf32, #tpu.memory_space<hbm>>
      %dma_start3A_1222 = arith.constant 0 : i32
      %dma_start3A_1223 = tpu.memref_slice %arg4[%mul3A_1211, %dma_start3A_1222] : memref<80x768xf32, #tpu.memory_space<vmem>> -> memref<40x768xf32, #tpu.memory_space<vmem>>
      tpu.enqueue_dma source(%dma_start3A_1223 : memref<40x768xf32, #tpu.memory_space<vmem>>) target(%dma_start3A_1221 : memref<40x768xf32, #tpu.memory_space<hbm>>) target_semaphore(%arg5 : memref<!tpu.dma_semaphore, #tpu.memory_space<semaphore_mem>>)
      %add3A_1224 = arith.constant 21 : i32
      %add3A_1225 = arith.addi %add3A_29, %add3A_1224 : i32
      %jit3A_1226 = arith.constant 256 : i32
      %div3A_1227 = arith.divsi %add3A_1225, %jit3A_1226 : i32
      %sign3A_1228 = arith.constant 0 : i32
      %sign3A_1229 = arith.cmpi sgt, %add3A_1225, %sign3A_1228 : i32
      %sign3A_1230 = arith.extui %sign3A_1229 : i1 to i32
      %sign3A_1231 = arith.constant 0 : i32
      %sign3A_1232 = arith.cmpi slt, %add3A_1225, %sign3A_1231 : i32
      %sign3A_1233 = arith.extui %sign3A_1232 : i1 to i32
      %sign3A_1234 = arith.subi %sign3A_1230, %sign3A_1233 : i32
      %sign3A_1235 = arith.constant 0 : i32
      %sign3A_1236 = arith.cmpi sgt, %jit3A_1226, %sign3A_1235 : i32
      %sign3A_1237 = arith.extui %sign3A_1236 : i1 to i32
      %sign3A_1238 = arith.constant 0 : i32
      %sign3A_1239 = arith.cmpi slt, %jit3A_1226, %sign3A_1238 : i32
      %sign3A_1240 = arith.extui %sign3A_1239 : i1 to i32
      %sign3A_1241 = arith.subi %sign3A_1237, %sign3A_1240 : i32
      %ne3A_1242 = arith.cmpi ne, %sign3A_1234, %sign3A_1241 : i32
      %rem3A_1243 = arith.remsi %add3A_1225, %jit3A_1226 : i32
      %ne3A_1244 = arith.constant 0 : i32
      %ne3A_1245 = arith.cmpi ne, %rem3A_1243, %ne3A_1244 : i32
      %and3A_1246 = arith.andi %ne3A_1242, %ne3A_1245 : i1
      %sub3A_1247 = arith.constant 1 : i32
      %sub3A_1248 = arith.subi %div3A_1227, %sub3A_1247 : i32
      %select_n3A_1249 = arith.select %and3A_1246, %sub3A_1248, %div3A_1227 : i32
      %jit3A_1250 = arith.constant 256 : i32
      %eq3A_1251 = arith.constant 0 : i32
      %eq3A_1252 = arith.cmpi eq, %jit3A_1250, %eq3A_1251 : i32
      %jit3A_1253 = arith.constant 1 : i32
      %select_n3A_1254 = arith.select %eq3A_1252, %jit3A_1253, %jit3A_1250 : i32
      %rem3A_1255 = arith.remsi %add3A_1225, %select_n3A_1254 : i32
      %ne3A_1256 = arith.constant 0 : i32
      %ne3A_1257 = arith.cmpi ne, %rem3A_1255, %ne3A_1256 : i32
      %lt3A_1258 = arith.constant 0 : i32
      %lt3A_1259 = arith.cmpi slt, %rem3A_1255, %lt3A_1258 : i32
      %lt3A_1260 = arith.constant 0 : i32
      %lt3A_1261 = arith.cmpi slt, %select_n3A_1254, %lt3A_1260 : i32
      %ne3A_1262 = arith.xori %lt3A_1259, %lt3A_1261 : i1
      %and3A_1263 = arith.andi %ne3A_1262, %ne3A_1257 : i1
      %add3A_1264 = arith.addi %rem3A_1255, %select_n3A_1254 : i32
      %select_n3A_1265 = arith.select %and3A_1263, %add3A_1264, %rem3A_1255 : i32
      %sub3A_1266 = arith.subi %select_n3A_1249, %min3A_19 : i32
      %mul3A_1267 = arith.constant 40 : i32
      %mul3A_1268 = arith.muli %sub3A_1266, %mul3A_1267 : i32
      %mul3A_1269 = arith.constant 40 : i32
      %mul3A_1270 = arith.muli %select_n3A_1249, %mul3A_1269 : i32
      %dma_start3A_1271 = arith.constant 0 : i32
      %dma_start3A_1272 = tpu.memref_slice %arg4[%mul3A_1268, %dma_start3A_1271] : memref<80x768xf32, #tpu.memory_space<vmem>> -> memref<40x768xf32, #tpu.memory_space<vmem>>
      %dma_start3A_1273 = arith.constant 0 : i32
      %dma_start3A_1274 = tpu.memref_slice %arg3[%select_n3A_1265, %mul3A_1270, %dma_start3A_1273] : memref<256x1000x768xf32, #tpu.memory_space<hbm>> -> memref<1x40x768xf32, #tpu.memory_space<hbm>>
      %dma_start3A_1275 = tpu.memref_squeeze %dma_start3A_1274 : memref<1x40x768xf32, #tpu.memory_space<hbm>> -> memref<40x768xf32, #tpu.memory_space<hbm>>
      %dma_start3A_1276 = arith.constant 0 : i32
      %dma_start3A_1277 = tpu.memref_slice %arg3[%select_n3A_1265, %mul3A_1270, %dma_start3A_1276] : memref<256x1000x768xf32, #tpu.memory_space<hbm>> -> memref<1x40x768xf32, #tpu.memory_space<hbm>>
      %dma_start3A_1278 = tpu.memref_squeeze %dma_start3A_1277 : memref<1x40x768xf32, #tpu.memory_space<hbm>> -> memref<40x768xf32, #tpu.memory_space<hbm>>
      %dma_start3A_1279 = arith.constant 0 : i32
      %dma_start3A_1280 = tpu.memref_slice %arg4[%mul3A_1268, %dma_start3A_1279] : memref<80x768xf32, #tpu.memory_space<vmem>> -> memref<40x768xf32, #tpu.memory_space<vmem>>
      tpu.enqueue_dma source(%dma_start3A_1280 : memref<40x768xf32, #tpu.memory_space<vmem>>) target(%dma_start3A_1278 : memref<40x768xf32, #tpu.memory_space<hbm>>) target_semaphore(%arg5 : memref<!tpu.dma_semaphore, #tpu.memory_space<semaphore_mem>>)
      %add3A_1281 = arith.constant 22 : i32
      %add3A_1282 = arith.addi %add3A_29, %add3A_1281 : i32
      %jit3A_1283 = arith.constant 256 : i32
      %div3A_1284 = arith.divsi %add3A_1282, %jit3A_1283 : i32
      %sign3A_1285 = arith.constant 0 : i32
      %sign3A_1286 = arith.cmpi sgt, %add3A_1282, %sign3A_1285 : i32
      %sign3A_1287 = arith.extui %sign3A_1286 : i1 to i32
      %sign3A_1288 = arith.constant 0 : i32
      %sign3A_1289 = arith.cmpi slt, %add3A_1282, %sign3A_1288 : i32
      %sign3A_1290 = arith.extui %sign3A_1289 : i1 to i32
      %sign3A_1291 = arith.subi %sign3A_1287, %sign3A_1290 : i32
      %sign3A_1292 = arith.constant 0 : i32
      %sign3A_1293 = arith.cmpi sgt, %jit3A_1283, %sign3A_1292 : i32
      %sign3A_1294 = arith.extui %sign3A_1293 : i1 to i32
      %sign3A_1295 = arith.constant 0 : i32
      %sign3A_1296 = arith.cmpi slt, %jit3A_1283, %sign3A_1295 : i32
      %sign3A_1297 = arith.extui %sign3A_1296 : i1 to i32
      %sign3A_1298 = arith.subi %sign3A_1294, %sign3A_1297 : i32
      %ne3A_1299 = arith.cmpi ne, %sign3A_1291, %sign3A_1298 : i32
      %rem3A_1300 = arith.remsi %add3A_1282, %jit3A_1283 : i32
      %ne3A_1301 = arith.constant 0 : i32
      %ne3A_1302 = arith.cmpi ne, %rem3A_1300, %ne3A_1301 : i32
      %and3A_1303 = arith.andi %ne3A_1299, %ne3A_1302 : i1
      %sub3A_1304 = arith.constant 1 : i32
      %sub3A_1305 = arith.subi %div3A_1284, %sub3A_1304 : i32
      %select_n3A_1306 = arith.select %and3A_1303, %sub3A_1305, %div3A_1284 : i32
      %jit3A_1307 = arith.constant 256 : i32
      %eq3A_1308 = arith.constant 0 : i32
      %eq3A_1309 = arith.cmpi eq, %jit3A_1307, %eq3A_1308 : i32
      %jit3A_1310 = arith.constant 1 : i32
      %select_n3A_1311 = arith.select %eq3A_1309, %jit3A_1310, %jit3A_1307 : i32
      %rem3A_1312 = arith.remsi %add3A_1282, %select_n3A_1311 : i32
      %ne3A_1313 = arith.constant 0 : i32
      %ne3A_1314 = arith.cmpi ne, %rem3A_1312, %ne3A_1313 : i32
      %lt3A_1315 = arith.constant 0 : i32
      %lt3A_1316 = arith.cmpi slt, %rem3A_1312, %lt3A_1315 : i32
      %lt3A_1317 = arith.constant 0 : i32
      %lt3A_1318 = arith.cmpi slt, %select_n3A_1311, %lt3A_1317 : i32
      %ne3A_1319 = arith.xori %lt3A_1316, %lt3A_1318 : i1
      %and3A_1320 = arith.andi %ne3A_1319, %ne3A_1314 : i1
      %add3A_1321 = arith.addi %rem3A_1312, %select_n3A_1311 : i32
      %select_n3A_1322 = arith.select %and3A_1320, %add3A_1321, %rem3A_1312 : i32
      %sub3A_1323 = arith.subi %select_n3A_1306, %min3A_19 : i32
      %mul3A_1324 = arith.constant 40 : i32
      %mul3A_1325 = arith.muli %sub3A_1323, %mul3A_1324 : i32
      %mul3A_1326 = arith.constant 40 : i32
      %mul3A_1327 = arith.muli %select_n3A_1306, %mul3A_1326 : i32
      %dma_start3A_1328 = arith.constant 0 : i32
      %dma_start3A_1329 = tpu.memref_slice %arg4[%mul3A_1325, %dma_start3A_1328] : memref<80x768xf32, #tpu.memory_space<vmem>> -> memref<40x768xf32, #tpu.memory_space<vmem>>
      %dma_start3A_1330 = arith.constant 0 : i32
      %dma_start3A_1331 = tpu.memref_slice %arg3[%select_n3A_1322, %mul3A_1327, %dma_start3A_1330] : memref<256x1000x768xf32, #tpu.memory_space<hbm>> -> memref<1x40x768xf32, #tpu.memory_space<hbm>>
      %dma_start3A_1332 = tpu.memref_squeeze %dma_start3A_1331 : memref<1x40x768xf32, #tpu.memory_space<hbm>> -> memref<40x768xf32, #tpu.memory_space<hbm>>
      %dma_start3A_1333 = arith.constant 0 : i32
      %dma_start3A_1334 = tpu.memref_slice %arg3[%select_n3A_1322, %mul3A_1327, %dma_start3A_1333] : memref<256x1000x768xf32, #tpu.memory_space<hbm>> -> memref<1x40x768xf32, #tpu.memory_space<hbm>>
      %dma_start3A_1335 = tpu.memref_squeeze %dma_start3A_1334 : memref<1x40x768xf32, #tpu.memory_space<hbm>> -> memref<40x768xf32, #tpu.memory_space<hbm>>
      %dma_start3A_1336 = arith.constant 0 : i32
      %dma_start3A_1337 = tpu.memref_slice %arg4[%mul3A_1325, %dma_start3A_1336] : memref<80x768xf32, #tpu.memory_space<vmem>> -> memref<40x768xf32, #tpu.memory_space<vmem>>
      tpu.enqueue_dma source(%dma_start3A_1337 : memref<40x768xf32, #tpu.memory_space<vmem>>) target(%dma_start3A_1335 : memref<40x768xf32, #tpu.memory_space<hbm>>) target_semaphore(%arg5 : memref<!tpu.dma_semaphore, #tpu.memory_space<semaphore_mem>>)
      %add3A_1338 = arith.constant 23 : i32
      %add3A_1339 = arith.addi %add3A_29, %add3A_1338 : i32
      %jit3A_1340 = arith.constant 256 : i32
      %div3A_1341 = arith.divsi %add3A_1339, %jit3A_1340 : i32
      %sign3A_1342 = arith.constant 0 : i32
      %sign3A_1343 = arith.cmpi sgt, %add3A_1339, %sign3A_1342 : i32
      %sign3A_1344 = arith.extui %sign3A_1343 : i1 to i32
      %sign3A_1345 = arith.constant 0 : i32
      %sign3A_1346 = arith.cmpi slt, %add3A_1339, %sign3A_1345 : i32
      %sign3A_1347 = arith.extui %sign3A_1346 : i1 to i32
      %sign3A_1348 = arith.subi %sign3A_1344, %sign3A_1347 : i32
      %sign3A_1349 = arith.constant 0 : i32
      %sign3A_1350 = arith.cmpi sgt, %jit3A_1340, %sign3A_1349 : i32
      %sign3A_1351 = arith.extui %sign3A_1350 : i1 to i32
      %sign3A_1352 = arith.constant 0 : i32
      %sign3A_1353 = arith.cmpi slt, %jit3A_1340, %sign3A_1352 : i32
      %sign3A_1354 = arith.extui %sign3A_1353 : i1 to i32
      %sign3A_1355 = arith.subi %sign3A_1351, %sign3A_1354 : i32
      %ne3A_1356 = arith.cmpi ne, %sign3A_1348, %sign3A_1355 : i32
      %rem3A_1357 = arith.remsi %add3A_1339, %jit3A_1340 : i32
      %ne3A_1358 = arith.constant 0 : i32
      %ne3A_1359 = arith.cmpi ne, %rem3A_1357, %ne3A_1358 : i32
      %and3A_1360 = arith.andi %ne3A_1356, %ne3A_1359 : i1
      %sub3A_1361 = arith.constant 1 : i32
      %sub3A_1362 = arith.subi %div3A_1341, %sub3A_1361 : i32
      %select_n3A_1363 = arith.select %and3A_1360, %sub3A_1362, %div3A_1341 : i32
      %jit3A_1364 = arith.constant 256 : i32
      %eq3A_1365 = arith.constant 0 : i32
      %eq3A_1366 = arith.cmpi eq, %jit3A_1364, %eq3A_1365 : i32
      %jit3A_1367 = arith.constant 1 : i32
      %select_n3A_1368 = arith.select %eq3A_1366, %jit3A_1367, %jit3A_1364 : i32
      %rem3A_1369 = arith.remsi %add3A_1339, %select_n3A_1368 : i32
      %ne3A_1370 = arith.constant 0 : i32
      %ne3A_1371 = arith.cmpi ne, %rem3A_1369, %ne3A_1370 : i32
      %lt3A_1372 = arith.constant 0 : i32
      %lt3A_1373 = arith.cmpi slt, %rem3A_1369, %lt3A_1372 : i32
      %lt3A_1374 = arith.constant 0 : i32
      %lt3A_1375 = arith.cmpi slt, %select_n3A_1368, %lt3A_1374 : i32
      %ne3A_1376 = arith.xori %lt3A_1373, %lt3A_1375 : i1
      %and3A_1377 = arith.andi %ne3A_1376, %ne3A_1371 : i1
      %add3A_1378 = arith.addi %rem3A_1369, %select_n3A_1368 : i32
      %select_n3A_1379 = arith.select %and3A_1377, %add3A_1378, %rem3A_1369 : i32
      %sub3A_1380 = arith.subi %select_n3A_1363, %min3A_19 : i32
      %mul3A_1381 = arith.constant 40 : i32
      %mul3A_1382 = arith.muli %sub3A_1380, %mul3A_1381 : i32
      %mul3A_1383 = arith.constant 40 : i32
      %mul3A_1384 = arith.muli %select_n3A_1363, %mul3A_1383 : i32
      %dma_start3A_1385 = arith.constant 0 : i32
      %dma_start3A_1386 = tpu.memref_slice %arg4[%mul3A_1382, %dma_start3A_1385] : memref<80x768xf32, #tpu.memory_space<vmem>> -> memref<40x768xf32, #tpu.memory_space<vmem>>
      %dma_start3A_1387 = arith.constant 0 : i32
      %dma_start3A_1388 = tpu.memref_slice %arg3[%select_n3A_1379, %mul3A_1384, %dma_start3A_1387] : memref<256x1000x768xf32, #tpu.memory_space<hbm>> -> memref<1x40x768xf32, #tpu.memory_space<hbm>>
      %dma_start3A_1389 = tpu.memref_squeeze %dma_start3A_1388 : memref<1x40x768xf32, #tpu.memory_space<hbm>> -> memref<40x768xf32, #tpu.memory_space<hbm>>
      %dma_start3A_1390 = arith.constant 0 : i32
      %dma_start3A_1391 = tpu.memref_slice %arg3[%select_n3A_1379, %mul3A_1384, %dma_start3A_1390] : memref<256x1000x768xf32, #tpu.memory_space<hbm>> -> memref<1x40x768xf32, #tpu.memory_space<hbm>>
      %dma_start3A_1392 = tpu.memref_squeeze %dma_start3A_1391 : memref<1x40x768xf32, #tpu.memory_space<hbm>> -> memref<40x768xf32, #tpu.memory_space<hbm>>
      %dma_start3A_1393 = arith.constant 0 : i32
      %dma_start3A_1394 = tpu.memref_slice %arg4[%mul3A_1382, %dma_start3A_1393] : memref<80x768xf32, #tpu.memory_space<vmem>> -> memref<40x768xf32, #tpu.memory_space<vmem>>
      tpu.enqueue_dma source(%dma_start3A_1394 : memref<40x768xf32, #tpu.memory_space<vmem>>) target(%dma_start3A_1392 : memref<40x768xf32, #tpu.memory_space<hbm>>) target_semaphore(%arg5 : memref<!tpu.dma_semaphore, #tpu.memory_space<semaphore_mem>>)
      %add3A_1395 = arith.constant 24 : i32
      %add3A_1396 = arith.addi %add3A_29, %add3A_1395 : i32
      %jit3A_1397 = arith.constant 256 : i32
      %div3A_1398 = arith.divsi %add3A_1396, %jit3A_1397 : i32
      %sign3A_1399 = arith.constant 0 : i32
      %sign3A_1400 = arith.cmpi sgt, %add3A_1396, %sign3A_1399 : i32
      %sign3A_1401 = arith.extui %sign3A_1400 : i1 to i32
      %sign3A_1402 = arith.constant 0 : i32
      %sign3A_1403 = arith.cmpi slt, %add3A_1396, %sign3A_1402 : i32
      %sign3A_1404 = arith.extui %sign3A_1403 : i1 to i32
      %sign3A_1405 = arith.subi %sign3A_1401, %sign3A_1404 : i32
      %sign3A_1406 = arith.constant 0 : i32
      %sign3A_1407 = arith.cmpi sgt, %jit3A_1397, %sign3A_1406 : i32
      %sign3A_1408 = arith.extui %sign3A_1407 : i1 to i32
      %sign3A_1409 = arith.constant 0 : i32
      %sign3A_1410 = arith.cmpi slt, %jit3A_1397, %sign3A_1409 : i32
      %sign3A_1411 = arith.extui %sign3A_1410 : i1 to i32
      %sign3A_1412 = arith.subi %sign3A_1408, %sign3A_1411 : i32
      %ne3A_1413 = arith.cmpi ne, %sign3A_1405, %sign3A_1412 : i32
      %rem3A_1414 = arith.remsi %add3A_1396, %jit3A_1397 : i32
      %ne3A_1415 = arith.constant 0 : i32
      %ne3A_1416 = arith.cmpi ne, %rem3A_1414, %ne3A_1415 : i32
      %and3A_1417 = arith.andi %ne3A_1413, %ne3A_1416 : i1
      %sub3A_1418 = arith.constant 1 : i32
      %sub3A_1419 = arith.subi %div3A_1398, %sub3A_1418 : i32
      %select_n3A_1420 = arith.select %and3A_1417, %sub3A_1419, %div3A_1398 : i32
      %jit3A_1421 = arith.constant 256 : i32
      %eq3A_1422 = arith.constant 0 : i32
      %eq3A_1423 = arith.cmpi eq, %jit3A_1421, %eq3A_1422 : i32
      %jit3A_1424 = arith.constant 1 : i32
      %select_n3A_1425 = arith.select %eq3A_1423, %jit3A_1424, %jit3A_1421 : i32
      %rem3A_1426 = arith.remsi %add3A_1396, %select_n3A_1425 : i32
      %ne3A_1427 = arith.constant 0 : i32
      %ne3A_1428 = arith.cmpi ne, %rem3A_1426, %ne3A_1427 : i32
      %lt3A_1429 = arith.constant 0 : i32
      %lt3A_1430 = arith.cmpi slt, %rem3A_1426, %lt3A_1429 : i32
      %lt3A_1431 = arith.constant 0 : i32
      %lt3A_1432 = arith.cmpi slt, %select_n3A_1425, %lt3A_1431 : i32
      %ne3A_1433 = arith.xori %lt3A_1430, %lt3A_1432 : i1
      %and3A_1434 = arith.andi %ne3A_1433, %ne3A_1428 : i1
      %add3A_1435 = arith.addi %rem3A_1426, %select_n3A_1425 : i32
      %select_n3A_1436 = arith.select %and3A_1434, %add3A_1435, %rem3A_1426 : i32
      %sub3A_1437 = arith.subi %select_n3A_1420, %min3A_19 : i32
      %mul3A_1438 = arith.constant 40 : i32
      %mul3A_1439 = arith.muli %sub3A_1437, %mul3A_1438 : i32
      %mul3A_1440 = arith.constant 40 : i32
      %mul3A_1441 = arith.muli %select_n3A_1420, %mul3A_1440 : i32
      %dma_start3A_1442 = arith.constant 0 : i32
      %dma_start3A_1443 = tpu.memref_slice %arg4[%mul3A_1439, %dma_start3A_1442] : memref<80x768xf32, #tpu.memory_space<vmem>> -> memref<40x768xf32, #tpu.memory_space<vmem>>
      %dma_start3A_1444 = arith.constant 0 : i32
      %dma_start3A_1445 = tpu.memref_slice %arg3[%select_n3A_1436, %mul3A_1441, %dma_start3A_1444] : memref<256x1000x768xf32, #tpu.memory_space<hbm>> -> memref<1x40x768xf32, #tpu.memory_space<hbm>>
      %dma_start3A_1446 = tpu.memref_squeeze %dma_start3A_1445 : memref<1x40x768xf32, #tpu.memory_space<hbm>> -> memref<40x768xf32, #tpu.memory_space<hbm>>
      %dma_start3A_1447 = arith.constant 0 : i32
      %dma_start3A_1448 = tpu.memref_slice %arg3[%select_n3A_1436, %mul3A_1441, %dma_start3A_1447] : memref<256x1000x768xf32, #tpu.memory_space<hbm>> -> memref<1x40x768xf32, #tpu.memory_space<hbm>>
      %dma_start3A_1449 = tpu.memref_squeeze %dma_start3A_1448 : memref<1x40x768xf32, #tpu.memory_space<hbm>> -> memref<40x768xf32, #tpu.memory_space<hbm>>
      %dma_start3A_1450 = arith.constant 0 : i32
      %dma_start3A_1451 = tpu.memref_slice %arg4[%mul3A_1439, %dma_start3A_1450] : memref<80x768xf32, #tpu.memory_space<vmem>> -> memref<40x768xf32, #tpu.memory_space<vmem>>
      tpu.enqueue_dma source(%dma_start3A_1451 : memref<40x768xf32, #tpu.memory_space<vmem>>) target(%dma_start3A_1449 : memref<40x768xf32, #tpu.memory_space<hbm>>) target_semaphore(%arg5 : memref<!tpu.dma_semaphore, #tpu.memory_space<semaphore_mem>>)
      %add3A_1452 = arith.constant 25 : i32
      %add3A_1453 = arith.addi %add3A_29, %add3A_1452 : i32
      %jit3A_1454 = arith.constant 256 : i32
      %div3A_1455 = arith.divsi %add3A_1453, %jit3A_1454 : i32
      %sign3A_1456 = arith.constant 0 : i32
      %sign3A_1457 = arith.cmpi sgt, %add3A_1453, %sign3A_1456 : i32
      %sign3A_1458 = arith.extui %sign3A_1457 : i1 to i32
      %sign3A_1459 = arith.constant 0 : i32
      %sign3A_1460 = arith.cmpi slt, %add3A_1453, %sign3A_1459 : i32
      %sign3A_1461 = arith.extui %sign3A_1460 : i1 to i32
      %sign3A_1462 = arith.subi %sign3A_1458, %sign3A_1461 : i32
      %sign3A_1463 = arith.constant 0 : i32
      %sign3A_1464 = arith.cmpi sgt, %jit3A_1454, %sign3A_1463 : i32
      %sign3A_1465 = arith.extui %sign3A_1464 : i1 to i32
      %sign3A_1466 = arith.constant 0 : i32
      %sign3A_1467 = arith.cmpi slt, %jit3A_1454, %sign3A_1466 : i32
      %sign3A_1468 = arith.extui %sign3A_1467 : i1 to i32
      %sign3A_1469 = arith.subi %sign3A_1465, %sign3A_1468 : i32
      %ne3A_1470 = arith.cmpi ne, %sign3A_1462, %sign3A_1469 : i32
      %rem3A_1471 = arith.remsi %add3A_1453, %jit3A_1454 : i32
      %ne3A_1472 = arith.constant 0 : i32
      %ne3A_1473 = arith.cmpi ne, %rem3A_1471, %ne3A_1472 : i32
      %and3A_1474 = arith.andi %ne3A_1470, %ne3A_1473 : i1
      %sub3A_1475 = arith.constant 1 : i32
      %sub3A_1476 = arith.subi %div3A_1455, %sub3A_1475 : i32
      %select_n3A_1477 = arith.select %and3A_1474, %sub3A_1476, %div3A_1455 : i32
      %jit3A_1478 = arith.constant 256 : i32
      %eq3A_1479 = arith.constant 0 : i32
      %eq3A_1480 = arith.cmpi eq, %jit3A_1478, %eq3A_1479 : i32
      %jit3A_1481 = arith.constant 1 : i32
      %select_n3A_1482 = arith.select %eq3A_1480, %jit3A_1481, %jit3A_1478 : i32
      %rem3A_1483 = arith.remsi %add3A_1453, %select_n3A_1482 : i32
      %ne3A_1484 = arith.constant 0 : i32
      %ne3A_1485 = arith.cmpi ne, %rem3A_1483, %ne3A_1484 : i32
      %lt3A_1486 = arith.constant 0 : i32
      %lt3A_1487 = arith.cmpi slt, %rem3A_1483, %lt3A_1486 : i32
      %lt3A_1488 = arith.constant 0 : i32
      %lt3A_1489 = arith.cmpi slt, %select_n3A_1482, %lt3A_1488 : i32
      %ne3A_1490 = arith.xori %lt3A_1487, %lt3A_1489 : i1
      %and3A_1491 = arith.andi %ne3A_1490, %ne3A_1485 : i1
      %add3A_1492 = arith.addi %rem3A_1483, %select_n3A_1482 : i32
      %select_n3A_1493 = arith.select %and3A_1491, %add3A_1492, %rem3A_1483 : i32
      %sub3A_1494 = arith.subi %select_n3A_1477, %min3A_19 : i32
      %mul3A_1495 = arith.constant 40 : i32
      %mul3A_1496 = arith.muli %sub3A_1494, %mul3A_1495 : i32
      %mul3A_1497 = arith.constant 40 : i32
      %mul3A_1498 = arith.muli %select_n3A_1477, %mul3A_1497 : i32
      %dma_start3A_1499 = arith.constant 0 : i32
      %dma_start3A_1500 = tpu.memref_slice %arg4[%mul3A_1496, %dma_start3A_1499] : memref<80x768xf32, #tpu.memory_space<vmem>> -> memref<40x768xf32, #tpu.memory_space<vmem>>
      %dma_start3A_1501 = arith.constant 0 : i32
      %dma_start3A_1502 = tpu.memref_slice %arg3[%select_n3A_1493, %mul3A_1498, %dma_start3A_1501] : memref<256x1000x768xf32, #tpu.memory_space<hbm>> -> memref<1x40x768xf32, #tpu.memory_space<hbm>>
      %dma_start3A_1503 = tpu.memref_squeeze %dma_start3A_1502 : memref<1x40x768xf32, #tpu.memory_space<hbm>> -> memref<40x768xf32, #tpu.memory_space<hbm>>
      %dma_start3A_1504 = arith.constant 0 : i32
      %dma_start3A_1505 = tpu.memref_slice %arg3[%select_n3A_1493, %mul3A_1498, %dma_start3A_1504] : memref<256x1000x768xf32, #tpu.memory_space<hbm>> -> memref<1x40x768xf32, #tpu.memory_space<hbm>>
      %dma_start3A_1506 = tpu.memref_squeeze %dma_start3A_1505 : memref<1x40x768xf32, #tpu.memory_space<hbm>> -> memref<40x768xf32, #tpu.memory_space<hbm>>
      %dma_start3A_1507 = arith.constant 0 : i32
      %dma_start3A_1508 = tpu.memref_slice %arg4[%mul3A_1496, %dma_start3A_1507] : memref<80x768xf32, #tpu.memory_space<vmem>> -> memref<40x768xf32, #tpu.memory_space<vmem>>
      tpu.enqueue_dma source(%dma_start3A_1508 : memref<40x768xf32, #tpu.memory_space<vmem>>) target(%dma_start3A_1506 : memref<40x768xf32, #tpu.memory_space<hbm>>) target_semaphore(%arg5 : memref<!tpu.dma_semaphore, #tpu.memory_space<semaphore_mem>>)
      %add3A_1509 = arith.constant 26 : i32
      %add3A_1510 = arith.addi %add3A_29, %add3A_1509 : i32
      %jit3A_1511 = arith.constant 256 : i32
      %div3A_1512 = arith.divsi %add3A_1510, %jit3A_1511 : i32
      %sign3A_1513 = arith.constant 0 : i32
      %sign3A_1514 = arith.cmpi sgt, %add3A_1510, %sign3A_1513 : i32
      %sign3A_1515 = arith.extui %sign3A_1514 : i1 to i32
      %sign3A_1516 = arith.constant 0 : i32
      %sign3A_1517 = arith.cmpi slt, %add3A_1510, %sign3A_1516 : i32
      %sign3A_1518 = arith.extui %sign3A_1517 : i1 to i32
      %sign3A_1519 = arith.subi %sign3A_1515, %sign3A_1518 : i32
      %sign3A_1520 = arith.constant 0 : i32
      %sign3A_1521 = arith.cmpi sgt, %jit3A_1511, %sign3A_1520 : i32
      %sign3A_1522 = arith.extui %sign3A_1521 : i1 to i32
      %sign3A_1523 = arith.constant 0 : i32
      %sign3A_1524 = arith.cmpi slt, %jit3A_1511, %sign3A_1523 : i32
      %sign3A_1525 = arith.extui %sign3A_1524 : i1 to i32
      %sign3A_1526 = arith.subi %sign3A_1522, %sign3A_1525 : i32
      %ne3A_1527 = arith.cmpi ne, %sign3A_1519, %sign3A_1526 : i32
      %rem3A_1528 = arith.remsi %add3A_1510, %jit3A_1511 : i32
      %ne3A_1529 = arith.constant 0 : i32
      %ne3A_1530 = arith.cmpi ne, %rem3A_1528, %ne3A_1529 : i32
      %and3A_1531 = arith.andi %ne3A_1527, %ne3A_1530 : i1
      %sub3A_1532 = arith.constant 1 : i32
      %sub3A_1533 = arith.subi %div3A_1512, %sub3A_1532 : i32
      %select_n3A_1534 = arith.select %and3A_1531, %sub3A_1533, %div3A_1512 : i32
      %jit3A_1535 = arith.constant 256 : i32
      %eq3A_1536 = arith.constant 0 : i32
      %eq3A_1537 = arith.cmpi eq, %jit3A_1535, %eq3A_1536 : i32
      %jit3A_1538 = arith.constant 1 : i32
      %select_n3A_1539 = arith.select %eq3A_1537, %jit3A_1538, %jit3A_1535 : i32
      %rem3A_1540 = arith.remsi %add3A_1510, %select_n3A_1539 : i32
      %ne3A_1541 = arith.constant 0 : i32
      %ne3A_1542 = arith.cmpi ne, %rem3A_1540, %ne3A_1541 : i32
      %lt3A_1543 = arith.constant 0 : i32
      %lt3A_1544 = arith.cmpi slt, %rem3A_1540, %lt3A_1543 : i32
      %lt3A_1545 = arith.constant 0 : i32
      %lt3A_1546 = arith.cmpi slt, %select_n3A_1539, %lt3A_1545 : i32
      %ne3A_1547 = arith.xori %lt3A_1544, %lt3A_1546 : i1
      %and3A_1548 = arith.andi %ne3A_1547, %ne3A_1542 : i1
      %add3A_1549 = arith.addi %rem3A_1540, %select_n3A_1539 : i32
      %select_n3A_1550 = arith.select %and3A_1548, %add3A_1549, %rem3A_1540 : i32
      %sub3A_1551 = arith.subi %select_n3A_1534, %min3A_19 : i32
      %mul3A_1552 = arith.constant 40 : i32
      %mul3A_1553 = arith.muli %sub3A_1551, %mul3A_1552 : i32
      %mul3A_1554 = arith.constant 40 : i32
      %mul3A_1555 = arith.muli %select_n3A_1534, %mul3A_1554 : i32
      %dma_start3A_1556 = arith.constant 0 : i32
      %dma_start3A_1557 = tpu.memref_slice %arg4[%mul3A_1553, %dma_start3A_1556] : memref<80x768xf32, #tpu.memory_space<vmem>> -> memref<40x768xf32, #tpu.memory_space<vmem>>
      %dma_start3A_1558 = arith.constant 0 : i32
      %dma_start3A_1559 = tpu.memref_slice %arg3[%select_n3A_1550, %mul3A_1555, %dma_start3A_1558] : memref<256x1000x768xf32, #tpu.memory_space<hbm>> -> memref<1x40x768xf32, #tpu.memory_space<hbm>>
      %dma_start3A_1560 = tpu.memref_squeeze %dma_start3A_1559 : memref<1x40x768xf32, #tpu.memory_space<hbm>> -> memref<40x768xf32, #tpu.memory_space<hbm>>
      %dma_start3A_1561 = arith.constant 0 : i32
      %dma_start3A_1562 = tpu.memref_slice %arg3[%select_n3A_1550, %mul3A_1555, %dma_start3A_1561] : memref<256x1000x768xf32, #tpu.memory_space<hbm>> -> memref<1x40x768xf32, #tpu.memory_space<hbm>>
      %dma_start3A_1563 = tpu.memref_squeeze %dma_start3A_1562 : memref<1x40x768xf32, #tpu.memory_space<hbm>> -> memref<40x768xf32, #tpu.memory_space<hbm>>
      %dma_start3A_1564 = arith.constant 0 : i32
      %dma_start3A_1565 = tpu.memref_slice %arg4[%mul3A_1553, %dma_start3A_1564] : memref<80x768xf32, #tpu.memory_space<vmem>> -> memref<40x768xf32, #tpu.memory_space<vmem>>
      tpu.enqueue_dma source(%dma_start3A_1565 : memref<40x768xf32, #tpu.memory_space<vmem>>) target(%dma_start3A_1563 : memref<40x768xf32, #tpu.memory_space<hbm>>) target_semaphore(%arg5 : memref<!tpu.dma_semaphore, #tpu.memory_space<semaphore_mem>>)
      %add3A_1566 = arith.constant 27 : i32
      %add3A_1567 = arith.addi %add3A_29, %add3A_1566 : i32
      %jit3A_1568 = arith.constant 256 : i32
      %div3A_1569 = arith.divsi %add3A_1567, %jit3A_1568 : i32
      %sign3A_1570 = arith.constant 0 : i32
      %sign3A_1571 = arith.cmpi sgt, %add3A_1567, %sign3A_1570 : i32
      %sign3A_1572 = arith.extui %sign3A_1571 : i1 to i32
      %sign3A_1573 = arith.constant 0 : i32
      %sign3A_1574 = arith.cmpi slt, %add3A_1567, %sign3A_1573 : i32
      %sign3A_1575 = arith.extui %sign3A_1574 : i1 to i32
      %sign3A_1576 = arith.subi %sign3A_1572, %sign3A_1575 : i32
      %sign3A_1577 = arith.constant 0 : i32
      %sign3A_1578 = arith.cmpi sgt, %jit3A_1568, %sign3A_1577 : i32
      %sign3A_1579 = arith.extui %sign3A_1578 : i1 to i32
      %sign3A_1580 = arith.constant 0 : i32
      %sign3A_1581 = arith.cmpi slt, %jit3A_1568, %sign3A_1580 : i32
      %sign3A_1582 = arith.extui %sign3A_1581 : i1 to i32
      %sign3A_1583 = arith.subi %sign3A_1579, %sign3A_1582 : i32
      %ne3A_1584 = arith.cmpi ne, %sign3A_1576, %sign3A_1583 : i32
      %rem3A_1585 = arith.remsi %add3A_1567, %jit3A_1568 : i32
      %ne3A_1586 = arith.constant 0 : i32
      %ne3A_1587 = arith.cmpi ne, %rem3A_1585, %ne3A_1586 : i32
      %and3A_1588 = arith.andi %ne3A_1584, %ne3A_1587 : i1
      %sub3A_1589 = arith.constant 1 : i32
      %sub3A_1590 = arith.subi %div3A_1569, %sub3A_1589 : i32
      %select_n3A_1591 = arith.select %and3A_1588, %sub3A_1590, %div3A_1569 : i32
      %jit3A_1592 = arith.constant 256 : i32
      %eq3A_1593 = arith.constant 0 : i32
      %eq3A_1594 = arith.cmpi eq, %jit3A_1592, %eq3A_1593 : i32
      %jit3A_1595 = arith.constant 1 : i32
      %select_n3A_1596 = arith.select %eq3A_1594, %jit3A_1595, %jit3A_1592 : i32
      %rem3A_1597 = arith.remsi %add3A_1567, %select_n3A_1596 : i32
      %ne3A_1598 = arith.constant 0 : i32
      %ne3A_1599 = arith.cmpi ne, %rem3A_1597, %ne3A_1598 : i32
      %lt3A_1600 = arith.constant 0 : i32
      %lt3A_1601 = arith.cmpi slt, %rem3A_1597, %lt3A_1600 : i32
      %lt3A_1602 = arith.constant 0 : i32
      %lt3A_1603 = arith.cmpi slt, %select_n3A_1596, %lt3A_1602 : i32
      %ne3A_1604 = arith.xori %lt3A_1601, %lt3A_1603 : i1
      %and3A_1605 = arith.andi %ne3A_1604, %ne3A_1599 : i1
      %add3A_1606 = arith.addi %rem3A_1597, %select_n3A_1596 : i32
      %select_n3A_1607 = arith.select %and3A_1605, %add3A_1606, %rem3A_1597 : i32
      %sub3A_1608 = arith.subi %select_n3A_1591, %min3A_19 : i32
      %mul3A_1609 = arith.constant 40 : i32
      %mul3A_1610 = arith.muli %sub3A_1608, %mul3A_1609 : i32
      %mul3A_1611 = arith.constant 40 : i32
      %mul3A_1612 = arith.muli %select_n3A_1591, %mul3A_1611 : i32
      %dma_start3A_1613 = arith.constant 0 : i32
      %dma_start3A_1614 = tpu.memref_slice %arg4[%mul3A_1610, %dma_start3A_1613] : memref<80x768xf32, #tpu.memory_space<vmem>> -> memref<40x768xf32, #tpu.memory_space<vmem>>
      %dma_start3A_1615 = arith.constant 0 : i32
      %dma_start3A_1616 = tpu.memref_slice %arg3[%select_n3A_1607, %mul3A_1612, %dma_start3A_1615] : memref<256x1000x768xf32, #tpu.memory_space<hbm>> -> memref<1x40x768xf32, #tpu.memory_space<hbm>>
      %dma_start3A_1617 = tpu.memref_squeeze %dma_start3A_1616 : memref<1x40x768xf32, #tpu.memory_space<hbm>> -> memref<40x768xf32, #tpu.memory_space<hbm>>
      %dma_start3A_1618 = arith.constant 0 : i32
      %dma_start3A_1619 = tpu.memref_slice %arg3[%select_n3A_1607, %mul3A_1612, %dma_start3A_1618] : memref<256x1000x768xf32, #tpu.memory_space<hbm>> -> memref<1x40x768xf32, #tpu.memory_space<hbm>>
      %dma_start3A_1620 = tpu.memref_squeeze %dma_start3A_1619 : memref<1x40x768xf32, #tpu.memory_space<hbm>> -> memref<40x768xf32, #tpu.memory_space<hbm>>
      %dma_start3A_1621 = arith.constant 0 : i32
      %dma_start3A_1622 = tpu.memref_slice %arg4[%mul3A_1610, %dma_start3A_1621] : memref<80x768xf32, #tpu.memory_space<vmem>> -> memref<40x768xf32, #tpu.memory_space<vmem>>
      tpu.enqueue_dma source(%dma_start3A_1622 : memref<40x768xf32, #tpu.memory_space<vmem>>) target(%dma_start3A_1620 : memref<40x768xf32, #tpu.memory_space<hbm>>) target_semaphore(%arg5 : memref<!tpu.dma_semaphore, #tpu.memory_space<semaphore_mem>>)
      %add3A_1623 = arith.constant 28 : i32
      %add3A_1624 = arith.addi %add3A_29, %add3A_1623 : i32
      %jit3A_1625 = arith.constant 256 : i32
      %div3A_1626 = arith.divsi %add3A_1624, %jit3A_1625 : i32
      %sign3A_1627 = arith.constant 0 : i32
      %sign3A_1628 = arith.cmpi sgt, %add3A_1624, %sign3A_1627 : i32
      %sign3A_1629 = arith.extui %sign3A_1628 : i1 to i32
      %sign3A_1630 = arith.constant 0 : i32
      %sign3A_1631 = arith.cmpi slt, %add3A_1624, %sign3A_1630 : i32
      %sign3A_1632 = arith.extui %sign3A_1631 : i1 to i32
      %sign3A_1633 = arith.subi %sign3A_1629, %sign3A_1632 : i32
      %sign3A_1634 = arith.constant 0 : i32
      %sign3A_1635 = arith.cmpi sgt, %jit3A_1625, %sign3A_1634 : i32
      %sign3A_1636 = arith.extui %sign3A_1635 : i1 to i32
      %sign3A_1637 = arith.constant 0 : i32
      %sign3A_1638 = arith.cmpi slt, %jit3A_1625, %sign3A_1637 : i32
      %sign3A_1639 = arith.extui %sign3A_1638 : i1 to i32
      %sign3A_1640 = arith.subi %sign3A_1636, %sign3A_1639 : i32
      %ne3A_1641 = arith.cmpi ne, %sign3A_1633, %sign3A_1640 : i32
      %rem3A_1642 = arith.remsi %add3A_1624, %jit3A_1625 : i32
      %ne3A_1643 = arith.constant 0 : i32
      %ne3A_1644 = arith.cmpi ne, %rem3A_1642, %ne3A_1643 : i32
      %and3A_1645 = arith.andi %ne3A_1641, %ne3A_1644 : i1
      %sub3A_1646 = arith.constant 1 : i32
      %sub3A_1647 = arith.subi %div3A_1626, %sub3A_1646 : i32
      %select_n3A_1648 = arith.select %and3A_1645, %sub3A_1647, %div3A_1626 : i32
      %jit3A_1649 = arith.constant 256 : i32
      %eq3A_1650 = arith.constant 0 : i32
      %eq3A_1651 = arith.cmpi eq, %jit3A_1649, %eq3A_1650 : i32
      %jit3A_1652 = arith.constant 1 : i32
      %select_n3A_1653 = arith.select %eq3A_1651, %jit3A_1652, %jit3A_1649 : i32
      %rem3A_1654 = arith.remsi %add3A_1624, %select_n3A_1653 : i32
      %ne3A_1655 = arith.constant 0 : i32
      %ne3A_1656 = arith.cmpi ne, %rem3A_1654, %ne3A_1655 : i32
      %lt3A_1657 = arith.constant 0 : i32
      %lt3A_1658 = arith.cmpi slt, %rem3A_1654, %lt3A_1657 : i32
      %lt3A_1659 = arith.constant 0 : i32
      %lt3A_1660 = arith.cmpi slt, %select_n3A_1653, %lt3A_1659 : i32
      %ne3A_1661 = arith.xori %lt3A_1658, %lt3A_1660 : i1
      %and3A_1662 = arith.andi %ne3A_1661, %ne3A_1656 : i1
      %add3A_1663 = arith.addi %rem3A_1654, %select_n3A_1653 : i32
      %select_n3A_1664 = arith.select %and3A_1662, %add3A_1663, %rem3A_1654 : i32
      %sub3A_1665 = arith.subi %select_n3A_1648, %min3A_19 : i32
      %mul3A_1666 = arith.constant 40 : i32
      %mul3A_1667 = arith.muli %sub3A_1665, %mul3A_1666 : i32
      %mul3A_1668 = arith.constant 40 : i32
      %mul3A_1669 = arith.muli %select_n3A_1648, %mul3A_1668 : i32
      %dma_start3A_1670 = arith.constant 0 : i32
      %dma_start3A_1671 = tpu.memref_slice %arg4[%mul3A_1667, %dma_start3A_1670] : memref<80x768xf32, #tpu.memory_space<vmem>> -> memref<40x768xf32, #tpu.memory_space<vmem>>
      %dma_start3A_1672 = arith.constant 0 : i32
      %dma_start3A_1673 = tpu.memref_slice %arg3[%select_n3A_1664, %mul3A_1669, %dma_start3A_1672] : memref<256x1000x768xf32, #tpu.memory_space<hbm>> -> memref<1x40x768xf32, #tpu.memory_space<hbm>>
      %dma_start3A_1674 = tpu.memref_squeeze %dma_start3A_1673 : memref<1x40x768xf32, #tpu.memory_space<hbm>> -> memref<40x768xf32, #tpu.memory_space<hbm>>
      %dma_start3A_1675 = arith.constant 0 : i32
      %dma_start3A_1676 = tpu.memref_slice %arg3[%select_n3A_1664, %mul3A_1669, %dma_start3A_1675] : memref<256x1000x768xf32, #tpu.memory_space<hbm>> -> memref<1x40x768xf32, #tpu.memory_space<hbm>>
      %dma_start3A_1677 = tpu.memref_squeeze %dma_start3A_1676 : memref<1x40x768xf32, #tpu.memory_space<hbm>> -> memref<40x768xf32, #tpu.memory_space<hbm>>
      %dma_start3A_1678 = arith.constant 0 : i32
      %dma_start3A_1679 = tpu.memref_slice %arg4[%mul3A_1667, %dma_start3A_1678] : memref<80x768xf32, #tpu.memory_space<vmem>> -> memref<40x768xf32, #tpu.memory_space<vmem>>
      tpu.enqueue_dma source(%dma_start3A_1679 : memref<40x768xf32, #tpu.memory_space<vmem>>) target(%dma_start3A_1677 : memref<40x768xf32, #tpu.memory_space<hbm>>) target_semaphore(%arg5 : memref<!tpu.dma_semaphore, #tpu.memory_space<semaphore_mem>>)
      %add3A_1680 = arith.constant 29 : i32
      %add3A_1681 = arith.addi %add3A_29, %add3A_1680 : i32
      %jit3A_1682 = arith.constant 256 : i32
      %div3A_1683 = arith.divsi %add3A_1681, %jit3A_1682 : i32
      %sign3A_1684 = arith.constant 0 : i32
      %sign3A_1685 = arith.cmpi sgt, %add3A_1681, %sign3A_1684 : i32
      %sign3A_1686 = arith.extui %sign3A_1685 : i1 to i32
      %sign3A_1687 = arith.constant 0 : i32
      %sign3A_1688 = arith.cmpi slt, %add3A_1681, %sign3A_1687 : i32
      %sign3A_1689 = arith.extui %sign3A_1688 : i1 to i32
      %sign3A_1690 = arith.subi %sign3A_1686, %sign3A_1689 : i32
      %sign3A_1691 = arith.constant 0 : i32
      %sign3A_1692 = arith.cmpi sgt, %jit3A_1682, %sign3A_1691 : i32
      %sign3A_1693 = arith.extui %sign3A_1692 : i1 to i32
      %sign3A_1694 = arith.constant 0 : i32
      %sign3A_1695 = arith.cmpi slt, %jit3A_1682, %sign3A_1694 : i32
      %sign3A_1696 = arith.extui %sign3A_1695 : i1 to i32
      %sign3A_1697 = arith.subi %sign3A_1693, %sign3A_1696 : i32
      %ne3A_1698 = arith.cmpi ne, %sign3A_1690, %sign3A_1697 : i32
      %rem3A_1699 = arith.remsi %add3A_1681, %jit3A_1682 : i32
      %ne3A_1700 = arith.constant 0 : i32
      %ne3A_1701 = arith.cmpi ne, %rem3A_1699, %ne3A_1700 : i32
      %and3A_1702 = arith.andi %ne3A_1698, %ne3A_1701 : i1
      %sub3A_1703 = arith.constant 1 : i32
      %sub3A_1704 = arith.subi %div3A_1683, %sub3A_1703 : i32
      %select_n3A_1705 = arith.select %and3A_1702, %sub3A_1704, %div3A_1683 : i32
      %jit3A_1706 = arith.constant 256 : i32
      %eq3A_1707 = arith.constant 0 : i32
      %eq3A_1708 = arith.cmpi eq, %jit3A_1706, %eq3A_1707 : i32
      %jit3A_1709 = arith.constant 1 : i32
      %select_n3A_1710 = arith.select %eq3A_1708, %jit3A_1709, %jit3A_1706 : i32
      %rem3A_1711 = arith.remsi %add3A_1681, %select_n3A_1710 : i32
      %ne3A_1712 = arith.constant 0 : i32
      %ne3A_1713 = arith.cmpi ne, %rem3A_1711, %ne3A_1712 : i32
      %lt3A_1714 = arith.constant 0 : i32
      %lt3A_1715 = arith.cmpi slt, %rem3A_1711, %lt3A_1714 : i32
      %lt3A_1716 = arith.constant 0 : i32
      %lt3A_1717 = arith.cmpi slt, %select_n3A_1710, %lt3A_1716 : i32
      %ne3A_1718 = arith.xori %lt3A_1715, %lt3A_1717 : i1
      %and3A_1719 = arith.andi %ne3A_1718, %ne3A_1713 : i1
      %add3A_1720 = arith.addi %rem3A_1711, %select_n3A_1710 : i32
      %select_n3A_1721 = arith.select %and3A_1719, %add3A_1720, %rem3A_1711 : i32
      %sub3A_1722 = arith.subi %select_n3A_1705, %min3A_19 : i32
      %mul3A_1723 = arith.constant 40 : i32
      %mul3A_1724 = arith.muli %sub3A_1722, %mul3A_1723 : i32
      %mul3A_1725 = arith.constant 40 : i32
      %mul3A_1726 = arith.muli %select_n3A_1705, %mul3A_1725 : i32
      %dma_start3A_1727 = arith.constant 0 : i32
      %dma_start3A_1728 = tpu.memref_slice %arg4[%mul3A_1724, %dma_start3A_1727] : memref<80x768xf32, #tpu.memory_space<vmem>> -> memref<40x768xf32, #tpu.memory_space<vmem>>
      %dma_start3A_1729 = arith.constant 0 : i32
      %dma_start3A_1730 = tpu.memref_slice %arg3[%select_n3A_1721, %mul3A_1726, %dma_start3A_1729] : memref<256x1000x768xf32, #tpu.memory_space<hbm>> -> memref<1x40x768xf32, #tpu.memory_space<hbm>>
      %dma_start3A_1731 = tpu.memref_squeeze %dma_start3A_1730 : memref<1x40x768xf32, #tpu.memory_space<hbm>> -> memref<40x768xf32, #tpu.memory_space<hbm>>
      %dma_start3A_1732 = arith.constant 0 : i32
      %dma_start3A_1733 = tpu.memref_slice %arg3[%select_n3A_1721, %mul3A_1726, %dma_start3A_1732] : memref<256x1000x768xf32, #tpu.memory_space<hbm>> -> memref<1x40x768xf32, #tpu.memory_space<hbm>>
      %dma_start3A_1734 = tpu.memref_squeeze %dma_start3A_1733 : memref<1x40x768xf32, #tpu.memory_space<hbm>> -> memref<40x768xf32, #tpu.memory_space<hbm>>
      %dma_start3A_1735 = arith.constant 0 : i32
      %dma_start3A_1736 = tpu.memref_slice %arg4[%mul3A_1724, %dma_start3A_1735] : memref<80x768xf32, #tpu.memory_space<vmem>> -> memref<40x768xf32, #tpu.memory_space<vmem>>
      tpu.enqueue_dma source(%dma_start3A_1736 : memref<40x768xf32, #tpu.memory_space<vmem>>) target(%dma_start3A_1734 : memref<40x768xf32, #tpu.memory_space<hbm>>) target_semaphore(%arg5 : memref<!tpu.dma_semaphore, #tpu.memory_space<semaphore_mem>>)
      %add3A_1737 = arith.constant 30 : i32
      %add3A_1738 = arith.addi %add3A_29, %add3A_1737 : i32
      %jit3A_1739 = arith.constant 256 : i32
      %div3A_1740 = arith.divsi %add3A_1738, %jit3A_1739 : i32
      %sign3A_1741 = arith.constant 0 : i32
      %sign3A_1742 = arith.cmpi sgt, %add3A_1738, %sign3A_1741 : i32
      %sign3A_1743 = arith.extui %sign3A_1742 : i1 to i32
      %sign3A_1744 = arith.constant 0 : i32
      %sign3A_1745 = arith.cmpi slt, %add3A_1738, %sign3A_1744 : i32
      %sign3A_1746 = arith.extui %sign3A_1745 : i1 to i32
      %sign3A_1747 = arith.subi %sign3A_1743, %sign3A_1746 : i32
      %sign3A_1748 = arith.constant 0 : i32
      %sign3A_1749 = arith.cmpi sgt, %jit3A_1739, %sign3A_1748 : i32
      %sign3A_1750 = arith.extui %sign3A_1749 : i1 to i32
      %sign3A_1751 = arith.constant 0 : i32
      %sign3A_1752 = arith.cmpi slt, %jit3A_1739, %sign3A_1751 : i32
      %sign3A_1753 = arith.extui %sign3A_1752 : i1 to i32
      %sign3A_1754 = arith.subi %sign3A_1750, %sign3A_1753 : i32
      %ne3A_1755 = arith.cmpi ne, %sign3A_1747, %sign3A_1754 : i32
      %rem3A_1756 = arith.remsi %add3A_1738, %jit3A_1739 : i32
      %ne3A_1757 = arith.constant 0 : i32
      %ne3A_1758 = arith.cmpi ne, %rem3A_1756, %ne3A_1757 : i32
      %and3A_1759 = arith.andi %ne3A_1755, %ne3A_1758 : i1
      %sub3A_1760 = arith.constant 1 : i32
      %sub3A_1761 = arith.subi %div3A_1740, %sub3A_1760 : i32
      %select_n3A_1762 = arith.select %and3A_1759, %sub3A_1761, %div3A_1740 : i32
      %jit3A_1763 = arith.constant 256 : i32
      %eq3A_1764 = arith.constant 0 : i32
      %eq3A_1765 = arith.cmpi eq, %jit3A_1763, %eq3A_1764 : i32
      %jit3A_1766 = arith.constant 1 : i32
      %select_n3A_1767 = arith.select %eq3A_1765, %jit3A_1766, %jit3A_1763 : i32
      %rem3A_1768 = arith.remsi %add3A_1738, %select_n3A_1767 : i32
      %ne3A_1769 = arith.constant 0 : i32
      %ne3A_1770 = arith.cmpi ne, %rem3A_1768, %ne3A_1769 : i32
      %lt3A_1771 = arith.constant 0 : i32
      %lt3A_1772 = arith.cmpi slt, %rem3A_1768, %lt3A_1771 : i32
      %lt3A_1773 = arith.constant 0 : i32
      %lt3A_1774 = arith.cmpi slt, %select_n3A_1767, %lt3A_1773 : i32
      %ne3A_1775 = arith.xori %lt3A_1772, %lt3A_1774 : i1
      %and3A_1776 = arith.andi %ne3A_1775, %ne3A_1770 : i1
      %add3A_1777 = arith.addi %rem3A_1768, %select_n3A_1767 : i32
      %select_n3A_1778 = arith.select %and3A_1776, %add3A_1777, %rem3A_1768 : i32
      %sub3A_1779 = arith.subi %select_n3A_1762, %min3A_19 : i32
      %mul3A_1780 = arith.constant 40 : i32
      %mul3A_1781 = arith.muli %sub3A_1779, %mul3A_1780 : i32
      %mul3A_1782 = arith.constant 40 : i32
      %mul3A_1783 = arith.muli %select_n3A_1762, %mul3A_1782 : i32
      %dma_start3A_1784 = arith.constant 0 : i32
      %dma_start3A_1785 = tpu.memref_slice %arg4[%mul3A_1781, %dma_start3A_1784] : memref<80x768xf32, #tpu.memory_space<vmem>> -> memref<40x768xf32, #tpu.memory_space<vmem>>
      %dma_start3A_1786 = arith.constant 0 : i32
      %dma_start3A_1787 = tpu.memref_slice %arg3[%select_n3A_1778, %mul3A_1783, %dma_start3A_1786] : memref<256x1000x768xf32, #tpu.memory_space<hbm>> -> memref<1x40x768xf32, #tpu.memory_space<hbm>>
      %dma_start3A_1788 = tpu.memref_squeeze %dma_start3A_1787 : memref<1x40x768xf32, #tpu.memory_space<hbm>> -> memref<40x768xf32, #tpu.memory_space<hbm>>
      %dma_start3A_1789 = arith.constant 0 : i32
      %dma_start3A_1790 = tpu.memref_slice %arg3[%select_n3A_1778, %mul3A_1783, %dma_start3A_1789] : memref<256x1000x768xf32, #tpu.memory_space<hbm>> -> memref<1x40x768xf32, #tpu.memory_space<hbm>>
      %dma_start3A_1791 = tpu.memref_squeeze %dma_start3A_1790 : memref<1x40x768xf32, #tpu.memory_space<hbm>> -> memref<40x768xf32, #tpu.memory_space<hbm>>
      %dma_start3A_1792 = arith.constant 0 : i32
      %dma_start3A_1793 = tpu.memref_slice %arg4[%mul3A_1781, %dma_start3A_1792] : memref<80x768xf32, #tpu.memory_space<vmem>> -> memref<40x768xf32, #tpu.memory_space<vmem>>
      tpu.enqueue_dma source(%dma_start3A_1793 : memref<40x768xf32, #tpu.memory_space<vmem>>) target(%dma_start3A_1791 : memref<40x768xf32, #tpu.memory_space<hbm>>) target_semaphore(%arg5 : memref<!tpu.dma_semaphore, #tpu.memory_space<semaphore_mem>>)
      %add3A_1794 = arith.constant 31 : i32
      %add3A_1795 = arith.addi %add3A_29, %add3A_1794 : i32
      %jit3A_1796 = arith.constant 256 : i32
      %div3A_1797 = arith.divsi %add3A_1795, %jit3A_1796 : i32
      %sign3A_1798 = arith.constant 0 : i32
      %sign3A_1799 = arith.cmpi sgt, %add3A_1795, %sign3A_1798 : i32
      %sign3A_1800 = arith.extui %sign3A_1799 : i1 to i32
      %sign3A_1801 = arith.constant 0 : i32
      %sign3A_1802 = arith.cmpi slt, %add3A_1795, %sign3A_1801 : i32
      %sign3A_1803 = arith.extui %sign3A_1802 : i1 to i32
      %sign3A_1804 = arith.subi %sign3A_1800, %sign3A_1803 : i32
      %sign3A_1805 = arith.constant 0 : i32
      %sign3A_1806 = arith.cmpi sgt, %jit3A_1796, %sign3A_1805 : i32
      %sign3A_1807 = arith.extui %sign3A_1806 : i1 to i32
      %sign3A_1808 = arith.constant 0 : i32
      %sign3A_1809 = arith.cmpi slt, %jit3A_1796, %sign3A_1808 : i32
      %sign3A_1810 = arith.extui %sign3A_1809 : i1 to i32
      %sign3A_1811 = arith.subi %sign3A_1807, %sign3A_1810 : i32
      %ne3A_1812 = arith.cmpi ne, %sign3A_1804, %sign3A_1811 : i32
      %rem3A_1813 = arith.remsi %add3A_1795, %jit3A_1796 : i32
      %ne3A_1814 = arith.constant 0 : i32
      %ne3A_1815 = arith.cmpi ne, %rem3A_1813, %ne3A_1814 : i32
      %and3A_1816 = arith.andi %ne3A_1812, %ne3A_1815 : i1
      %sub3A_1817 = arith.constant 1 : i32
      %sub3A_1818 = arith.subi %div3A_1797, %sub3A_1817 : i32
      %select_n3A_1819 = arith.select %and3A_1816, %sub3A_1818, %div3A_1797 : i32
      %jit3A_1820 = arith.constant 256 : i32
      %eq3A_1821 = arith.constant 0 : i32
      %eq3A_1822 = arith.cmpi eq, %jit3A_1820, %eq3A_1821 : i32
      %jit3A_1823 = arith.constant 1 : i32
      %select_n3A_1824 = arith.select %eq3A_1822, %jit3A_1823, %jit3A_1820 : i32
      %rem3A_1825 = arith.remsi %add3A_1795, %select_n3A_1824 : i32
      %ne3A_1826 = arith.constant 0 : i32
      %ne3A_1827 = arith.cmpi ne, %rem3A_1825, %ne3A_1826 : i32
      %lt3A_1828 = arith.constant 0 : i32
      %lt3A_1829 = arith.cmpi slt, %rem3A_1825, %lt3A_1828 : i32
      %lt3A_1830 = arith.constant 0 : i32
      %lt3A_1831 = arith.cmpi slt, %select_n3A_1824, %lt3A_1830 : i32
      %ne3A_1832 = arith.xori %lt3A_1829, %lt3A_1831 : i1
      %and3A_1833 = arith.andi %ne3A_1832, %ne3A_1827 : i1
      %add3A_1834 = arith.addi %rem3A_1825, %select_n3A_1824 : i32
      %select_n3A_1835 = arith.select %and3A_1833, %add3A_1834, %rem3A_1825 : i32
      %sub3A_1836 = arith.subi %select_n3A_1819, %min3A_19 : i32
      %mul3A_1837 = arith.constant 40 : i32
      %mul3A_1838 = arith.muli %sub3A_1836, %mul3A_1837 : i32
      %mul3A_1839 = arith.constant 40 : i32
      %mul3A_1840 = arith.muli %select_n3A_1819, %mul3A_1839 : i32
      %dma_start3A_1841 = arith.constant 0 : i32
      %dma_start3A_1842 = tpu.memref_slice %arg4[%mul3A_1838, %dma_start3A_1841] : memref<80x768xf32, #tpu.memory_space<vmem>> -> memref<40x768xf32, #tpu.memory_space<vmem>>
      %dma_start3A_1843 = arith.constant 0 : i32
      %dma_start3A_1844 = tpu.memref_slice %arg3[%select_n3A_1835, %mul3A_1840, %dma_start3A_1843] : memref<256x1000x768xf32, #tpu.memory_space<hbm>> -> memref<1x40x768xf32, #tpu.memory_space<hbm>>
      %dma_start3A_1845 = tpu.memref_squeeze %dma_start3A_1844 : memref<1x40x768xf32, #tpu.memory_space<hbm>> -> memref<40x768xf32, #tpu.memory_space<hbm>>
      %dma_start3A_1846 = arith.constant 0 : i32
      %dma_start3A_1847 = tpu.memref_slice %arg3[%select_n3A_1835, %mul3A_1840, %dma_start3A_1846] : memref<256x1000x768xf32, #tpu.memory_space<hbm>> -> memref<1x40x768xf32, #tpu.memory_space<hbm>>
      %dma_start3A_1848 = tpu.memref_squeeze %dma_start3A_1847 : memref<1x40x768xf32, #tpu.memory_space<hbm>> -> memref<40x768xf32, #tpu.memory_space<hbm>>
      %dma_start3A_1849 = arith.constant 0 : i32
      %dma_start3A_1850 = tpu.memref_slice %arg4[%mul3A_1838, %dma_start3A_1849] : memref<80x768xf32, #tpu.memory_space<vmem>> -> memref<40x768xf32, #tpu.memory_space<vmem>>
      tpu.enqueue_dma source(%dma_start3A_1850 : memref<40x768xf32, #tpu.memory_space<vmem>>) target(%dma_start3A_1848 : memref<40x768xf32, #tpu.memory_space<hbm>>) target_semaphore(%arg5 : memref<!tpu.dma_semaphore, #tpu.memory_space<semaphore_mem>>)
      %add3A_1851 = arith.constant 32 : i32
      %add3A_1852 = arith.addi %add3A_29, %add3A_1851 : i32
      %jit3A_1853 = arith.constant 256 : i32
      %div3A_1854 = arith.divsi %add3A_1852, %jit3A_1853 : i32
      %sign3A_1855 = arith.constant 0 : i32
      %sign3A_1856 = arith.cmpi sgt, %add3A_1852, %sign3A_1855 : i32
      %sign3A_1857 = arith.extui %sign3A_1856 : i1 to i32
      %sign3A_1858 = arith.constant 0 : i32
      %sign3A_1859 = arith.cmpi slt, %add3A_1852, %sign3A_1858 : i32
      %sign3A_1860 = arith.extui %sign3A_1859 : i1 to i32
      %sign3A_1861 = arith.subi %sign3A_1857, %sign3A_1860 : i32
      %sign3A_1862 = arith.constant 0 : i32
      %sign3A_1863 = arith.cmpi sgt, %jit3A_1853, %sign3A_1862 : i32
      %sign3A_1864 = arith.extui %sign3A_1863 : i1 to i32
      %sign3A_1865 = arith.constant 0 : i32
      %sign3A_1866 = arith.cmpi slt, %jit3A_1853, %sign3A_1865 : i32
      %sign3A_1867 = arith.extui %sign3A_1866 : i1 to i32
      %sign3A_1868 = arith.subi %sign3A_1864, %sign3A_1867 : i32
      %ne3A_1869 = arith.cmpi ne, %sign3A_1861, %sign3A_1868 : i32
      %rem3A_1870 = arith.remsi %add3A_1852, %jit3A_1853 : i32
      %ne3A_1871 = arith.constant 0 : i32
      %ne3A_1872 = arith.cmpi ne, %rem3A_1870, %ne3A_1871 : i32
      %and3A_1873 = arith.andi %ne3A_1869, %ne3A_1872 : i1
      %sub3A_1874 = arith.constant 1 : i32
      %sub3A_1875 = arith.subi %div3A_1854, %sub3A_1874 : i32
      %select_n3A_1876 = arith.select %and3A_1873, %sub3A_1875, %div3A_1854 : i32
      %jit3A_1877 = arith.constant 256 : i32
      %eq3A_1878 = arith.constant 0 : i32
      %eq3A_1879 = arith.cmpi eq, %jit3A_1877, %eq3A_1878 : i32
      %jit3A_1880 = arith.constant 1 : i32
      %select_n3A_1881 = arith.select %eq3A_1879, %jit3A_1880, %jit3A_1877 : i32
      %rem3A_1882 = arith.remsi %add3A_1852, %select_n3A_1881 : i32
      %ne3A_1883 = arith.constant 0 : i32
      %ne3A_1884 = arith.cmpi ne, %rem3A_1882, %ne3A_1883 : i32
      %lt3A_1885 = arith.constant 0 : i32
      %lt3A_1886 = arith.cmpi slt, %rem3A_1882, %lt3A_1885 : i32
      %lt3A_1887 = arith.constant 0 : i32
      %lt3A_1888 = arith.cmpi slt, %select_n3A_1881, %lt3A_1887 : i32
      %ne3A_1889 = arith.xori %lt3A_1886, %lt3A_1888 : i1
      %and3A_1890 = arith.andi %ne3A_1889, %ne3A_1884 : i1
      %add3A_1891 = arith.addi %rem3A_1882, %select_n3A_1881 : i32
      %select_n3A_1892 = arith.select %and3A_1890, %add3A_1891, %rem3A_1882 : i32
      %sub3A_1893 = arith.subi %select_n3A_1876, %min3A_19 : i32
      %mul3A_1894 = arith.constant 40 : i32
      %mul3A_1895 = arith.muli %sub3A_1893, %mul3A_1894 : i32
      %mul3A_1896 = arith.constant 40 : i32
      %mul3A_1897 = arith.muli %select_n3A_1876, %mul3A_1896 : i32
      %dma_start3A_1898 = arith.constant 0 : i32
      %dma_start3A_1899 = tpu.memref_slice %arg4[%mul3A_1895, %dma_start3A_1898] : memref<80x768xf32, #tpu.memory_space<vmem>> -> memref<40x768xf32, #tpu.memory_space<vmem>>
      %dma_start3A_1900 = arith.constant 0 : i32
      %dma_start3A_1901 = tpu.memref_slice %arg3[%select_n3A_1892, %mul3A_1897, %dma_start3A_1900] : memref<256x1000x768xf32, #tpu.memory_space<hbm>> -> memref<1x40x768xf32, #tpu.memory_space<hbm>>
      %dma_start3A_1902 = tpu.memref_squeeze %dma_start3A_1901 : memref<1x40x768xf32, #tpu.memory_space<hbm>> -> memref<40x768xf32, #tpu.memory_space<hbm>>
      %dma_start3A_1903 = arith.constant 0 : i32
      %dma_start3A_1904 = tpu.memref_slice %arg3[%select_n3A_1892, %mul3A_1897, %dma_start3A_1903] : memref<256x1000x768xf32, #tpu.memory_space<hbm>> -> memref<1x40x768xf32, #tpu.memory_space<hbm>>
      %dma_start3A_1905 = tpu.memref_squeeze %dma_start3A_1904 : memref<1x40x768xf32, #tpu.memory_space<hbm>> -> memref<40x768xf32, #tpu.memory_space<hbm>>
      %dma_start3A_1906 = arith.constant 0 : i32
      %dma_start3A_1907 = tpu.memref_slice %arg4[%mul3A_1895, %dma_start3A_1906] : memref<80x768xf32, #tpu.memory_space<vmem>> -> memref<40x768xf32, #tpu.memory_space<vmem>>
      tpu.enqueue_dma source(%dma_start3A_1907 : memref<40x768xf32, #tpu.memory_space<vmem>>) target(%dma_start3A_1905 : memref<40x768xf32, #tpu.memory_space<hbm>>) target_semaphore(%arg5 : memref<!tpu.dma_semaphore, #tpu.memory_space<semaphore_mem>>)
      %add3A_1908 = arith.constant 33 : i32
      %add3A_1909 = arith.addi %add3A_29, %add3A_1908 : i32
      %jit3A_1910 = arith.constant 256 : i32
      %div3A_1911 = arith.divsi %add3A_1909, %jit3A_1910 : i32
      %sign3A_1912 = arith.constant 0 : i32
      %sign3A_1913 = arith.cmpi sgt, %add3A_1909, %sign3A_1912 : i32
      %sign3A_1914 = arith.extui %sign3A_1913 : i1 to i32
      %sign3A_1915 = arith.constant 0 : i32
      %sign3A_1916 = arith.cmpi slt, %add3A_1909, %sign3A_1915 : i32
      %sign3A_1917 = arith.extui %sign3A_1916 : i1 to i32
      %sign3A_1918 = arith.subi %sign3A_1914, %sign3A_1917 : i32
      %sign3A_1919 = arith.constant 0 : i32
      %sign3A_1920 = arith.cmpi sgt, %jit3A_1910, %sign3A_1919 : i32
      %sign3A_1921 = arith.extui %sign3A_1920 : i1 to i32
      %sign3A_1922 = arith.constant 0 : i32
      %sign3A_1923 = arith.cmpi slt, %jit3A_1910, %sign3A_1922 : i32
      %sign3A_1924 = arith.extui %sign3A_1923 : i1 to i32
      %sign3A_1925 = arith.subi %sign3A_1921, %sign3A_1924 : i32
      %ne3A_1926 = arith.cmpi ne, %sign3A_1918, %sign3A_1925 : i32
      %rem3A_1927 = arith.remsi %add3A_1909, %jit3A_1910 : i32
      %ne3A_1928 = arith.constant 0 : i32
      %ne3A_1929 = arith.cmpi ne, %rem3A_1927, %ne3A_1928 : i32
      %and3A_1930 = arith.andi %ne3A_1926, %ne3A_1929 : i1
      %sub3A_1931 = arith.constant 1 : i32
      %sub3A_1932 = arith.subi %div3A_1911, %sub3A_1931 : i32
      %select_n3A_1933 = arith.select %and3A_1930, %sub3A_1932, %div3A_1911 : i32
      %jit3A_1934 = arith.constant 256 : i32
      %eq3A_1935 = arith.constant 0 : i32
      %eq3A_1936 = arith.cmpi eq, %jit3A_1934, %eq3A_1935 : i32
      %jit3A_1937 = arith.constant 1 : i32
      %select_n3A_1938 = arith.select %eq3A_1936, %jit3A_1937, %jit3A_1934 : i32
      %rem3A_1939 = arith.remsi %add3A_1909, %select_n3A_1938 : i32
      %ne3A_1940 = arith.constant 0 : i32
      %ne3A_1941 = arith.cmpi ne, %rem3A_1939, %ne3A_1940 : i32
      %lt3A_1942 = arith.constant 0 : i32
      %lt3A_1943 = arith.cmpi slt, %rem3A_1939, %lt3A_1942 : i32
      %lt3A_1944 = arith.constant 0 : i32
      %lt3A_1945 = arith.cmpi slt, %select_n3A_1938, %lt3A_1944 : i32
      %ne3A_1946 = arith.xori %lt3A_1943, %lt3A_1945 : i1
      %and3A_1947 = arith.andi %ne3A_1946, %ne3A_1941 : i1
      %add3A_1948 = arith.addi %rem3A_1939, %select_n3A_1938 : i32
      %select_n3A_1949 = arith.select %and3A_1947, %add3A_1948, %rem3A_1939 : i32
      %sub3A_1950 = arith.subi %select_n3A_1933, %min3A_19 : i32
      %mul3A_1951 = arith.constant 40 : i32
      %mul3A_1952 = arith.muli %sub3A_1950, %mul3A_1951 : i32
      %mul3A_1953 = arith.constant 40 : i32
      %mul3A_1954 = arith.muli %select_n3A_1933, %mul3A_1953 : i32
      %dma_start3A_1955 = arith.constant 0 : i32
      %dma_start3A_1956 = tpu.memref_slice %arg4[%mul3A_1952, %dma_start3A_1955] : memref<80x768xf32, #tpu.memory_space<vmem>> -> memref<40x768xf32, #tpu.memory_space<vmem>>
      %dma_start3A_1957 = arith.constant 0 : i32
      %dma_start3A_1958 = tpu.memref_slice %arg3[%select_n3A_1949, %mul3A_1954, %dma_start3A_1957] : memref<256x1000x768xf32, #tpu.memory_space<hbm>> -> memref<1x40x768xf32, #tpu.memory_space<hbm>>
      %dma_start3A_1959 = tpu.memref_squeeze %dma_start3A_1958 : memref<1x40x768xf32, #tpu.memory_space<hbm>> -> memref<40x768xf32, #tpu.memory_space<hbm>>
      %dma_start3A_1960 = arith.constant 0 : i32
      %dma_start3A_1961 = tpu.memref_slice %arg3[%select_n3A_1949, %mul3A_1954, %dma_start3A_1960] : memref<256x1000x768xf32, #tpu.memory_space<hbm>> -> memref<1x40x768xf32, #tpu.memory_space<hbm>>
      %dma_start3A_1962 = tpu.memref_squeeze %dma_start3A_1961 : memref<1x40x768xf32, #tpu.memory_space<hbm>> -> memref<40x768xf32, #tpu.memory_space<hbm>>
      %dma_start3A_1963 = arith.constant 0 : i32
      %dma_start3A_1964 = tpu.memref_slice %arg4[%mul3A_1952, %dma_start3A_1963] : memref<80x768xf32, #tpu.memory_space<vmem>> -> memref<40x768xf32, #tpu.memory_space<vmem>>
      tpu.enqueue_dma source(%dma_start3A_1964 : memref<40x768xf32, #tpu.memory_space<vmem>>) target(%dma_start3A_1962 : memref<40x768xf32, #tpu.memory_space<hbm>>) target_semaphore(%arg5 : memref<!tpu.dma_semaphore, #tpu.memory_space<semaphore_mem>>)
      %add3A_1965 = arith.constant 34 : i32
      %add3A_1966 = arith.addi %add3A_29, %add3A_1965 : i32
      %jit3A_1967 = arith.constant 256 : i32
      %div3A_1968 = arith.divsi %add3A_1966, %jit3A_1967 : i32
      %sign3A_1969 = arith.constant 0 : i32
      %sign3A_1970 = arith.cmpi sgt, %add3A_1966, %sign3A_1969 : i32
      %sign3A_1971 = arith.extui %sign3A_1970 : i1 to i32
      %sign3A_1972 = arith.constant 0 : i32
      %sign3A_1973 = arith.cmpi slt, %add3A_1966, %sign3A_1972 : i32
      %sign3A_1974 = arith.extui %sign3A_1973 : i1 to i32
      %sign3A_1975 = arith.subi %sign3A_1971, %sign3A_1974 : i32
      %sign3A_1976 = arith.constant 0 : i32
      %sign3A_1977 = arith.cmpi sgt, %jit3A_1967, %sign3A_1976 : i32
      %sign3A_1978 = arith.extui %sign3A_1977 : i1 to i32
      %sign3A_1979 = arith.constant 0 : i32
      %sign3A_1980 = arith.cmpi slt, %jit3A_1967, %sign3A_1979 : i32
      %sign3A_1981 = arith.extui %sign3A_1980 : i1 to i32
      %sign3A_1982 = arith.subi %sign3A_1978, %sign3A_1981 : i32
      %ne3A_1983 = arith.cmpi ne, %sign3A_1975, %sign3A_1982 : i32
      %rem3A_1984 = arith.remsi %add3A_1966, %jit3A_1967 : i32
      %ne3A_1985 = arith.constant 0 : i32
      %ne3A_1986 = arith.cmpi ne, %rem3A_1984, %ne3A_1985 : i32
      %and3A_1987 = arith.andi %ne3A_1983, %ne3A_1986 : i1
      %sub3A_1988 = arith.constant 1 : i32
      %sub3A_1989 = arith.subi %div3A_1968, %sub3A_1988 : i32
      %select_n3A_1990 = arith.select %and3A_1987, %sub3A_1989, %div3A_1968 : i32
      %jit3A_1991 = arith.constant 256 : i32
      %eq3A_1992 = arith.constant 0 : i32
      %eq3A_1993 = arith.cmpi eq, %jit3A_1991, %eq3A_1992 : i32
      %jit3A_1994 = arith.constant 1 : i32
      %select_n3A_1995 = arith.select %eq3A_1993, %jit3A_1994, %jit3A_1991 : i32
      %rem3A_1996 = arith.remsi %add3A_1966, %select_n3A_1995 : i32
      %ne3A_1997 = arith.constant 0 : i32
      %ne3A_1998 = arith.cmpi ne, %rem3A_1996, %ne3A_1997 : i32
      %lt3A_1999 = arith.constant 0 : i32
      %lt3A_2000 = arith.cmpi slt, %rem3A_1996, %lt3A_1999 : i32
      %lt3A_2001 = arith.constant 0 : i32
      %lt3A_2002 = arith.cmpi slt, %select_n3A_1995, %lt3A_2001 : i32
      %ne3A_2003 = arith.xori %lt3A_2000, %lt3A_2002 : i1
      %and3A_2004 = arith.andi %ne3A_2003, %ne3A_1998 : i1
      %add3A_2005 = arith.addi %rem3A_1996, %select_n3A_1995 : i32
      %select_n3A_2006 = arith.select %and3A_2004, %add3A_2005, %rem3A_1996 : i32
      %sub3A_2007 = arith.subi %select_n3A_1990, %min3A_19 : i32
      %mul3A_2008 = arith.constant 40 : i32
      %mul3A_2009 = arith.muli %sub3A_2007, %mul3A_2008 : i32
      %mul3A_2010 = arith.constant 40 : i32
      %mul3A_2011 = arith.muli %select_n3A_1990, %mul3A_2010 : i32
      %dma_start3A_2012 = arith.constant 0 : i32
      %dma_start3A_2013 = tpu.memref_slice %arg4[%mul3A_2009, %dma_start3A_2012] : memref<80x768xf32, #tpu.memory_space<vmem>> -> memref<40x768xf32, #tpu.memory_space<vmem>>
      %dma_start3A_2014 = arith.constant 0 : i32
      %dma_start3A_2015 = tpu.memref_slice %arg3[%select_n3A_2006, %mul3A_2011, %dma_start3A_2014] : memref<256x1000x768xf32, #tpu.memory_space<hbm>> -> memref<1x40x768xf32, #tpu.memory_space<hbm>>
      %dma_start3A_2016 = tpu.memref_squeeze %dma_start3A_2015 : memref<1x40x768xf32, #tpu.memory_space<hbm>> -> memref<40x768xf32, #tpu.memory_space<hbm>>
      %dma_start3A_2017 = arith.constant 0 : i32
      %dma_start3A_2018 = tpu.memref_slice %arg3[%select_n3A_2006, %mul3A_2011, %dma_start3A_2017] : memref<256x1000x768xf32, #tpu.memory_space<hbm>> -> memref<1x40x768xf32, #tpu.memory_space<hbm>>
      %dma_start3A_2019 = tpu.memref_squeeze %dma_start3A_2018 : memref<1x40x768xf32, #tpu.memory_space<hbm>> -> memref<40x768xf32, #tpu.memory_space<hbm>>
      %dma_start3A_2020 = arith.constant 0 : i32
      %dma_start3A_2021 = tpu.memref_slice %arg4[%mul3A_2009, %dma_start3A_2020] : memref<80x768xf32, #tpu.memory_space<vmem>> -> memref<40x768xf32, #tpu.memory_space<vmem>>
      tpu.enqueue_dma source(%dma_start3A_2021 : memref<40x768xf32, #tpu.memory_space<vmem>>) target(%dma_start3A_2019 : memref<40x768xf32, #tpu.memory_space<hbm>>) target_semaphore(%arg5 : memref<!tpu.dma_semaphore, #tpu.memory_space<semaphore_mem>>)
      %add3A_2022 = arith.constant 35 : i32
      %add3A_2023 = arith.addi %add3A_29, %add3A_2022 : i32
      %jit3A_2024 = arith.constant 256 : i32
      %div3A_2025 = arith.divsi %add3A_2023, %jit3A_2024 : i32
      %sign3A_2026 = arith.constant 0 : i32
      %sign3A_2027 = arith.cmpi sgt, %add3A_2023, %sign3A_2026 : i32
      %sign3A_2028 = arith.extui %sign3A_2027 : i1 to i32
      %sign3A_2029 = arith.constant 0 : i32
      %sign3A_2030 = arith.cmpi slt, %add3A_2023, %sign3A_2029 : i32
      %sign3A_2031 = arith.extui %sign3A_2030 : i1 to i32
      %sign3A_2032 = arith.subi %sign3A_2028, %sign3A_2031 : i32
      %sign3A_2033 = arith.constant 0 : i32
      %sign3A_2034 = arith.cmpi sgt, %jit3A_2024, %sign3A_2033 : i32
      %sign3A_2035 = arith.extui %sign3A_2034 : i1 to i32
      %sign3A_2036 = arith.constant 0 : i32
      %sign3A_2037 = arith.cmpi slt, %jit3A_2024, %sign3A_2036 : i32
      %sign3A_2038 = arith.extui %sign3A_2037 : i1 to i32
      %sign3A_2039 = arith.subi %sign3A_2035, %sign3A_2038 : i32
      %ne3A_2040 = arith.cmpi ne, %sign3A_2032, %sign3A_2039 : i32
      %rem3A_2041 = arith.remsi %add3A_2023, %jit3A_2024 : i32
      %ne3A_2042 = arith.constant 0 : i32
      %ne3A_2043 = arith.cmpi ne, %rem3A_2041, %ne3A_2042 : i32
      %and3A_2044 = arith.andi %ne3A_2040, %ne3A_2043 : i1
      %sub3A_2045 = arith.constant 1 : i32
      %sub3A_2046 = arith.subi %div3A_2025, %sub3A_2045 : i32
      %select_n3A_2047 = arith.select %and3A_2044, %sub3A_2046, %div3A_2025 : i32
      %jit3A_2048 = arith.constant 256 : i32
      %eq3A_2049 = arith.constant 0 : i32
      %eq3A_2050 = arith.cmpi eq, %jit3A_2048, %eq3A_2049 : i32
      %jit3A_2051 = arith.constant 1 : i32
      %select_n3A_2052 = arith.select %eq3A_2050, %jit3A_2051, %jit3A_2048 : i32
      %rem3A_2053 = arith.remsi %add3A_2023, %select_n3A_2052 : i32
      %ne3A_2054 = arith.constant 0 : i32
      %ne3A_2055 = arith.cmpi ne, %rem3A_2053, %ne3A_2054 : i32
      %lt3A_2056 = arith.constant 0 : i32
      %lt3A_2057 = arith.cmpi slt, %rem3A_2053, %lt3A_2056 : i32
      %lt3A_2058 = arith.constant 0 : i32
      %lt3A_2059 = arith.cmpi slt, %select_n3A_2052, %lt3A_2058 : i32
      %ne3A_2060 = arith.xori %lt3A_2057, %lt3A_2059 : i1
      %and3A_2061 = arith.andi %ne3A_2060, %ne3A_2055 : i1
      %add3A_2062 = arith.addi %rem3A_2053, %select_n3A_2052 : i32
      %select_n3A_2063 = arith.select %and3A_2061, %add3A_2062, %rem3A_2053 : i32
      %sub3A_2064 = arith.subi %select_n3A_2047, %min3A_19 : i32
      %mul3A_2065 = arith.constant 40 : i32
      %mul3A_2066 = arith.muli %sub3A_2064, %mul3A_2065 : i32
      %mul3A_2067 = arith.constant 40 : i32
      %mul3A_2068 = arith.muli %select_n3A_2047, %mul3A_2067 : i32
      %dma_start3A_2069 = arith.constant 0 : i32
      %dma_start3A_2070 = tpu.memref_slice %arg4[%mul3A_2066, %dma_start3A_2069] : memref<80x768xf32, #tpu.memory_space<vmem>> -> memref<40x768xf32, #tpu.memory_space<vmem>>
      %dma_start3A_2071 = arith.constant 0 : i32
      %dma_start3A_2072 = tpu.memref_slice %arg3[%select_n3A_2063, %mul3A_2068, %dma_start3A_2071] : memref<256x1000x768xf32, #tpu.memory_space<hbm>> -> memref<1x40x768xf32, #tpu.memory_space<hbm>>
      %dma_start3A_2073 = tpu.memref_squeeze %dma_start3A_2072 : memref<1x40x768xf32, #tpu.memory_space<hbm>> -> memref<40x768xf32, #tpu.memory_space<hbm>>
      %dma_start3A_2074 = arith.constant 0 : i32
      %dma_start3A_2075 = tpu.memref_slice %arg3[%select_n3A_2063, %mul3A_2068, %dma_start3A_2074] : memref<256x1000x768xf32, #tpu.memory_space<hbm>> -> memref<1x40x768xf32, #tpu.memory_space<hbm>>
      %dma_start3A_2076 = tpu.memref_squeeze %dma_start3A_2075 : memref<1x40x768xf32, #tpu.memory_space<hbm>> -> memref<40x768xf32, #tpu.memory_space<hbm>>
      %dma_start3A_2077 = arith.constant 0 : i32
      %dma_start3A_2078 = tpu.memref_slice %arg4[%mul3A_2066, %dma_start3A_2077] : memref<80x768xf32, #tpu.memory_space<vmem>> -> memref<40x768xf32, #tpu.memory_space<vmem>>
      tpu.enqueue_dma source(%dma_start3A_2078 : memref<40x768xf32, #tpu.memory_space<vmem>>) target(%dma_start3A_2076 : memref<40x768xf32, #tpu.memory_space<hbm>>) target_semaphore(%arg5 : memref<!tpu.dma_semaphore, #tpu.memory_space<semaphore_mem>>)
      %add3A_2079 = arith.constant 36 : i32
      %add3A_2080 = arith.addi %add3A_29, %add3A_2079 : i32
      %jit3A_2081 = arith.constant 256 : i32
      %div3A_2082 = arith.divsi %add3A_2080, %jit3A_2081 : i32
      %sign3A_2083 = arith.constant 0 : i32
      %sign3A_2084 = arith.cmpi sgt, %add3A_2080, %sign3A_2083 : i32
      %sign3A_2085 = arith.extui %sign3A_2084 : i1 to i32
      %sign3A_2086 = arith.constant 0 : i32
      %sign3A_2087 = arith.cmpi slt, %add3A_2080, %sign3A_2086 : i32
      %sign3A_2088 = arith.extui %sign3A_2087 : i1 to i32
      %sign3A_2089 = arith.subi %sign3A_2085, %sign3A_2088 : i32
      %sign3A_2090 = arith.constant 0 : i32
      %sign3A_2091 = arith.cmpi sgt, %jit3A_2081, %sign3A_2090 : i32
      %sign3A_2092 = arith.extui %sign3A_2091 : i1 to i32
      %sign3A_2093 = arith.constant 0 : i32
      %sign3A_2094 = arith.cmpi slt, %jit3A_2081, %sign3A_2093 : i32
      %sign3A_2095 = arith.extui %sign3A_2094 : i1 to i32
      %sign3A_2096 = arith.subi %sign3A_2092, %sign3A_2095 : i32
      %ne3A_2097 = arith.cmpi ne, %sign3A_2089, %sign3A_2096 : i32
      %rem3A_2098 = arith.remsi %add3A_2080, %jit3A_2081 : i32
      %ne3A_2099 = arith.constant 0 : i32
      %ne3A_2100 = arith.cmpi ne, %rem3A_2098, %ne3A_2099 : i32
      %and3A_2101 = arith.andi %ne3A_2097, %ne3A_2100 : i1
      %sub3A_2102 = arith.constant 1 : i32
      %sub3A_2103 = arith.subi %div3A_2082, %sub3A_2102 : i32
      %select_n3A_2104 = arith.select %and3A_2101, %sub3A_2103, %div3A_2082 : i32
      %jit3A_2105 = arith.constant 256 : i32
      %eq3A_2106 = arith.constant 0 : i32
      %eq3A_2107 = arith.cmpi eq, %jit3A_2105, %eq3A_2106 : i32
      %jit3A_2108 = arith.constant 1 : i32
      %select_n3A_2109 = arith.select %eq3A_2107, %jit3A_2108, %jit3A_2105 : i32
      %rem3A_2110 = arith.remsi %add3A_2080, %select_n3A_2109 : i32
      %ne3A_2111 = arith.constant 0 : i32
      %ne3A_2112 = arith.cmpi ne, %rem3A_2110, %ne3A_2111 : i32
      %lt3A_2113 = arith.constant 0 : i32
      %lt3A_2114 = arith.cmpi slt, %rem3A_2110, %lt3A_2113 : i32
      %lt3A_2115 = arith.constant 0 : i32
      %lt3A_2116 = arith.cmpi slt, %select_n3A_2109, %lt3A_2115 : i32
      %ne3A_2117 = arith.xori %lt3A_2114, %lt3A_2116 : i1
      %and3A_2118 = arith.andi %ne3A_2117, %ne3A_2112 : i1
      %add3A_2119 = arith.addi %rem3A_2110, %select_n3A_2109 : i32
      %select_n3A_2120 = arith.select %and3A_2118, %add3A_2119, %rem3A_2110 : i32
      %sub3A_2121 = arith.subi %select_n3A_2104, %min3A_19 : i32
      %mul3A_2122 = arith.constant 40 : i32
      %mul3A_2123 = arith.muli %sub3A_2121, %mul3A_2122 : i32
      %mul3A_2124 = arith.constant 40 : i32
      %mul3A_2125 = arith.muli %select_n3A_2104, %mul3A_2124 : i32
      %dma_start3A_2126 = arith.constant 0 : i32
      %dma_start3A_2127 = tpu.memref_slice %arg4[%mul3A_2123, %dma_start3A_2126] : memref<80x768xf32, #tpu.memory_space<vmem>> -> memref<40x768xf32, #tpu.memory_space<vmem>>
      %dma_start3A_2128 = arith.constant 0 : i32
      %dma_start3A_2129 = tpu.memref_slice %arg3[%select_n3A_2120, %mul3A_2125, %dma_start3A_2128] : memref<256x1000x768xf32, #tpu.memory_space<hbm>> -> memref<1x40x768xf32, #tpu.memory_space<hbm>>
      %dma_start3A_2130 = tpu.memref_squeeze %dma_start3A_2129 : memref<1x40x768xf32, #tpu.memory_space<hbm>> -> memref<40x768xf32, #tpu.memory_space<hbm>>
      %dma_start3A_2131 = arith.constant 0 : i32
      %dma_start3A_2132 = tpu.memref_slice %arg3[%select_n3A_2120, %mul3A_2125, %dma_start3A_2131] : memref<256x1000x768xf32, #tpu.memory_space<hbm>> -> memref<1x40x768xf32, #tpu.memory_space<hbm>>
      %dma_start3A_2133 = tpu.memref_squeeze %dma_start3A_2132 : memref<1x40x768xf32, #tpu.memory_space<hbm>> -> memref<40x768xf32, #tpu.memory_space<hbm>>
      %dma_start3A_2134 = arith.constant 0 : i32
      %dma_start3A_2135 = tpu.memref_slice %arg4[%mul3A_2123, %dma_start3A_2134] : memref<80x768xf32, #tpu.memory_space<vmem>> -> memref<40x768xf32, #tpu.memory_space<vmem>>
      tpu.enqueue_dma source(%dma_start3A_2135 : memref<40x768xf32, #tpu.memory_space<vmem>>) target(%dma_start3A_2133 : memref<40x768xf32, #tpu.memory_space<hbm>>) target_semaphore(%arg5 : memref<!tpu.dma_semaphore, #tpu.memory_space<semaphore_mem>>)
      %add3A_2136 = arith.constant 37 : i32
      %add3A_2137 = arith.addi %add3A_29, %add3A_2136 : i32
      %jit3A_2138 = arith.constant 256 : i32
      %div3A_2139 = arith.divsi %add3A_2137, %jit3A_2138 : i32
      %sign3A_2140 = arith.constant 0 : i32
      %sign3A_2141 = arith.cmpi sgt, %add3A_2137, %sign3A_2140 : i32
      %sign3A_2142 = arith.extui %sign3A_2141 : i1 to i32
      %sign3A_2143 = arith.constant 0 : i32
      %sign3A_2144 = arith.cmpi slt, %add3A_2137, %sign3A_2143 : i32
      %sign3A_2145 = arith.extui %sign3A_2144 : i1 to i32
      %sign3A_2146 = arith.subi %sign3A_2142, %sign3A_2145 : i32
      %sign3A_2147 = arith.constant 0 : i32
      %sign3A_2148 = arith.cmpi sgt, %jit3A_2138, %sign3A_2147 : i32
      %sign3A_2149 = arith.extui %sign3A_2148 : i1 to i32
      %sign3A_2150 = arith.constant 0 : i32
      %sign3A_2151 = arith.cmpi slt, %jit3A_2138, %sign3A_2150 : i32
      %sign3A_2152 = arith.extui %sign3A_2151 : i1 to i32
      %sign3A_2153 = arith.subi %sign3A_2149, %sign3A_2152 : i32
      %ne3A_2154 = arith.cmpi ne, %sign3A_2146, %sign3A_2153 : i32
      %rem3A_2155 = arith.remsi %add3A_2137, %jit3A_2138 : i32
      %ne3A_2156 = arith.constant 0 : i32
      %ne3A_2157 = arith.cmpi ne, %rem3A_2155, %ne3A_2156 : i32
      %and3A_2158 = arith.andi %ne3A_2154, %ne3A_2157 : i1
      %sub3A_2159 = arith.constant 1 : i32
      %sub3A_2160 = arith.subi %div3A_2139, %sub3A_2159 : i32
      %select_n3A_2161 = arith.select %and3A_2158, %sub3A_2160, %div3A_2139 : i32
      %jit3A_2162 = arith.constant 256 : i32
      %eq3A_2163 = arith.constant 0 : i32
      %eq3A_2164 = arith.cmpi eq, %jit3A_2162, %eq3A_2163 : i32
      %jit3A_2165 = arith.constant 1 : i32
      %select_n3A_2166 = arith.select %eq3A_2164, %jit3A_2165, %jit3A_2162 : i32
      %rem3A_2167 = arith.remsi %add3A_2137, %select_n3A_2166 : i32
      %ne3A_2168 = arith.constant 0 : i32
      %ne3A_2169 = arith.cmpi ne, %rem3A_2167, %ne3A_2168 : i32
      %lt3A_2170 = arith.constant 0 : i32
      %lt3A_2171 = arith.cmpi slt, %rem3A_2167, %lt3A_2170 : i32
      %lt3A_2172 = arith.constant 0 : i32
      %lt3A_2173 = arith.cmpi slt, %select_n3A_2166, %lt3A_2172 : i32
      %ne3A_2174 = arith.xori %lt3A_2171, %lt3A_2173 : i1
      %and3A_2175 = arith.andi %ne3A_2174, %ne3A_2169 : i1
      %add3A_2176 = arith.addi %rem3A_2167, %select_n3A_2166 : i32
      %select_n3A_2177 = arith.select %and3A_2175, %add3A_2176, %rem3A_2167 : i32
      %sub3A_2178 = arith.subi %select_n3A_2161, %min3A_19 : i32
      %mul3A_2179 = arith.constant 40 : i32
      %mul3A_2180 = arith.muli %sub3A_2178, %mul3A_2179 : i32
      %mul3A_2181 = arith.constant 40 : i32
      %mul3A_2182 = arith.muli %select_n3A_2161, %mul3A_2181 : i32
      %dma_start3A_2183 = arith.constant 0 : i32
      %dma_start3A_2184 = tpu.memref_slice %arg4[%mul3A_2180, %dma_start3A_2183] : memref<80x768xf32, #tpu.memory_space<vmem>> -> memref<40x768xf32, #tpu.memory_space<vmem>>
      %dma_start3A_2185 = arith.constant 0 : i32
      %dma_start3A_2186 = tpu.memref_slice %arg3[%select_n3A_2177, %mul3A_2182, %dma_start3A_2185] : memref<256x1000x768xf32, #tpu.memory_space<hbm>> -> memref<1x40x768xf32, #tpu.memory_space<hbm>>
      %dma_start3A_2187 = tpu.memref_squeeze %dma_start3A_2186 : memref<1x40x768xf32, #tpu.memory_space<hbm>> -> memref<40x768xf32, #tpu.memory_space<hbm>>
      %dma_start3A_2188 = arith.constant 0 : i32
      %dma_start3A_2189 = tpu.memref_slice %arg3[%select_n3A_2177, %mul3A_2182, %dma_start3A_2188] : memref<256x1000x768xf32, #tpu.memory_space<hbm>> -> memref<1x40x768xf32, #tpu.memory_space<hbm>>
      %dma_start3A_2190 = tpu.memref_squeeze %dma_start3A_2189 : memref<1x40x768xf32, #tpu.memory_space<hbm>> -> memref<40x768xf32, #tpu.memory_space<hbm>>
      %dma_start3A_2191 = arith.constant 0 : i32
      %dma_start3A_2192 = tpu.memref_slice %arg4[%mul3A_2180, %dma_start3A_2191] : memref<80x768xf32, #tpu.memory_space<vmem>> -> memref<40x768xf32, #tpu.memory_space<vmem>>
      tpu.enqueue_dma source(%dma_start3A_2192 : memref<40x768xf32, #tpu.memory_space<vmem>>) target(%dma_start3A_2190 : memref<40x768xf32, #tpu.memory_space<hbm>>) target_semaphore(%arg5 : memref<!tpu.dma_semaphore, #tpu.memory_space<semaphore_mem>>)
      %add3A_2193 = arith.constant 38 : i32
      %add3A_2194 = arith.addi %add3A_29, %add3A_2193 : i32
      %jit3A_2195 = arith.constant 256 : i32
      %div3A_2196 = arith.divsi %add3A_2194, %jit3A_2195 : i32
      %sign3A_2197 = arith.constant 0 : i32
      %sign3A_2198 = arith.cmpi sgt, %add3A_2194, %sign3A_2197 : i32
      %sign3A_2199 = arith.extui %sign3A_2198 : i1 to i32
      %sign3A_2200 = arith.constant 0 : i32
      %sign3A_2201 = arith.cmpi slt, %add3A_2194, %sign3A_2200 : i32
      %sign3A_2202 = arith.extui %sign3A_2201 : i1 to i32
      %sign3A_2203 = arith.subi %sign3A_2199, %sign3A_2202 : i32
      %sign3A_2204 = arith.constant 0 : i32
      %sign3A_2205 = arith.cmpi sgt, %jit3A_2195, %sign3A_2204 : i32
      %sign3A_2206 = arith.extui %sign3A_2205 : i1 to i32
      %sign3A_2207 = arith.constant 0 : i32
      %sign3A_2208 = arith.cmpi slt, %jit3A_2195, %sign3A_2207 : i32
      %sign3A_2209 = arith.extui %sign3A_2208 : i1 to i32
      %sign3A_2210 = arith.subi %sign3A_2206, %sign3A_2209 : i32
      %ne3A_2211 = arith.cmpi ne, %sign3A_2203, %sign3A_2210 : i32
      %rem3A_2212 = arith.remsi %add3A_2194, %jit3A_2195 : i32
      %ne3A_2213 = arith.constant 0 : i32
      %ne3A_2214 = arith.cmpi ne, %rem3A_2212, %ne3A_2213 : i32
      %and3A_2215 = arith.andi %ne3A_2211, %ne3A_2214 : i1
      %sub3A_2216 = arith.constant 1 : i32
      %sub3A_2217 = arith.subi %div3A_2196, %sub3A_2216 : i32
      %select_n3A_2218 = arith.select %and3A_2215, %sub3A_2217, %div3A_2196 : i32
      %jit3A_2219 = arith.constant 256 : i32
      %eq3A_2220 = arith.constant 0 : i32
      %eq3A_2221 = arith.cmpi eq, %jit3A_2219, %eq3A_2220 : i32
      %jit3A_2222 = arith.constant 1 : i32
      %select_n3A_2223 = arith.select %eq3A_2221, %jit3A_2222, %jit3A_2219 : i32
      %rem3A_2224 = arith.remsi %add3A_2194, %select_n3A_2223 : i32
      %ne3A_2225 = arith.constant 0 : i32
      %ne3A_2226 = arith.cmpi ne, %rem3A_2224, %ne3A_2225 : i32
      %lt3A_2227 = arith.constant 0 : i32
      %lt3A_2228 = arith.cmpi slt, %rem3A_2224, %lt3A_2227 : i32
      %lt3A_2229 = arith.constant 0 : i32
      %lt3A_2230 = arith.cmpi slt, %select_n3A_2223, %lt3A_2229 : i32
      %ne3A_2231 = arith.xori %lt3A_2228, %lt3A_2230 : i1
      %and3A_2232 = arith.andi %ne3A_2231, %ne3A_2226 : i1
      %add3A_2233 = arith.addi %rem3A_2224, %select_n3A_2223 : i32
      %select_n3A_2234 = arith.select %and3A_2232, %add3A_2233, %rem3A_2224 : i32
      %sub3A_2235 = arith.subi %select_n3A_2218, %min3A_19 : i32
      %mul3A_2236 = arith.constant 40 : i32
      %mul3A_2237 = arith.muli %sub3A_2235, %mul3A_2236 : i32
      %mul3A_2238 = arith.constant 40 : i32
      %mul3A_2239 = arith.muli %select_n3A_2218, %mul3A_2238 : i32
      %dma_start3A_2240 = arith.constant 0 : i32
      %dma_start3A_2241 = tpu.memref_slice %arg4[%mul3A_2237, %dma_start3A_2240] : memref<80x768xf32, #tpu.memory_space<vmem>> -> memref<40x768xf32, #tpu.memory_space<vmem>>
      %dma_start3A_2242 = arith.constant 0 : i32
      %dma_start3A_2243 = tpu.memref_slice %arg3[%select_n3A_2234, %mul3A_2239, %dma_start3A_2242] : memref<256x1000x768xf32, #tpu.memory_space<hbm>> -> memref<1x40x768xf32, #tpu.memory_space<hbm>>
      %dma_start3A_2244 = tpu.memref_squeeze %dma_start3A_2243 : memref<1x40x768xf32, #tpu.memory_space<hbm>> -> memref<40x768xf32, #tpu.memory_space<hbm>>
      %dma_start3A_2245 = arith.constant 0 : i32
      %dma_start3A_2246 = tpu.memref_slice %arg3[%select_n3A_2234, %mul3A_2239, %dma_start3A_2245] : memref<256x1000x768xf32, #tpu.memory_space<hbm>> -> memref<1x40x768xf32, #tpu.memory_space<hbm>>
      %dma_start3A_2247 = tpu.memref_squeeze %dma_start3A_2246 : memref<1x40x768xf32, #tpu.memory_space<hbm>> -> memref<40x768xf32, #tpu.memory_space<hbm>>
      %dma_start3A_2248 = arith.constant 0 : i32
      %dma_start3A_2249 = tpu.memref_slice %arg4[%mul3A_2237, %dma_start3A_2248] : memref<80x768xf32, #tpu.memory_space<vmem>> -> memref<40x768xf32, #tpu.memory_space<vmem>>
      tpu.enqueue_dma source(%dma_start3A_2249 : memref<40x768xf32, #tpu.memory_space<vmem>>) target(%dma_start3A_2247 : memref<40x768xf32, #tpu.memory_space<hbm>>) target_semaphore(%arg5 : memref<!tpu.dma_semaphore, #tpu.memory_space<semaphore_mem>>)
      %add3A_2250 = arith.constant 39 : i32
      %add3A_2251 = arith.addi %add3A_29, %add3A_2250 : i32
      %jit3A_2252 = arith.constant 256 : i32
      %div3A_2253 = arith.divsi %add3A_2251, %jit3A_2252 : i32
      %sign3A_2254 = arith.constant 0 : i32
      %sign3A_2255 = arith.cmpi sgt, %add3A_2251, %sign3A_2254 : i32
      %sign3A_2256 = arith.extui %sign3A_2255 : i1 to i32
      %sign3A_2257 = arith.constant 0 : i32
      %sign3A_2258 = arith.cmpi slt, %add3A_2251, %sign3A_2257 : i32
      %sign3A_2259 = arith.extui %sign3A_2258 : i1 to i32
      %sign3A_2260 = arith.subi %sign3A_2256, %sign3A_2259 : i32
      %sign3A_2261 = arith.constant 0 : i32
      %sign3A_2262 = arith.cmpi sgt, %jit3A_2252, %sign3A_2261 : i32
      %sign3A_2263 = arith.extui %sign3A_2262 : i1 to i32
      %sign3A_2264 = arith.constant 0 : i32
      %sign3A_2265 = arith.cmpi slt, %jit3A_2252, %sign3A_2264 : i32
      %sign3A_2266 = arith.extui %sign3A_2265 : i1 to i32
      %sign3A_2267 = arith.subi %sign3A_2263, %sign3A_2266 : i32
      %ne3A_2268 = arith.cmpi ne, %sign3A_2260, %sign3A_2267 : i32
      %rem3A_2269 = arith.remsi %add3A_2251, %jit3A_2252 : i32
      %ne3A_2270 = arith.constant 0 : i32
      %ne3A_2271 = arith.cmpi ne, %rem3A_2269, %ne3A_2270 : i32
      %and3A_2272 = arith.andi %ne3A_2268, %ne3A_2271 : i1
      %sub3A_2273 = arith.constant 1 : i32
      %sub3A_2274 = arith.subi %div3A_2253, %sub3A_2273 : i32
      %select_n3A_2275 = arith.select %and3A_2272, %sub3A_2274, %div3A_2253 : i32
      %jit3A_2276 = arith.constant 256 : i32
      %eq3A_2277 = arith.constant 0 : i32
      %eq3A_2278 = arith.cmpi eq, %jit3A_2276, %eq3A_2277 : i32
      %jit3A_2279 = arith.constant 1 : i32
      %select_n3A_2280 = arith.select %eq3A_2278, %jit3A_2279, %jit3A_2276 : i32
      %rem3A_2281 = arith.remsi %add3A_2251, %select_n3A_2280 : i32
      %ne3A_2282 = arith.constant 0 : i32
      %ne3A_2283 = arith.cmpi ne, %rem3A_2281, %ne3A_2282 : i32
      %lt3A_2284 = arith.constant 0 : i32
      %lt3A_2285 = arith.cmpi slt, %rem3A_2281, %lt3A_2284 : i32
      %lt3A_2286 = arith.constant 0 : i32
      %lt3A_2287 = arith.cmpi slt, %select_n3A_2280, %lt3A_2286 : i32
      %ne3A_2288 = arith.xori %lt3A_2285, %lt3A_2287 : i1
      %and3A_2289 = arith.andi %ne3A_2288, %ne3A_2283 : i1
      %add3A_2290 = arith.addi %rem3A_2281, %select_n3A_2280 : i32
      %select_n3A_2291 = arith.select %and3A_2289, %add3A_2290, %rem3A_2281 : i32
      %sub3A_2292 = arith.subi %select_n3A_2275, %min3A_19 : i32
      %mul3A_2293 = arith.constant 40 : i32
      %mul3A_2294 = arith.muli %sub3A_2292, %mul3A_2293 : i32
      %mul3A_2295 = arith.constant 40 : i32
      %mul3A_2296 = arith.muli %select_n3A_2275, %mul3A_2295 : i32
      %dma_start3A_2297 = arith.constant 0 : i32
      %dma_start3A_2298 = tpu.memref_slice %arg4[%mul3A_2294, %dma_start3A_2297] : memref<80x768xf32, #tpu.memory_space<vmem>> -> memref<40x768xf32, #tpu.memory_space<vmem>>
      %dma_start3A_2299 = arith.constant 0 : i32
      %dma_start3A_2300 = tpu.memref_slice %arg3[%select_n3A_2291, %mul3A_2296, %dma_start3A_2299] : memref<256x1000x768xf32, #tpu.memory_space<hbm>> -> memref<1x40x768xf32, #tpu.memory_space<hbm>>
      %dma_start3A_2301 = tpu.memref_squeeze %dma_start3A_2300 : memref<1x40x768xf32, #tpu.memory_space<hbm>> -> memref<40x768xf32, #tpu.memory_space<hbm>>
      %dma_start3A_2302 = arith.constant 0 : i32
      %dma_start3A_2303 = tpu.memref_slice %arg3[%select_n3A_2291, %mul3A_2296, %dma_start3A_2302] : memref<256x1000x768xf32, #tpu.memory_space<hbm>> -> memref<1x40x768xf32, #tpu.memory_space<hbm>>
      %dma_start3A_2304 = tpu.memref_squeeze %dma_start3A_2303 : memref<1x40x768xf32, #tpu.memory_space<hbm>> -> memref<40x768xf32, #tpu.memory_space<hbm>>
      %dma_start3A_2305 = arith.constant 0 : i32
      %dma_start3A_2306 = tpu.memref_slice %arg4[%mul3A_2294, %dma_start3A_2305] : memref<80x768xf32, #tpu.memory_space<vmem>> -> memref<40x768xf32, #tpu.memory_space<vmem>>
      tpu.enqueue_dma source(%dma_start3A_2306 : memref<40x768xf32, #tpu.memory_space<vmem>>) target(%dma_start3A_2304 : memref<40x768xf32, #tpu.memory_space<hbm>>) target_semaphore(%arg5 : memref<!tpu.dma_semaphore, #tpu.memory_space<semaphore_mem>>)
      %dma_wait3A = arith.constant 0 : i32
      %dma_wait3A_2307 = tpu.memref_slice %arg4[%mul3A_72, %dma_wait3A] : memref<80x768xf32, #tpu.memory_space<vmem>> -> memref<40x768xf32, #tpu.memory_space<vmem>>
      %dma_wait3A_2308 = arith.constant 0 : i32
      %dma_wait3A_2309 = tpu.memref_slice %arg3[%select_n3A_69, %mul3A_74, %dma_wait3A_2308] : memref<256x1000x768xf32, #tpu.memory_space<hbm>> -> memref<1x40x768xf32, #tpu.memory_space<hbm>>
      %dma_wait3A_2310 = tpu.memref_squeeze %dma_wait3A_2309 : memref<1x40x768xf32, #tpu.memory_space<hbm>> -> memref<40x768xf32, #tpu.memory_space<hbm>>
      %dma_wait3A_2311 = arith.constant 0 : i32
      %dma_wait3A_2312 = tpu.memref_slice %arg3[%select_n3A_69, %mul3A_74, %dma_wait3A_2311] : memref<256x1000x768xf32, #tpu.memory_space<hbm>> -> memref<1x40x768xf32, #tpu.memory_space<hbm>>
      %dma_wait3A_2313 = tpu.memref_squeeze %dma_wait3A_2312 : memref<1x40x768xf32, #tpu.memory_space<hbm>> -> memref<40x768xf32, #tpu.memory_space<hbm>>
      %dma_wait3A_2314 = arith.constant 0 : i32
      %dma_wait3A_2315 = tpu.memref_slice %arg4[%mul3A_72, %dma_wait3A_2314] : memref<80x768xf32, #tpu.memory_space<vmem>> -> memref<40x768xf32, #tpu.memory_space<vmem>>
      tpu.wait_dma2 semaphore(%arg5 : memref<!tpu.dma_semaphore, #tpu.memory_space<semaphore_mem>>) src(%dma_wait3A_2315 : memref<40x768xf32, #tpu.memory_space<vmem>>) dst(%dma_wait3A_2313 : memref<40x768xf32, #tpu.memory_space<hbm>>)
      %dma_wait3A_2316 = arith.constant 0 : i32
      %dma_wait3A_2317 = tpu.memref_slice %arg4[%mul3A_128, %dma_wait3A_2316] : memref<80x768xf32, #tpu.memory_space<vmem>> -> memref<40x768xf32, #tpu.memory_space<vmem>>
      %dma_wait3A_2318 = arith.constant 0 : i32
      %dma_wait3A_2319 = tpu.memref_slice %arg3[%select_n3A_125, %mul3A_130, %dma_wait3A_2318] : memref<256x1000x768xf32, #tpu.memory_space<hbm>> -> memref<1x40x768xf32, #tpu.memory_space<hbm>>
      %dma_wait3A_2320 = tpu.memref_squeeze %dma_wait3A_2319 : memref<1x40x768xf32, #tpu.memory_space<hbm>> -> memref<40x768xf32, #tpu.memory_space<hbm>>
      %dma_wait3A_2321 = arith.constant 0 : i32
      %dma_wait3A_2322 = tpu.memref_slice %arg3[%select_n3A_125, %mul3A_130, %dma_wait3A_2321] : memref<256x1000x768xf32, #tpu.memory_space<hbm>> -> memref<1x40x768xf32, #tpu.memory_space<hbm>>
      %dma_wait3A_2323 = tpu.memref_squeeze %dma_wait3A_2322 : memref<1x40x768xf32, #tpu.memory_space<hbm>> -> memref<40x768xf32, #tpu.memory_space<hbm>>
      %dma_wait3A_2324 = arith.constant 0 : i32
      %dma_wait3A_2325 = tpu.memref_slice %arg4[%mul3A_128, %dma_wait3A_2324] : memref<80x768xf32, #tpu.memory_space<vmem>> -> memref<40x768xf32, #tpu.memory_space<vmem>>
      tpu.wait_dma2 semaphore(%arg5 : memref<!tpu.dma_semaphore, #tpu.memory_space<semaphore_mem>>) src(%dma_wait3A_2325 : memref<40x768xf32, #tpu.memory_space<vmem>>) dst(%dma_wait3A_2323 : memref<40x768xf32, #tpu.memory_space<hbm>>)
      %dma_wait3A_2326 = arith.constant 0 : i32
      %dma_wait3A_2327 = tpu.memref_slice %arg4[%mul3A_185, %dma_wait3A_2326] : memref<80x768xf32, #tpu.memory_space<vmem>> -> memref<40x768xf32, #tpu.memory_space<vmem>>
      %dma_wait3A_2328 = arith.constant 0 : i32
      %dma_wait3A_2329 = tpu.memref_slice %arg3[%select_n3A_182, %mul3A_187, %dma_wait3A_2328] : memref<256x1000x768xf32, #tpu.memory_space<hbm>> -> memref<1x40x768xf32, #tpu.memory_space<hbm>>
      %dma_wait3A_2330 = tpu.memref_squeeze %dma_wait3A_2329 : memref<1x40x768xf32, #tpu.memory_space<hbm>> -> memref<40x768xf32, #tpu.memory_space<hbm>>
      %dma_wait3A_2331 = arith.constant 0 : i32
      %dma_wait3A_2332 = tpu.memref_slice %arg3[%select_n3A_182, %mul3A_187, %dma_wait3A_2331] : memref<256x1000x768xf32, #tpu.memory_space<hbm>> -> memref<1x40x768xf32, #tpu.memory_space<hbm>>
      %dma_wait3A_2333 = tpu.memref_squeeze %dma_wait3A_2332 : memref<1x40x768xf32, #tpu.memory_space<hbm>> -> memref<40x768xf32, #tpu.memory_space<hbm>>
      %dma_wait3A_2334 = arith.constant 0 : i32
      %dma_wait3A_2335 = tpu.memref_slice %arg4[%mul3A_185, %dma_wait3A_2334] : memref<80x768xf32, #tpu.memory_space<vmem>> -> memref<40x768xf32, #tpu.memory_space<vmem>>
      tpu.wait_dma2 semaphore(%arg5 : memref<!tpu.dma_semaphore, #tpu.memory_space<semaphore_mem>>) src(%dma_wait3A_2335 : memref<40x768xf32, #tpu.memory_space<vmem>>) dst(%dma_wait3A_2333 : memref<40x768xf32, #tpu.memory_space<hbm>>)
      %dma_wait3A_2336 = arith.constant 0 : i32
      %dma_wait3A_2337 = tpu.memref_slice %arg4[%mul3A_242, %dma_wait3A_2336] : memref<80x768xf32, #tpu.memory_space<vmem>> -> memref<40x768xf32, #tpu.memory_space<vmem>>
      %dma_wait3A_2338 = arith.constant 0 : i32
      %dma_wait3A_2339 = tpu.memref_slice %arg3[%select_n3A_239, %mul3A_244, %dma_wait3A_2338] : memref<256x1000x768xf32, #tpu.memory_space<hbm>> -> memref<1x40x768xf32, #tpu.memory_space<hbm>>
      %dma_wait3A_2340 = tpu.memref_squeeze %dma_wait3A_2339 : memref<1x40x768xf32, #tpu.memory_space<hbm>> -> memref<40x768xf32, #tpu.memory_space<hbm>>
      %dma_wait3A_2341 = arith.constant 0 : i32
      %dma_wait3A_2342 = tpu.memref_slice %arg3[%select_n3A_239, %mul3A_244, %dma_wait3A_2341] : memref<256x1000x768xf32, #tpu.memory_space<hbm>> -> memref<1x40x768xf32, #tpu.memory_space<hbm>>
      %dma_wait3A_2343 = tpu.memref_squeeze %dma_wait3A_2342 : memref<1x40x768xf32, #tpu.memory_space<hbm>> -> memref<40x768xf32, #tpu.memory_space<hbm>>
      %dma_wait3A_2344 = arith.constant 0 : i32
      %dma_wait3A_2345 = tpu.memref_slice %arg4[%mul3A_242, %dma_wait3A_2344] : memref<80x768xf32, #tpu.memory_space<vmem>> -> memref<40x768xf32, #tpu.memory_space<vmem>>
      tpu.wait_dma2 semaphore(%arg5 : memref<!tpu.dma_semaphore, #tpu.memory_space<semaphore_mem>>) src(%dma_wait3A_2345 : memref<40x768xf32, #tpu.memory_space<vmem>>) dst(%dma_wait3A_2343 : memref<40x768xf32, #tpu.memory_space<hbm>>)
      %dma_wait3A_2346 = arith.constant 0 : i32
      %dma_wait3A_2347 = tpu.memref_slice %arg4[%mul3A_299, %dma_wait3A_2346] : memref<80x768xf32, #tpu.memory_space<vmem>> -> memref<40x768xf32, #tpu.memory_space<vmem>>
      %dma_wait3A_2348 = arith.constant 0 : i32
      %dma_wait3A_2349 = tpu.memref_slice %arg3[%select_n3A_296, %mul3A_301, %dma_wait3A_2348] : memref<256x1000x768xf32, #tpu.memory_space<hbm>> -> memref<1x40x768xf32, #tpu.memory_space<hbm>>
      %dma_wait3A_2350 = tpu.memref_squeeze %dma_wait3A_2349 : memref<1x40x768xf32, #tpu.memory_space<hbm>> -> memref<40x768xf32, #tpu.memory_space<hbm>>
      %dma_wait3A_2351 = arith.constant 0 : i32
      %dma_wait3A_2352 = tpu.memref_slice %arg3[%select_n3A_296, %mul3A_301, %dma_wait3A_2351] : memref<256x1000x768xf32, #tpu.memory_space<hbm>> -> memref<1x40x768xf32, #tpu.memory_space<hbm>>
      %dma_wait3A_2353 = tpu.memref_squeeze %dma_wait3A_2352 : memref<1x40x768xf32, #tpu.memory_space<hbm>> -> memref<40x768xf32, #tpu.memory_space<hbm>>
      %dma_wait3A_2354 = arith.constant 0 : i32
      %dma_wait3A_2355 = tpu.memref_slice %arg4[%mul3A_299, %dma_wait3A_2354] : memref<80x768xf32, #tpu.memory_space<vmem>> -> memref<40x768xf32, #tpu.memory_space<vmem>>
      tpu.wait_dma2 semaphore(%arg5 : memref<!tpu.dma_semaphore, #tpu.memory_space<semaphore_mem>>) src(%dma_wait3A_2355 : memref<40x768xf32, #tpu.memory_space<vmem>>) dst(%dma_wait3A_2353 : memref<40x768xf32, #tpu.memory_space<hbm>>)
      %dma_wait3A_2356 = arith.constant 0 : i32
      %dma_wait3A_2357 = tpu.memref_slice %arg4[%mul3A_356, %dma_wait3A_2356] : memref<80x768xf32, #tpu.memory_space<vmem>> -> memref<40x768xf32, #tpu.memory_space<vmem>>
      %dma_wait3A_2358 = arith.constant 0 : i32
      %dma_wait3A_2359 = tpu.memref_slice %arg3[%select_n3A_353, %mul3A_358, %dma_wait3A_2358] : memref<256x1000x768xf32, #tpu.memory_space<hbm>> -> memref<1x40x768xf32, #tpu.memory_space<hbm>>
      %dma_wait3A_2360 = tpu.memref_squeeze %dma_wait3A_2359 : memref<1x40x768xf32, #tpu.memory_space<hbm>> -> memref<40x768xf32, #tpu.memory_space<hbm>>
      %dma_wait3A_2361 = arith.constant 0 : i32
      %dma_wait3A_2362 = tpu.memref_slice %arg3[%select_n3A_353, %mul3A_358, %dma_wait3A_2361] : memref<256x1000x768xf32, #tpu.memory_space<hbm>> -> memref<1x40x768xf32, #tpu.memory_space<hbm>>
      %dma_wait3A_2363 = tpu.memref_squeeze %dma_wait3A_2362 : memref<1x40x768xf32, #tpu.memory_space<hbm>> -> memref<40x768xf32, #tpu.memory_space<hbm>>
      %dma_wait3A_2364 = arith.constant 0 : i32
      %dma_wait3A_2365 = tpu.memref_slice %arg4[%mul3A_356, %dma_wait3A_2364] : memref<80x768xf32, #tpu.memory_space<vmem>> -> memref<40x768xf32, #tpu.memory_space<vmem>>
      tpu.wait_dma2 semaphore(%arg5 : memref<!tpu.dma_semaphore, #tpu.memory_space<semaphore_mem>>) src(%dma_wait3A_2365 : memref<40x768xf32, #tpu.memory_space<vmem>>) dst(%dma_wait3A_2363 : memref<40x768xf32, #tpu.memory_space<hbm>>)
      %dma_wait3A_2366 = arith.constant 0 : i32
      %dma_wait3A_2367 = tpu.memref_slice %arg4[%mul3A_413, %dma_wait3A_2366] : memref<80x768xf32, #tpu.memory_space<vmem>> -> memref<40x768xf32, #tpu.memory_space<vmem>>
      %dma_wait3A_2368 = arith.constant 0 : i32
      %dma_wait3A_2369 = tpu.memref_slice %arg3[%select_n3A_410, %mul3A_415, %dma_wait3A_2368] : memref<256x1000x768xf32, #tpu.memory_space<hbm>> -> memref<1x40x768xf32, #tpu.memory_space<hbm>>
      %dma_wait3A_2370 = tpu.memref_squeeze %dma_wait3A_2369 : memref<1x40x768xf32, #tpu.memory_space<hbm>> -> memref<40x768xf32, #tpu.memory_space<hbm>>
      %dma_wait3A_2371 = arith.constant 0 : i32
      %dma_wait3A_2372 = tpu.memref_slice %arg3[%select_n3A_410, %mul3A_415, %dma_wait3A_2371] : memref<256x1000x768xf32, #tpu.memory_space<hbm>> -> memref<1x40x768xf32, #tpu.memory_space<hbm>>
      %dma_wait3A_2373 = tpu.memref_squeeze %dma_wait3A_2372 : memref<1x40x768xf32, #tpu.memory_space<hbm>> -> memref<40x768xf32, #tpu.memory_space<hbm>>
      %dma_wait3A_2374 = arith.constant 0 : i32
      %dma_wait3A_2375 = tpu.memref_slice %arg4[%mul3A_413, %dma_wait3A_2374] : memref<80x768xf32, #tpu.memory_space<vmem>> -> memref<40x768xf32, #tpu.memory_space<vmem>>
      tpu.wait_dma2 semaphore(%arg5 : memref<!tpu.dma_semaphore, #tpu.memory_space<semaphore_mem>>) src(%dma_wait3A_2375 : memref<40x768xf32, #tpu.memory_space<vmem>>) dst(%dma_wait3A_2373 : memref<40x768xf32, #tpu.memory_space<hbm>>)
      %dma_wait3A_2376 = arith.constant 0 : i32
      %dma_wait3A_2377 = tpu.memref_slice %arg4[%mul3A_470, %dma_wait3A_2376] : memref<80x768xf32, #tpu.memory_space<vmem>> -> memref<40x768xf32, #tpu.memory_space<vmem>>
      %dma_wait3A_2378 = arith.constant 0 : i32
      %dma_wait3A_2379 = tpu.memref_slice %arg3[%select_n3A_467, %mul3A_472, %dma_wait3A_2378] : memref<256x1000x768xf32, #tpu.memory_space<hbm>> -> memref<1x40x768xf32, #tpu.memory_space<hbm>>
      %dma_wait3A_2380 = tpu.memref_squeeze %dma_wait3A_2379 : memref<1x40x768xf32, #tpu.memory_space<hbm>> -> memref<40x768xf32, #tpu.memory_space<hbm>>
      %dma_wait3A_2381 = arith.constant 0 : i32
      %dma_wait3A_2382 = tpu.memref_slice %arg3[%select_n3A_467, %mul3A_472, %dma_wait3A_2381] : memref<256x1000x768xf32, #tpu.memory_space<hbm>> -> memref<1x40x768xf32, #tpu.memory_space<hbm>>
      %dma_wait3A_2383 = tpu.memref_squeeze %dma_wait3A_2382 : memref<1x40x768xf32, #tpu.memory_space<hbm>> -> memref<40x768xf32, #tpu.memory_space<hbm>>
      %dma_wait3A_2384 = arith.constant 0 : i32
      %dma_wait3A_2385 = tpu.memref_slice %arg4[%mul3A_470, %dma_wait3A_2384] : memref<80x768xf32, #tpu.memory_space<vmem>> -> memref<40x768xf32, #tpu.memory_space<vmem>>
      tpu.wait_dma2 semaphore(%arg5 : memref<!tpu.dma_semaphore, #tpu.memory_space<semaphore_mem>>) src(%dma_wait3A_2385 : memref<40x768xf32, #tpu.memory_space<vmem>>) dst(%dma_wait3A_2383 : memref<40x768xf32, #tpu.memory_space<hbm>>)
      %dma_wait3A_2386 = arith.constant 0 : i32
      %dma_wait3A_2387 = tpu.memref_slice %arg4[%mul3A_527, %dma_wait3A_2386] : memref<80x768xf32, #tpu.memory_space<vmem>> -> memref<40x768xf32, #tpu.memory_space<vmem>>
      %dma_wait3A_2388 = arith.constant 0 : i32
      %dma_wait3A_2389 = tpu.memref_slice %arg3[%select_n3A_524, %mul3A_529, %dma_wait3A_2388] : memref<256x1000x768xf32, #tpu.memory_space<hbm>> -> memref<1x40x768xf32, #tpu.memory_space<hbm>>
      %dma_wait3A_2390 = tpu.memref_squeeze %dma_wait3A_2389 : memref<1x40x768xf32, #tpu.memory_space<hbm>> -> memref<40x768xf32, #tpu.memory_space<hbm>>
      %dma_wait3A_2391 = arith.constant 0 : i32
      %dma_wait3A_2392 = tpu.memref_slice %arg3[%select_n3A_524, %mul3A_529, %dma_wait3A_2391] : memref<256x1000x768xf32, #tpu.memory_space<hbm>> -> memref<1x40x768xf32, #tpu.memory_space<hbm>>
      %dma_wait3A_2393 = tpu.memref_squeeze %dma_wait3A_2392 : memref<1x40x768xf32, #tpu.memory_space<hbm>> -> memref<40x768xf32, #tpu.memory_space<hbm>>
      %dma_wait3A_2394 = arith.constant 0 : i32
      %dma_wait3A_2395 = tpu.memref_slice %arg4[%mul3A_527, %dma_wait3A_2394] : memref<80x768xf32, #tpu.memory_space<vmem>> -> memref<40x768xf32, #tpu.memory_space<vmem>>
      tpu.wait_dma2 semaphore(%arg5 : memref<!tpu.dma_semaphore, #tpu.memory_space<semaphore_mem>>) src(%dma_wait3A_2395 : memref<40x768xf32, #tpu.memory_space<vmem>>) dst(%dma_wait3A_2393 : memref<40x768xf32, #tpu.memory_space<hbm>>)
      %dma_wait3A_2396 = arith.constant 0 : i32
      %dma_wait3A_2397 = tpu.memref_slice %arg4[%mul3A_584, %dma_wait3A_2396] : memref<80x768xf32, #tpu.memory_space<vmem>> -> memref<40x768xf32, #tpu.memory_space<vmem>>
      %dma_wait3A_2398 = arith.constant 0 : i32
      %dma_wait3A_2399 = tpu.memref_slice %arg3[%select_n3A_581, %mul3A_586, %dma_wait3A_2398] : memref<256x1000x768xf32, #tpu.memory_space<hbm>> -> memref<1x40x768xf32, #tpu.memory_space<hbm>>
      %dma_wait3A_2400 = tpu.memref_squeeze %dma_wait3A_2399 : memref<1x40x768xf32, #tpu.memory_space<hbm>> -> memref<40x768xf32, #tpu.memory_space<hbm>>
      %dma_wait3A_2401 = arith.constant 0 : i32
      %dma_wait3A_2402 = tpu.memref_slice %arg3[%select_n3A_581, %mul3A_586, %dma_wait3A_2401] : memref<256x1000x768xf32, #tpu.memory_space<hbm>> -> memref<1x40x768xf32, #tpu.memory_space<hbm>>
      %dma_wait3A_2403 = tpu.memref_squeeze %dma_wait3A_2402 : memref<1x40x768xf32, #tpu.memory_space<hbm>> -> memref<40x768xf32, #tpu.memory_space<hbm>>
      %dma_wait3A_2404 = arith.constant 0 : i32
      %dma_wait3A_2405 = tpu.memref_slice %arg4[%mul3A_584, %dma_wait3A_2404] : memref<80x768xf32, #tpu.memory_space<vmem>> -> memref<40x768xf32, #tpu.memory_space<vmem>>
      tpu.wait_dma2 semaphore(%arg5 : memref<!tpu.dma_semaphore, #tpu.memory_space<semaphore_mem>>) src(%dma_wait3A_2405 : memref<40x768xf32, #tpu.memory_space<vmem>>) dst(%dma_wait3A_2403 : memref<40x768xf32, #tpu.memory_space<hbm>>)
      %dma_wait3A_2406 = arith.constant 0 : i32
      %dma_wait3A_2407 = tpu.memref_slice %arg4[%mul3A_641, %dma_wait3A_2406] : memref<80x768xf32, #tpu.memory_space<vmem>> -> memref<40x768xf32, #tpu.memory_space<vmem>>
      %dma_wait3A_2408 = arith.constant 0 : i32
      %dma_wait3A_2409 = tpu.memref_slice %arg3[%select_n3A_638, %mul3A_643, %dma_wait3A_2408] : memref<256x1000x768xf32, #tpu.memory_space<hbm>> -> memref<1x40x768xf32, #tpu.memory_space<hbm>>
      %dma_wait3A_2410 = tpu.memref_squeeze %dma_wait3A_2409 : memref<1x40x768xf32, #tpu.memory_space<hbm>> -> memref<40x768xf32, #tpu.memory_space<hbm>>
      %dma_wait3A_2411 = arith.constant 0 : i32
      %dma_wait3A_2412 = tpu.memref_slice %arg3[%select_n3A_638, %mul3A_643, %dma_wait3A_2411] : memref<256x1000x768xf32, #tpu.memory_space<hbm>> -> memref<1x40x768xf32, #tpu.memory_space<hbm>>
      %dma_wait3A_2413 = tpu.memref_squeeze %dma_wait3A_2412 : memref<1x40x768xf32, #tpu.memory_space<hbm>> -> memref<40x768xf32, #tpu.memory_space<hbm>>
      %dma_wait3A_2414 = arith.constant 0 : i32
      %dma_wait3A_2415 = tpu.memref_slice %arg4[%mul3A_641, %dma_wait3A_2414] : memref<80x768xf32, #tpu.memory_space<vmem>> -> memref<40x768xf32, #tpu.memory_space<vmem>>
      tpu.wait_dma2 semaphore(%arg5 : memref<!tpu.dma_semaphore, #tpu.memory_space<semaphore_mem>>) src(%dma_wait3A_2415 : memref<40x768xf32, #tpu.memory_space<vmem>>) dst(%dma_wait3A_2413 : memref<40x768xf32, #tpu.memory_space<hbm>>)
      %dma_wait3A_2416 = arith.constant 0 : i32
      %dma_wait3A_2417 = tpu.memref_slice %arg4[%mul3A_698, %dma_wait3A_2416] : memref<80x768xf32, #tpu.memory_space<vmem>> -> memref<40x768xf32, #tpu.memory_space<vmem>>
      %dma_wait3A_2418 = arith.constant 0 : i32
      %dma_wait3A_2419 = tpu.memref_slice %arg3[%select_n3A_695, %mul3A_700, %dma_wait3A_2418] : memref<256x1000x768xf32, #tpu.memory_space<hbm>> -> memref<1x40x768xf32, #tpu.memory_space<hbm>>
      %dma_wait3A_2420 = tpu.memref_squeeze %dma_wait3A_2419 : memref<1x40x768xf32, #tpu.memory_space<hbm>> -> memref<40x768xf32, #tpu.memory_space<hbm>>
      %dma_wait3A_2421 = arith.constant 0 : i32
      %dma_wait3A_2422 = tpu.memref_slice %arg3[%select_n3A_695, %mul3A_700, %dma_wait3A_2421] : memref<256x1000x768xf32, #tpu.memory_space<hbm>> -> memref<1x40x768xf32, #tpu.memory_space<hbm>>
      %dma_wait3A_2423 = tpu.memref_squeeze %dma_wait3A_2422 : memref<1x40x768xf32, #tpu.memory_space<hbm>> -> memref<40x768xf32, #tpu.memory_space<hbm>>
      %dma_wait3A_2424 = arith.constant 0 : i32
      %dma_wait3A_2425 = tpu.memref_slice %arg4[%mul3A_698, %dma_wait3A_2424] : memref<80x768xf32, #tpu.memory_space<vmem>> -> memref<40x768xf32, #tpu.memory_space<vmem>>
      tpu.wait_dma2 semaphore(%arg5 : memref<!tpu.dma_semaphore, #tpu.memory_space<semaphore_mem>>) src(%dma_wait3A_2425 : memref<40x768xf32, #tpu.memory_space<vmem>>) dst(%dma_wait3A_2423 : memref<40x768xf32, #tpu.memory_space<hbm>>)
      %dma_wait3A_2426 = arith.constant 0 : i32
      %dma_wait3A_2427 = tpu.memref_slice %arg4[%mul3A_755, %dma_wait3A_2426] : memref<80x768xf32, #tpu.memory_space<vmem>> -> memref<40x768xf32, #tpu.memory_space<vmem>>
      %dma_wait3A_2428 = arith.constant 0 : i32
      %dma_wait3A_2429 = tpu.memref_slice %arg3[%select_n3A_752, %mul3A_757, %dma_wait3A_2428] : memref<256x1000x768xf32, #tpu.memory_space<hbm>> -> memref<1x40x768xf32, #tpu.memory_space<hbm>>
      %dma_wait3A_2430 = tpu.memref_squeeze %dma_wait3A_2429 : memref<1x40x768xf32, #tpu.memory_space<hbm>> -> memref<40x768xf32, #tpu.memory_space<hbm>>
      %dma_wait3A_2431 = arith.constant 0 : i32
      %dma_wait3A_2432 = tpu.memref_slice %arg3[%select_n3A_752, %mul3A_757, %dma_wait3A_2431] : memref<256x1000x768xf32, #tpu.memory_space<hbm>> -> memref<1x40x768xf32, #tpu.memory_space<hbm>>
      %dma_wait3A_2433 = tpu.memref_squeeze %dma_wait3A_2432 : memref<1x40x768xf32, #tpu.memory_space<hbm>> -> memref<40x768xf32, #tpu.memory_space<hbm>>
      %dma_wait3A_2434 = arith.constant 0 : i32
      %dma_wait3A_2435 = tpu.memref_slice %arg4[%mul3A_755, %dma_wait3A_2434] : memref<80x768xf32, #tpu.memory_space<vmem>> -> memref<40x768xf32, #tpu.memory_space<vmem>>
      tpu.wait_dma2 semaphore(%arg5 : memref<!tpu.dma_semaphore, #tpu.memory_space<semaphore_mem>>) src(%dma_wait3A_2435 : memref<40x768xf32, #tpu.memory_space<vmem>>) dst(%dma_wait3A_2433 : memref<40x768xf32, #tpu.memory_space<hbm>>)
      %dma_wait3A_2436 = arith.constant 0 : i32
      %dma_wait3A_2437 = tpu.memref_slice %arg4[%mul3A_812, %dma_wait3A_2436] : memref<80x768xf32, #tpu.memory_space<vmem>> -> memref<40x768xf32, #tpu.memory_space<vmem>>
      %dma_wait3A_2438 = arith.constant 0 : i32
      %dma_wait3A_2439 = tpu.memref_slice %arg3[%select_n3A_809, %mul3A_814, %dma_wait3A_2438] : memref<256x1000x768xf32, #tpu.memory_space<hbm>> -> memref<1x40x768xf32, #tpu.memory_space<hbm>>
      %dma_wait3A_2440 = tpu.memref_squeeze %dma_wait3A_2439 : memref<1x40x768xf32, #tpu.memory_space<hbm>> -> memref<40x768xf32, #tpu.memory_space<hbm>>
      %dma_wait3A_2441 = arith.constant 0 : i32
      %dma_wait3A_2442 = tpu.memref_slice %arg3[%select_n3A_809, %mul3A_814, %dma_wait3A_2441] : memref<256x1000x768xf32, #tpu.memory_space<hbm>> -> memref<1x40x768xf32, #tpu.memory_space<hbm>>
      %dma_wait3A_2443 = tpu.memref_squeeze %dma_wait3A_2442 : memref<1x40x768xf32, #tpu.memory_space<hbm>> -> memref<40x768xf32, #tpu.memory_space<hbm>>
      %dma_wait3A_2444 = arith.constant 0 : i32
      %dma_wait3A_2445 = tpu.memref_slice %arg4[%mul3A_812, %dma_wait3A_2444] : memref<80x768xf32, #tpu.memory_space<vmem>> -> memref<40x768xf32, #tpu.memory_space<vmem>>
      tpu.wait_dma2 semaphore(%arg5 : memref<!tpu.dma_semaphore, #tpu.memory_space<semaphore_mem>>) src(%dma_wait3A_2445 : memref<40x768xf32, #tpu.memory_space<vmem>>) dst(%dma_wait3A_2443 : memref<40x768xf32, #tpu.memory_space<hbm>>)
      %dma_wait3A_2446 = arith.constant 0 : i32
      %dma_wait3A_2447 = tpu.memref_slice %arg4[%mul3A_869, %dma_wait3A_2446] : memref<80x768xf32, #tpu.memory_space<vmem>> -> memref<40x768xf32, #tpu.memory_space<vmem>>
      %dma_wait3A_2448 = arith.constant 0 : i32
      %dma_wait3A_2449 = tpu.memref_slice %arg3[%select_n3A_866, %mul3A_871, %dma_wait3A_2448] : memref<256x1000x768xf32, #tpu.memory_space<hbm>> -> memref<1x40x768xf32, #tpu.memory_space<hbm>>
      %dma_wait3A_2450 = tpu.memref_squeeze %dma_wait3A_2449 : memref<1x40x768xf32, #tpu.memory_space<hbm>> -> memref<40x768xf32, #tpu.memory_space<hbm>>
      %dma_wait3A_2451 = arith.constant 0 : i32
      %dma_wait3A_2452 = tpu.memref_slice %arg3[%select_n3A_866, %mul3A_871, %dma_wait3A_2451] : memref<256x1000x768xf32, #tpu.memory_space<hbm>> -> memref<1x40x768xf32, #tpu.memory_space<hbm>>
      %dma_wait3A_2453 = tpu.memref_squeeze %dma_wait3A_2452 : memref<1x40x768xf32, #tpu.memory_space<hbm>> -> memref<40x768xf32, #tpu.memory_space<hbm>>
      %dma_wait3A_2454 = arith.constant 0 : i32
      %dma_wait3A_2455 = tpu.memref_slice %arg4[%mul3A_869, %dma_wait3A_2454] : memref<80x768xf32, #tpu.memory_space<vmem>> -> memref<40x768xf32, #tpu.memory_space<vmem>>
      tpu.wait_dma2 semaphore(%arg5 : memref<!tpu.dma_semaphore, #tpu.memory_space<semaphore_mem>>) src(%dma_wait3A_2455 : memref<40x768xf32, #tpu.memory_space<vmem>>) dst(%dma_wait3A_2453 : memref<40x768xf32, #tpu.memory_space<hbm>>)
      %dma_wait3A_2456 = arith.constant 0 : i32
      %dma_wait3A_2457 = tpu.memref_slice %arg4[%mul3A_926, %dma_wait3A_2456] : memref<80x768xf32, #tpu.memory_space<vmem>> -> memref<40x768xf32, #tpu.memory_space<vmem>>
      %dma_wait3A_2458 = arith.constant 0 : i32
      %dma_wait3A_2459 = tpu.memref_slice %arg3[%select_n3A_923, %mul3A_928, %dma_wait3A_2458] : memref<256x1000x768xf32, #tpu.memory_space<hbm>> -> memref<1x40x768xf32, #tpu.memory_space<hbm>>
      %dma_wait3A_2460 = tpu.memref_squeeze %dma_wait3A_2459 : memref<1x40x768xf32, #tpu.memory_space<hbm>> -> memref<40x768xf32, #tpu.memory_space<hbm>>
      %dma_wait3A_2461 = arith.constant 0 : i32
      %dma_wait3A_2462 = tpu.memref_slice %arg3[%select_n3A_923, %mul3A_928, %dma_wait3A_2461] : memref<256x1000x768xf32, #tpu.memory_space<hbm>> -> memref<1x40x768xf32, #tpu.memory_space<hbm>>
      %dma_wait3A_2463 = tpu.memref_squeeze %dma_wait3A_2462 : memref<1x40x768xf32, #tpu.memory_space<hbm>> -> memref<40x768xf32, #tpu.memory_space<hbm>>
      %dma_wait3A_2464 = arith.constant 0 : i32
      %dma_wait3A_2465 = tpu.memref_slice %arg4[%mul3A_926, %dma_wait3A_2464] : memref<80x768xf32, #tpu.memory_space<vmem>> -> memref<40x768xf32, #tpu.memory_space<vmem>>
      tpu.wait_dma2 semaphore(%arg5 : memref<!tpu.dma_semaphore, #tpu.memory_space<semaphore_mem>>) src(%dma_wait3A_2465 : memref<40x768xf32, #tpu.memory_space<vmem>>) dst(%dma_wait3A_2463 : memref<40x768xf32, #tpu.memory_space<hbm>>)
      %dma_wait3A_2466 = arith.constant 0 : i32
      %dma_wait3A_2467 = tpu.memref_slice %arg4[%mul3A_983, %dma_wait3A_2466] : memref<80x768xf32, #tpu.memory_space<vmem>> -> memref<40x768xf32, #tpu.memory_space<vmem>>
      %dma_wait3A_2468 = arith.constant 0 : i32
      %dma_wait3A_2469 = tpu.memref_slice %arg3[%select_n3A_980, %mul3A_985, %dma_wait3A_2468] : memref<256x1000x768xf32, #tpu.memory_space<hbm>> -> memref<1x40x768xf32, #tpu.memory_space<hbm>>
      %dma_wait3A_2470 = tpu.memref_squeeze %dma_wait3A_2469 : memref<1x40x768xf32, #tpu.memory_space<hbm>> -> memref<40x768xf32, #tpu.memory_space<hbm>>
      %dma_wait3A_2471 = arith.constant 0 : i32
      %dma_wait3A_2472 = tpu.memref_slice %arg3[%select_n3A_980, %mul3A_985, %dma_wait3A_2471] : memref<256x1000x768xf32, #tpu.memory_space<hbm>> -> memref<1x40x768xf32, #tpu.memory_space<hbm>>
      %dma_wait3A_2473 = tpu.memref_squeeze %dma_wait3A_2472 : memref<1x40x768xf32, #tpu.memory_space<hbm>> -> memref<40x768xf32, #tpu.memory_space<hbm>>
      %dma_wait3A_2474 = arith.constant 0 : i32
      %dma_wait3A_2475 = tpu.memref_slice %arg4[%mul3A_983, %dma_wait3A_2474] : memref<80x768xf32, #tpu.memory_space<vmem>> -> memref<40x768xf32, #tpu.memory_space<vmem>>
      tpu.wait_dma2 semaphore(%arg5 : memref<!tpu.dma_semaphore, #tpu.memory_space<semaphore_mem>>) src(%dma_wait3A_2475 : memref<40x768xf32, #tpu.memory_space<vmem>>) dst(%dma_wait3A_2473 : memref<40x768xf32, #tpu.memory_space<hbm>>)
      %dma_wait3A_2476 = arith.constant 0 : i32
      %dma_wait3A_2477 = tpu.memref_slice %arg4[%mul3A_1040, %dma_wait3A_2476] : memref<80x768xf32, #tpu.memory_space<vmem>> -> memref<40x768xf32, #tpu.memory_space<vmem>>
      %dma_wait3A_2478 = arith.constant 0 : i32
      %dma_wait3A_2479 = tpu.memref_slice %arg3[%select_n3A_1037, %mul3A_1042, %dma_wait3A_2478] : memref<256x1000x768xf32, #tpu.memory_space<hbm>> -> memref<1x40x768xf32, #tpu.memory_space<hbm>>
      %dma_wait3A_2480 = tpu.memref_squeeze %dma_wait3A_2479 : memref<1x40x768xf32, #tpu.memory_space<hbm>> -> memref<40x768xf32, #tpu.memory_space<hbm>>
      %dma_wait3A_2481 = arith.constant 0 : i32
      %dma_wait3A_2482 = tpu.memref_slice %arg3[%select_n3A_1037, %mul3A_1042, %dma_wait3A_2481] : memref<256x1000x768xf32, #tpu.memory_space<hbm>> -> memref<1x40x768xf32, #tpu.memory_space<hbm>>
      %dma_wait3A_2483 = tpu.memref_squeeze %dma_wait3A_2482 : memref<1x40x768xf32, #tpu.memory_space<hbm>> -> memref<40x768xf32, #tpu.memory_space<hbm>>
      %dma_wait3A_2484 = arith.constant 0 : i32
      %dma_wait3A_2485 = tpu.memref_slice %arg4[%mul3A_1040, %dma_wait3A_2484] : memref<80x768xf32, #tpu.memory_space<vmem>> -> memref<40x768xf32, #tpu.memory_space<vmem>>
      tpu.wait_dma2 semaphore(%arg5 : memref<!tpu.dma_semaphore, #tpu.memory_space<semaphore_mem>>) src(%dma_wait3A_2485 : memref<40x768xf32, #tpu.memory_space<vmem>>) dst(%dma_wait3A_2483 : memref<40x768xf32, #tpu.memory_space<hbm>>)
      %dma_wait3A_2486 = arith.constant 0 : i32
      %dma_wait3A_2487 = tpu.memref_slice %arg4[%mul3A_1097, %dma_wait3A_2486] : memref<80x768xf32, #tpu.memory_space<vmem>> -> memref<40x768xf32, #tpu.memory_space<vmem>>
      %dma_wait3A_2488 = arith.constant 0 : i32
      %dma_wait3A_2489 = tpu.memref_slice %arg3[%select_n3A_1094, %mul3A_1099, %dma_wait3A_2488] : memref<256x1000x768xf32, #tpu.memory_space<hbm>> -> memref<1x40x768xf32, #tpu.memory_space<hbm>>
      %dma_wait3A_2490 = tpu.memref_squeeze %dma_wait3A_2489 : memref<1x40x768xf32, #tpu.memory_space<hbm>> -> memref<40x768xf32, #tpu.memory_space<hbm>>
      %dma_wait3A_2491 = arith.constant 0 : i32
      %dma_wait3A_2492 = tpu.memref_slice %arg3[%select_n3A_1094, %mul3A_1099, %dma_wait3A_2491] : memref<256x1000x768xf32, #tpu.memory_space<hbm>> -> memref<1x40x768xf32, #tpu.memory_space<hbm>>
      %dma_wait3A_2493 = tpu.memref_squeeze %dma_wait3A_2492 : memref<1x40x768xf32, #tpu.memory_space<hbm>> -> memref<40x768xf32, #tpu.memory_space<hbm>>
      %dma_wait3A_2494 = arith.constant 0 : i32
      %dma_wait3A_2495 = tpu.memref_slice %arg4[%mul3A_1097, %dma_wait3A_2494] : memref<80x768xf32, #tpu.memory_space<vmem>> -> memref<40x768xf32, #tpu.memory_space<vmem>>
      tpu.wait_dma2 semaphore(%arg5 : memref<!tpu.dma_semaphore, #tpu.memory_space<semaphore_mem>>) src(%dma_wait3A_2495 : memref<40x768xf32, #tpu.memory_space<vmem>>) dst(%dma_wait3A_2493 : memref<40x768xf32, #tpu.memory_space<hbm>>)
      %dma_wait3A_2496 = arith.constant 0 : i32
      %dma_wait3A_2497 = tpu.memref_slice %arg4[%mul3A_1154, %dma_wait3A_2496] : memref<80x768xf32, #tpu.memory_space<vmem>> -> memref<40x768xf32, #tpu.memory_space<vmem>>
      %dma_wait3A_2498 = arith.constant 0 : i32
      %dma_wait3A_2499 = tpu.memref_slice %arg3[%select_n3A_1151, %mul3A_1156, %dma_wait3A_2498] : memref<256x1000x768xf32, #tpu.memory_space<hbm>> -> memref<1x40x768xf32, #tpu.memory_space<hbm>>
      %dma_wait3A_2500 = tpu.memref_squeeze %dma_wait3A_2499 : memref<1x40x768xf32, #tpu.memory_space<hbm>> -> memref<40x768xf32, #tpu.memory_space<hbm>>
      %dma_wait3A_2501 = arith.constant 0 : i32
      %dma_wait3A_2502 = tpu.memref_slice %arg3[%select_n3A_1151, %mul3A_1156, %dma_wait3A_2501] : memref<256x1000x768xf32, #tpu.memory_space<hbm>> -> memref<1x40x768xf32, #tpu.memory_space<hbm>>
      %dma_wait3A_2503 = tpu.memref_squeeze %dma_wait3A_2502 : memref<1x40x768xf32, #tpu.memory_space<hbm>> -> memref<40x768xf32, #tpu.memory_space<hbm>>
      %dma_wait3A_2504 = arith.constant 0 : i32
      %dma_wait3A_2505 = tpu.memref_slice %arg4[%mul3A_1154, %dma_wait3A_2504] : memref<80x768xf32, #tpu.memory_space<vmem>> -> memref<40x768xf32, #tpu.memory_space<vmem>>
      tpu.wait_dma2 semaphore(%arg5 : memref<!tpu.dma_semaphore, #tpu.memory_space<semaphore_mem>>) src(%dma_wait3A_2505 : memref<40x768xf32, #tpu.memory_space<vmem>>) dst(%dma_wait3A_2503 : memref<40x768xf32, #tpu.memory_space<hbm>>)
      %dma_wait3A_2506 = arith.constant 0 : i32
      %dma_wait3A_2507 = tpu.memref_slice %arg4[%mul3A_1211, %dma_wait3A_2506] : memref<80x768xf32, #tpu.memory_space<vmem>> -> memref<40x768xf32, #tpu.memory_space<vmem>>
      %dma_wait3A_2508 = arith.constant 0 : i32
      %dma_wait3A_2509 = tpu.memref_slice %arg3[%select_n3A_1208, %mul3A_1213, %dma_wait3A_2508] : memref<256x1000x768xf32, #tpu.memory_space<hbm>> -> memref<1x40x768xf32, #tpu.memory_space<hbm>>
      %dma_wait3A_2510 = tpu.memref_squeeze %dma_wait3A_2509 : memref<1x40x768xf32, #tpu.memory_space<hbm>> -> memref<40x768xf32, #tpu.memory_space<hbm>>
      %dma_wait3A_2511 = arith.constant 0 : i32
      %dma_wait3A_2512 = tpu.memref_slice %arg3[%select_n3A_1208, %mul3A_1213, %dma_wait3A_2511] : memref<256x1000x768xf32, #tpu.memory_space<hbm>> -> memref<1x40x768xf32, #tpu.memory_space<hbm>>
      %dma_wait3A_2513 = tpu.memref_squeeze %dma_wait3A_2512 : memref<1x40x768xf32, #tpu.memory_space<hbm>> -> memref<40x768xf32, #tpu.memory_space<hbm>>
      %dma_wait3A_2514 = arith.constant 0 : i32
      %dma_wait3A_2515 = tpu.memref_slice %arg4[%mul3A_1211, %dma_wait3A_2514] : memref<80x768xf32, #tpu.memory_space<vmem>> -> memref<40x768xf32, #tpu.memory_space<vmem>>
      tpu.wait_dma2 semaphore(%arg5 : memref<!tpu.dma_semaphore, #tpu.memory_space<semaphore_mem>>) src(%dma_wait3A_2515 : memref<40x768xf32, #tpu.memory_space<vmem>>) dst(%dma_wait3A_2513 : memref<40x768xf32, #tpu.memory_space<hbm>>)
      %dma_wait3A_2516 = arith.constant 0 : i32
      %dma_wait3A_2517 = tpu.memref_slice %arg4[%mul3A_1268, %dma_wait3A_2516] : memref<80x768xf32, #tpu.memory_space<vmem>> -> memref<40x768xf32, #tpu.memory_space<vmem>>
      %dma_wait3A_2518 = arith.constant 0 : i32
      %dma_wait3A_2519 = tpu.memref_slice %arg3[%select_n3A_1265, %mul3A_1270, %dma_wait3A_2518] : memref<256x1000x768xf32, #tpu.memory_space<hbm>> -> memref<1x40x768xf32, #tpu.memory_space<hbm>>
      %dma_wait3A_2520 = tpu.memref_squeeze %dma_wait3A_2519 : memref<1x40x768xf32, #tpu.memory_space<hbm>> -> memref<40x768xf32, #tpu.memory_space<hbm>>
      %dma_wait3A_2521 = arith.constant 0 : i32
      %dma_wait3A_2522 = tpu.memref_slice %arg3[%select_n3A_1265, %mul3A_1270, %dma_wait3A_2521] : memref<256x1000x768xf32, #tpu.memory_space<hbm>> -> memref<1x40x768xf32, #tpu.memory_space<hbm>>
      %dma_wait3A_2523 = tpu.memref_squeeze %dma_wait3A_2522 : memref<1x40x768xf32, #tpu.memory_space<hbm>> -> memref<40x768xf32, #tpu.memory_space<hbm>>
      %dma_wait3A_2524 = arith.constant 0 : i32
      %dma_wait3A_2525 = tpu.memref_slice %arg4[%mul3A_1268, %dma_wait3A_2524] : memref<80x768xf32, #tpu.memory_space<vmem>> -> memref<40x768xf32, #tpu.memory_space<vmem>>
      tpu.wait_dma2 semaphore(%arg5 : memref<!tpu.dma_semaphore, #tpu.memory_space<semaphore_mem>>) src(%dma_wait3A_2525 : memref<40x768xf32, #tpu.memory_space<vmem>>) dst(%dma_wait3A_2523 : memref<40x768xf32, #tpu.memory_space<hbm>>)
      %dma_wait3A_2526 = arith.constant 0 : i32
      %dma_wait3A_2527 = tpu.memref_slice %arg4[%mul3A_1325, %dma_wait3A_2526] : memref<80x768xf32, #tpu.memory_space<vmem>> -> memref<40x768xf32, #tpu.memory_space<vmem>>
      %dma_wait3A_2528 = arith.constant 0 : i32
      %dma_wait3A_2529 = tpu.memref_slice %arg3[%select_n3A_1322, %mul3A_1327, %dma_wait3A_2528] : memref<256x1000x768xf32, #tpu.memory_space<hbm>> -> memref<1x40x768xf32, #tpu.memory_space<hbm>>
      %dma_wait3A_2530 = tpu.memref_squeeze %dma_wait3A_2529 : memref<1x40x768xf32, #tpu.memory_space<hbm>> -> memref<40x768xf32, #tpu.memory_space<hbm>>
      %dma_wait3A_2531 = arith.constant 0 : i32
      %dma_wait3A_2532 = tpu.memref_slice %arg3[%select_n3A_1322, %mul3A_1327, %dma_wait3A_2531] : memref<256x1000x768xf32, #tpu.memory_space<hbm>> -> memref<1x40x768xf32, #tpu.memory_space<hbm>>
      %dma_wait3A_2533 = tpu.memref_squeeze %dma_wait3A_2532 : memref<1x40x768xf32, #tpu.memory_space<hbm>> -> memref<40x768xf32, #tpu.memory_space<hbm>>
      %dma_wait3A_2534 = arith.constant 0 : i32
      %dma_wait3A_2535 = tpu.memref_slice %arg4[%mul3A_1325, %dma_wait3A_2534] : memref<80x768xf32, #tpu.memory_space<vmem>> -> memref<40x768xf32, #tpu.memory_space<vmem>>
      tpu.wait_dma2 semaphore(%arg5 : memref<!tpu.dma_semaphore, #tpu.memory_space<semaphore_mem>>) src(%dma_wait3A_2535 : memref<40x768xf32, #tpu.memory_space<vmem>>) dst(%dma_wait3A_2533 : memref<40x768xf32, #tpu.memory_space<hbm>>)
      %dma_wait3A_2536 = arith.constant 0 : i32
      %dma_wait3A_2537 = tpu.memref_slice %arg4[%mul3A_1382, %dma_wait3A_2536] : memref<80x768xf32, #tpu.memory_space<vmem>> -> memref<40x768xf32, #tpu.memory_space<vmem>>
      %dma_wait3A_2538 = arith.constant 0 : i32
      %dma_wait3A_2539 = tpu.memref_slice %arg3[%select_n3A_1379, %mul3A_1384, %dma_wait3A_2538] : memref<256x1000x768xf32, #tpu.memory_space<hbm>> -> memref<1x40x768xf32, #tpu.memory_space<hbm>>
      %dma_wait3A_2540 = tpu.memref_squeeze %dma_wait3A_2539 : memref<1x40x768xf32, #tpu.memory_space<hbm>> -> memref<40x768xf32, #tpu.memory_space<hbm>>
      %dma_wait3A_2541 = arith.constant 0 : i32
      %dma_wait3A_2542 = tpu.memref_slice %arg3[%select_n3A_1379, %mul3A_1384, %dma_wait3A_2541] : memref<256x1000x768xf32, #tpu.memory_space<hbm>> -> memref<1x40x768xf32, #tpu.memory_space<hbm>>
      %dma_wait3A_2543 = tpu.memref_squeeze %dma_wait3A_2542 : memref<1x40x768xf32, #tpu.memory_space<hbm>> -> memref<40x768xf32, #tpu.memory_space<hbm>>
      %dma_wait3A_2544 = arith.constant 0 : i32
      %dma_wait3A_2545 = tpu.memref_slice %arg4[%mul3A_1382, %dma_wait3A_2544] : memref<80x768xf32, #tpu.memory_space<vmem>> -> memref<40x768xf32, #tpu.memory_space<vmem>>
      tpu.wait_dma2 semaphore(%arg5 : memref<!tpu.dma_semaphore, #tpu.memory_space<semaphore_mem>>) src(%dma_wait3A_2545 : memref<40x768xf32, #tpu.memory_space<vmem>>) dst(%dma_wait3A_2543 : memref<40x768xf32, #tpu.memory_space<hbm>>)
      %dma_wait3A_2546 = arith.constant 0 : i32
      %dma_wait3A_2547 = tpu.memref_slice %arg4[%mul3A_1439, %dma_wait3A_2546] : memref<80x768xf32, #tpu.memory_space<vmem>> -> memref<40x768xf32, #tpu.memory_space<vmem>>
      %dma_wait3A_2548 = arith.constant 0 : i32
      %dma_wait3A_2549 = tpu.memref_slice %arg3[%select_n3A_1436, %mul3A_1441, %dma_wait3A_2548] : memref<256x1000x768xf32, #tpu.memory_space<hbm>> -> memref<1x40x768xf32, #tpu.memory_space<hbm>>
      %dma_wait3A_2550 = tpu.memref_squeeze %dma_wait3A_2549 : memref<1x40x768xf32, #tpu.memory_space<hbm>> -> memref<40x768xf32, #tpu.memory_space<hbm>>
      %dma_wait3A_2551 = arith.constant 0 : i32
      %dma_wait3A_2552 = tpu.memref_slice %arg3[%select_n3A_1436, %mul3A_1441, %dma_wait3A_2551] : memref<256x1000x768xf32, #tpu.memory_space<hbm>> -> memref<1x40x768xf32, #tpu.memory_space<hbm>>
      %dma_wait3A_2553 = tpu.memref_squeeze %dma_wait3A_2552 : memref<1x40x768xf32, #tpu.memory_space<hbm>> -> memref<40x768xf32, #tpu.memory_space<hbm>>
      %dma_wait3A_2554 = arith.constant 0 : i32
      %dma_wait3A_2555 = tpu.memref_slice %arg4[%mul3A_1439, %dma_wait3A_2554] : memref<80x768xf32, #tpu.memory_space<vmem>> -> memref<40x768xf32, #tpu.memory_space<vmem>>
      tpu.wait_dma2 semaphore(%arg5 : memref<!tpu.dma_semaphore, #tpu.memory_space<semaphore_mem>>) src(%dma_wait3A_2555 : memref<40x768xf32, #tpu.memory_space<vmem>>) dst(%dma_wait3A_2553 : memref<40x768xf32, #tpu.memory_space<hbm>>)
      %dma_wait3A_2556 = arith.constant 0 : i32
      %dma_wait3A_2557 = tpu.memref_slice %arg4[%mul3A_1496, %dma_wait3A_2556] : memref<80x768xf32, #tpu.memory_space<vmem>> -> memref<40x768xf32, #tpu.memory_space<vmem>>
      %dma_wait3A_2558 = arith.constant 0 : i32
      %dma_wait3A_2559 = tpu.memref_slice %arg3[%select_n3A_1493, %mul3A_1498, %dma_wait3A_2558] : memref<256x1000x768xf32, #tpu.memory_space<hbm>> -> memref<1x40x768xf32, #tpu.memory_space<hbm>>
      %dma_wait3A_2560 = tpu.memref_squeeze %dma_wait3A_2559 : memref<1x40x768xf32, #tpu.memory_space<hbm>> -> memref<40x768xf32, #tpu.memory_space<hbm>>
      %dma_wait3A_2561 = arith.constant 0 : i32
      %dma_wait3A_2562 = tpu.memref_slice %arg3[%select_n3A_1493, %mul3A_1498, %dma_wait3A_2561] : memref<256x1000x768xf32, #tpu.memory_space<hbm>> -> memref<1x40x768xf32, #tpu.memory_space<hbm>>
      %dma_wait3A_2563 = tpu.memref_squeeze %dma_wait3A_2562 : memref<1x40x768xf32, #tpu.memory_space<hbm>> -> memref<40x768xf32, #tpu.memory_space<hbm>>
      %dma_wait3A_2564 = arith.constant 0 : i32
      %dma_wait3A_2565 = tpu.memref_slice %arg4[%mul3A_1496, %dma_wait3A_2564] : memref<80x768xf32, #tpu.memory_space<vmem>> -> memref<40x768xf32, #tpu.memory_space<vmem>>
      tpu.wait_dma2 semaphore(%arg5 : memref<!tpu.dma_semaphore, #tpu.memory_space<semaphore_mem>>) src(%dma_wait3A_2565 : memref<40x768xf32, #tpu.memory_space<vmem>>) dst(%dma_wait3A_2563 : memref<40x768xf32, #tpu.memory_space<hbm>>)
      %dma_wait3A_2566 = arith.constant 0 : i32
      %dma_wait3A_2567 = tpu.memref_slice %arg4[%mul3A_1553, %dma_wait3A_2566] : memref<80x768xf32, #tpu.memory_space<vmem>> -> memref<40x768xf32, #tpu.memory_space<vmem>>
      %dma_wait3A_2568 = arith.constant 0 : i32
      %dma_wait3A_2569 = tpu.memref_slice %arg3[%select_n3A_1550, %mul3A_1555, %dma_wait3A_2568] : memref<256x1000x768xf32, #tpu.memory_space<hbm>> -> memref<1x40x768xf32, #tpu.memory_space<hbm>>
      %dma_wait3A_2570 = tpu.memref_squeeze %dma_wait3A_2569 : memref<1x40x768xf32, #tpu.memory_space<hbm>> -> memref<40x768xf32, #tpu.memory_space<hbm>>
      %dma_wait3A_2571 = arith.constant 0 : i32
      %dma_wait3A_2572 = tpu.memref_slice %arg3[%select_n3A_1550, %mul3A_1555, %dma_wait3A_2571] : memref<256x1000x768xf32, #tpu.memory_space<hbm>> -> memref<1x40x768xf32, #tpu.memory_space<hbm>>
      %dma_wait3A_2573 = tpu.memref_squeeze %dma_wait3A_2572 : memref<1x40x768xf32, #tpu.memory_space<hbm>> -> memref<40x768xf32, #tpu.memory_space<hbm>>
      %dma_wait3A_2574 = arith.constant 0 : i32
      %dma_wait3A_2575 = tpu.memref_slice %arg4[%mul3A_1553, %dma_wait3A_2574] : memref<80x768xf32, #tpu.memory_space<vmem>> -> memref<40x768xf32, #tpu.memory_space<vmem>>
      tpu.wait_dma2 semaphore(%arg5 : memref<!tpu.dma_semaphore, #tpu.memory_space<semaphore_mem>>) src(%dma_wait3A_2575 : memref<40x768xf32, #tpu.memory_space<vmem>>) dst(%dma_wait3A_2573 : memref<40x768xf32, #tpu.memory_space<hbm>>)
      %dma_wait3A_2576 = arith.constant 0 : i32
      %dma_wait3A_2577 = tpu.memref_slice %arg4[%mul3A_1610, %dma_wait3A_2576] : memref<80x768xf32, #tpu.memory_space<vmem>> -> memref<40x768xf32, #tpu.memory_space<vmem>>
      %dma_wait3A_2578 = arith.constant 0 : i32
      %dma_wait3A_2579 = tpu.memref_slice %arg3[%select_n3A_1607, %mul3A_1612, %dma_wait3A_2578] : memref<256x1000x768xf32, #tpu.memory_space<hbm>> -> memref<1x40x768xf32, #tpu.memory_space<hbm>>
      %dma_wait3A_2580 = tpu.memref_squeeze %dma_wait3A_2579 : memref<1x40x768xf32, #tpu.memory_space<hbm>> -> memref<40x768xf32, #tpu.memory_space<hbm>>
      %dma_wait3A_2581 = arith.constant 0 : i32
      %dma_wait3A_2582 = tpu.memref_slice %arg3[%select_n3A_1607, %mul3A_1612, %dma_wait3A_2581] : memref<256x1000x768xf32, #tpu.memory_space<hbm>> -> memref<1x40x768xf32, #tpu.memory_space<hbm>>
      %dma_wait3A_2583 = tpu.memref_squeeze %dma_wait3A_2582 : memref<1x40x768xf32, #tpu.memory_space<hbm>> -> memref<40x768xf32, #tpu.memory_space<hbm>>
      %dma_wait3A_2584 = arith.constant 0 : i32
      %dma_wait3A_2585 = tpu.memref_slice %arg4[%mul3A_1610, %dma_wait3A_2584] : memref<80x768xf32, #tpu.memory_space<vmem>> -> memref<40x768xf32, #tpu.memory_space<vmem>>
      tpu.wait_dma2 semaphore(%arg5 : memref<!tpu.dma_semaphore, #tpu.memory_space<semaphore_mem>>) src(%dma_wait3A_2585 : memref<40x768xf32, #tpu.memory_space<vmem>>) dst(%dma_wait3A_2583 : memref<40x768xf32, #tpu.memory_space<hbm>>)
      %dma_wait3A_2586 = arith.constant 0 : i32
      %dma_wait3A_2587 = tpu.memref_slice %arg4[%mul3A_1667, %dma_wait3A_2586] : memref<80x768xf32, #tpu.memory_space<vmem>> -> memref<40x768xf32, #tpu.memory_space<vmem>>
      %dma_wait3A_2588 = arith.constant 0 : i32
      %dma_wait3A_2589 = tpu.memref_slice %arg3[%select_n3A_1664, %mul3A_1669, %dma_wait3A_2588] : memref<256x1000x768xf32, #tpu.memory_space<hbm>> -> memref<1x40x768xf32, #tpu.memory_space<hbm>>
      %dma_wait3A_2590 = tpu.memref_squeeze %dma_wait3A_2589 : memref<1x40x768xf32, #tpu.memory_space<hbm>> -> memref<40x768xf32, #tpu.memory_space<hbm>>
      %dma_wait3A_2591 = arith.constant 0 : i32
      %dma_wait3A_2592 = tpu.memref_slice %arg3[%select_n3A_1664, %mul3A_1669, %dma_wait3A_2591] : memref<256x1000x768xf32, #tpu.memory_space<hbm>> -> memref<1x40x768xf32, #tpu.memory_space<hbm>>
      %dma_wait3A_2593 = tpu.memref_squeeze %dma_wait3A_2592 : memref<1x40x768xf32, #tpu.memory_space<hbm>> -> memref<40x768xf32, #tpu.memory_space<hbm>>
      %dma_wait3A_2594 = arith.constant 0 : i32
      %dma_wait3A_2595 = tpu.memref_slice %arg4[%mul3A_1667, %dma_wait3A_2594] : memref<80x768xf32, #tpu.memory_space<vmem>> -> memref<40x768xf32, #tpu.memory_space<vmem>>
      tpu.wait_dma2 semaphore(%arg5 : memref<!tpu.dma_semaphore, #tpu.memory_space<semaphore_mem>>) src(%dma_wait3A_2595 : memref<40x768xf32, #tpu.memory_space<vmem>>) dst(%dma_wait3A_2593 : memref<40x768xf32, #tpu.memory_space<hbm>>)
      %dma_wait3A_2596 = arith.constant 0 : i32
      %dma_wait3A_2597 = tpu.memref_slice %arg4[%mul3A_1724, %dma_wait3A_2596] : memref<80x768xf32, #tpu.memory_space<vmem>> -> memref<40x768xf32, #tpu.memory_space<vmem>>
      %dma_wait3A_2598 = arith.constant 0 : i32
      %dma_wait3A_2599 = tpu.memref_slice %arg3[%select_n3A_1721, %mul3A_1726, %dma_wait3A_2598] : memref<256x1000x768xf32, #tpu.memory_space<hbm>> -> memref<1x40x768xf32, #tpu.memory_space<hbm>>
      %dma_wait3A_2600 = tpu.memref_squeeze %dma_wait3A_2599 : memref<1x40x768xf32, #tpu.memory_space<hbm>> -> memref<40x768xf32, #tpu.memory_space<hbm>>
      %dma_wait3A_2601 = arith.constant 0 : i32
      %dma_wait3A_2602 = tpu.memref_slice %arg3[%select_n3A_1721, %mul3A_1726, %dma_wait3A_2601] : memref<256x1000x768xf32, #tpu.memory_space<hbm>> -> memref<1x40x768xf32, #tpu.memory_space<hbm>>
      %dma_wait3A_2603 = tpu.memref_squeeze %dma_wait3A_2602 : memref<1x40x768xf32, #tpu.memory_space<hbm>> -> memref<40x768xf32, #tpu.memory_space<hbm>>
      %dma_wait3A_2604 = arith.constant 0 : i32
      %dma_wait3A_2605 = tpu.memref_slice %arg4[%mul3A_1724, %dma_wait3A_2604] : memref<80x768xf32, #tpu.memory_space<vmem>> -> memref<40x768xf32, #tpu.memory_space<vmem>>
      tpu.wait_dma2 semaphore(%arg5 : memref<!tpu.dma_semaphore, #tpu.memory_space<semaphore_mem>>) src(%dma_wait3A_2605 : memref<40x768xf32, #tpu.memory_space<vmem>>) dst(%dma_wait3A_2603 : memref<40x768xf32, #tpu.memory_space<hbm>>)
      %dma_wait3A_2606 = arith.constant 0 : i32
      %dma_wait3A_2607 = tpu.memref_slice %arg4[%mul3A_1781, %dma_wait3A_2606] : memref<80x768xf32, #tpu.memory_space<vmem>> -> memref<40x768xf32, #tpu.memory_space<vmem>>
      %dma_wait3A_2608 = arith.constant 0 : i32
      %dma_wait3A_2609 = tpu.memref_slice %arg3[%select_n3A_1778, %mul3A_1783, %dma_wait3A_2608] : memref<256x1000x768xf32, #tpu.memory_space<hbm>> -> memref<1x40x768xf32, #tpu.memory_space<hbm>>
      %dma_wait3A_2610 = tpu.memref_squeeze %dma_wait3A_2609 : memref<1x40x768xf32, #tpu.memory_space<hbm>> -> memref<40x768xf32, #tpu.memory_space<hbm>>
      %dma_wait3A_2611 = arith.constant 0 : i32
      %dma_wait3A_2612 = tpu.memref_slice %arg3[%select_n3A_1778, %mul3A_1783, %dma_wait3A_2611] : memref<256x1000x768xf32, #tpu.memory_space<hbm>> -> memref<1x40x768xf32, #tpu.memory_space<hbm>>
      %dma_wait3A_2613 = tpu.memref_squeeze %dma_wait3A_2612 : memref<1x40x768xf32, #tpu.memory_space<hbm>> -> memref<40x768xf32, #tpu.memory_space<hbm>>
      %dma_wait3A_2614 = arith.constant 0 : i32
      %dma_wait3A_2615 = tpu.memref_slice %arg4[%mul3A_1781, %dma_wait3A_2614] : memref<80x768xf32, #tpu.memory_space<vmem>> -> memref<40x768xf32, #tpu.memory_space<vmem>>
      tpu.wait_dma2 semaphore(%arg5 : memref<!tpu.dma_semaphore, #tpu.memory_space<semaphore_mem>>) src(%dma_wait3A_2615 : memref<40x768xf32, #tpu.memory_space<vmem>>) dst(%dma_wait3A_2613 : memref<40x768xf32, #tpu.memory_space<hbm>>)
      %dma_wait3A_2616 = arith.constant 0 : i32
      %dma_wait3A_2617 = tpu.memref_slice %arg4[%mul3A_1838, %dma_wait3A_2616] : memref<80x768xf32, #tpu.memory_space<vmem>> -> memref<40x768xf32, #tpu.memory_space<vmem>>
      %dma_wait3A_2618 = arith.constant 0 : i32
      %dma_wait3A_2619 = tpu.memref_slice %arg3[%select_n3A_1835, %mul3A_1840, %dma_wait3A_2618] : memref<256x1000x768xf32, #tpu.memory_space<hbm>> -> memref<1x40x768xf32, #tpu.memory_space<hbm>>
      %dma_wait3A_2620 = tpu.memref_squeeze %dma_wait3A_2619 : memref<1x40x768xf32, #tpu.memory_space<hbm>> -> memref<40x768xf32, #tpu.memory_space<hbm>>
      %dma_wait3A_2621 = arith.constant 0 : i32
      %dma_wait3A_2622 = tpu.memref_slice %arg3[%select_n3A_1835, %mul3A_1840, %dma_wait3A_2621] : memref<256x1000x768xf32, #tpu.memory_space<hbm>> -> memref<1x40x768xf32, #tpu.memory_space<hbm>>
      %dma_wait3A_2623 = tpu.memref_squeeze %dma_wait3A_2622 : memref<1x40x768xf32, #tpu.memory_space<hbm>> -> memref<40x768xf32, #tpu.memory_space<hbm>>
      %dma_wait3A_2624 = arith.constant 0 : i32
      %dma_wait3A_2625 = tpu.memref_slice %arg4[%mul3A_1838, %dma_wait3A_2624] : memref<80x768xf32, #tpu.memory_space<vmem>> -> memref<40x768xf32, #tpu.memory_space<vmem>>
      tpu.wait_dma2 semaphore(%arg5 : memref<!tpu.dma_semaphore, #tpu.memory_space<semaphore_mem>>) src(%dma_wait3A_2625 : memref<40x768xf32, #tpu.memory_space<vmem>>) dst(%dma_wait3A_2623 : memref<40x768xf32, #tpu.memory_space<hbm>>)
      %dma_wait3A_2626 = arith.constant 0 : i32
      %dma_wait3A_2627 = tpu.memref_slice %arg4[%mul3A_1895, %dma_wait3A_2626] : memref<80x768xf32, #tpu.memory_space<vmem>> -> memref<40x768xf32, #tpu.memory_space<vmem>>
      %dma_wait3A_2628 = arith.constant 0 : i32
      %dma_wait3A_2629 = tpu.memref_slice %arg3[%select_n3A_1892, %mul3A_1897, %dma_wait3A_2628] : memref<256x1000x768xf32, #tpu.memory_space<hbm>> -> memref<1x40x768xf32, #tpu.memory_space<hbm>>
      %dma_wait3A_2630 = tpu.memref_squeeze %dma_wait3A_2629 : memref<1x40x768xf32, #tpu.memory_space<hbm>> -> memref<40x768xf32, #tpu.memory_space<hbm>>
      %dma_wait3A_2631 = arith.constant 0 : i32
      %dma_wait3A_2632 = tpu.memref_slice %arg3[%select_n3A_1892, %mul3A_1897, %dma_wait3A_2631] : memref<256x1000x768xf32, #tpu.memory_space<hbm>> -> memref<1x40x768xf32, #tpu.memory_space<hbm>>
      %dma_wait3A_2633 = tpu.memref_squeeze %dma_wait3A_2632 : memref<1x40x768xf32, #tpu.memory_space<hbm>> -> memref<40x768xf32, #tpu.memory_space<hbm>>
      %dma_wait3A_2634 = arith.constant 0 : i32
      %dma_wait3A_2635 = tpu.memref_slice %arg4[%mul3A_1895, %dma_wait3A_2634] : memref<80x768xf32, #tpu.memory_space<vmem>> -> memref<40x768xf32, #tpu.memory_space<vmem>>
      tpu.wait_dma2 semaphore(%arg5 : memref<!tpu.dma_semaphore, #tpu.memory_space<semaphore_mem>>) src(%dma_wait3A_2635 : memref<40x768xf32, #tpu.memory_space<vmem>>) dst(%dma_wait3A_2633 : memref<40x768xf32, #tpu.memory_space<hbm>>)
      %dma_wait3A_2636 = arith.constant 0 : i32
      %dma_wait3A_2637 = tpu.memref_slice %arg4[%mul3A_1952, %dma_wait3A_2636] : memref<80x768xf32, #tpu.memory_space<vmem>> -> memref<40x768xf32, #tpu.memory_space<vmem>>
      %dma_wait3A_2638 = arith.constant 0 : i32
      %dma_wait3A_2639 = tpu.memref_slice %arg3[%select_n3A_1949, %mul3A_1954, %dma_wait3A_2638] : memref<256x1000x768xf32, #tpu.memory_space<hbm>> -> memref<1x40x768xf32, #tpu.memory_space<hbm>>
      %dma_wait3A_2640 = tpu.memref_squeeze %dma_wait3A_2639 : memref<1x40x768xf32, #tpu.memory_space<hbm>> -> memref<40x768xf32, #tpu.memory_space<hbm>>
      %dma_wait3A_2641 = arith.constant 0 : i32
      %dma_wait3A_2642 = tpu.memref_slice %arg3[%select_n3A_1949, %mul3A_1954, %dma_wait3A_2641] : memref<256x1000x768xf32, #tpu.memory_space<hbm>> -> memref<1x40x768xf32, #tpu.memory_space<hbm>>
      %dma_wait3A_2643 = tpu.memref_squeeze %dma_wait3A_2642 : memref<1x40x768xf32, #tpu.memory_space<hbm>> -> memref<40x768xf32, #tpu.memory_space<hbm>>
      %dma_wait3A_2644 = arith.constant 0 : i32
      %dma_wait3A_2645 = tpu.memref_slice %arg4[%mul3A_1952, %dma_wait3A_2644] : memref<80x768xf32, #tpu.memory_space<vmem>> -> memref<40x768xf32, #tpu.memory_space<vmem>>
      tpu.wait_dma2 semaphore(%arg5 : memref<!tpu.dma_semaphore, #tpu.memory_space<semaphore_mem>>) src(%dma_wait3A_2645 : memref<40x768xf32, #tpu.memory_space<vmem>>) dst(%dma_wait3A_2643 : memref<40x768xf32, #tpu.memory_space<hbm>>)
      %dma_wait3A_2646 = arith.constant 0 : i32
      %dma_wait3A_2647 = tpu.memref_slice %arg4[%mul3A_2009, %dma_wait3A_2646] : memref<80x768xf32, #tpu.memory_space<vmem>> -> memref<40x768xf32, #tpu.memory_space<vmem>>
      %dma_wait3A_2648 = arith.constant 0 : i32
      %dma_wait3A_2649 = tpu.memref_slice %arg3[%select_n3A_2006, %mul3A_2011, %dma_wait3A_2648] : memref<256x1000x768xf32, #tpu.memory_space<hbm>> -> memref<1x40x768xf32, #tpu.memory_space<hbm>>
      %dma_wait3A_2650 = tpu.memref_squeeze %dma_wait3A_2649 : memref<1x40x768xf32, #tpu.memory_space<hbm>> -> memref<40x768xf32, #tpu.memory_space<hbm>>
      %dma_wait3A_2651 = arith.constant 0 : i32
      %dma_wait3A_2652 = tpu.memref_slice %arg3[%select_n3A_2006, %mul3A_2011, %dma_wait3A_2651] : memref<256x1000x768xf32, #tpu.memory_space<hbm>> -> memref<1x40x768xf32, #tpu.memory_space<hbm>>
      %dma_wait3A_2653 = tpu.memref_squeeze %dma_wait3A_2652 : memref<1x40x768xf32, #tpu.memory_space<hbm>> -> memref<40x768xf32, #tpu.memory_space<hbm>>
      %dma_wait3A_2654 = arith.constant 0 : i32
      %dma_wait3A_2655 = tpu.memref_slice %arg4[%mul3A_2009, %dma_wait3A_2654] : memref<80x768xf32, #tpu.memory_space<vmem>> -> memref<40x768xf32, #tpu.memory_space<vmem>>
      tpu.wait_dma2 semaphore(%arg5 : memref<!tpu.dma_semaphore, #tpu.memory_space<semaphore_mem>>) src(%dma_wait3A_2655 : memref<40x768xf32, #tpu.memory_space<vmem>>) dst(%dma_wait3A_2653 : memref<40x768xf32, #tpu.memory_space<hbm>>)
      %dma_wait3A_2656 = arith.constant 0 : i32
      %dma_wait3A_2657 = tpu.memref_slice %arg4[%mul3A_2066, %dma_wait3A_2656] : memref<80x768xf32, #tpu.memory_space<vmem>> -> memref<40x768xf32, #tpu.memory_space<vmem>>
      %dma_wait3A_2658 = arith.constant 0 : i32
      %dma_wait3A_2659 = tpu.memref_slice %arg3[%select_n3A_2063, %mul3A_2068, %dma_wait3A_2658] : memref<256x1000x768xf32, #tpu.memory_space<hbm>> -> memref<1x40x768xf32, #tpu.memory_space<hbm>>
      %dma_wait3A_2660 = tpu.memref_squeeze %dma_wait3A_2659 : memref<1x40x768xf32, #tpu.memory_space<hbm>> -> memref<40x768xf32, #tpu.memory_space<hbm>>
      %dma_wait3A_2661 = arith.constant 0 : i32
      %dma_wait3A_2662 = tpu.memref_slice %arg3[%select_n3A_2063, %mul3A_2068, %dma_wait3A_2661] : memref<256x1000x768xf32, #tpu.memory_space<hbm>> -> memref<1x40x768xf32, #tpu.memory_space<hbm>>
      %dma_wait3A_2663 = tpu.memref_squeeze %dma_wait3A_2662 : memref<1x40x768xf32, #tpu.memory_space<hbm>> -> memref<40x768xf32, #tpu.memory_space<hbm>>
      %dma_wait3A_2664 = arith.constant 0 : i32
      %dma_wait3A_2665 = tpu.memref_slice %arg4[%mul3A_2066, %dma_wait3A_2664] : memref<80x768xf32, #tpu.memory_space<vmem>> -> memref<40x768xf32, #tpu.memory_space<vmem>>
      tpu.wait_dma2 semaphore(%arg5 : memref<!tpu.dma_semaphore, #tpu.memory_space<semaphore_mem>>) src(%dma_wait3A_2665 : memref<40x768xf32, #tpu.memory_space<vmem>>) dst(%dma_wait3A_2663 : memref<40x768xf32, #tpu.memory_space<hbm>>)
      %dma_wait3A_2666 = arith.constant 0 : i32
      %dma_wait3A_2667 = tpu.memref_slice %arg4[%mul3A_2123, %dma_wait3A_2666] : memref<80x768xf32, #tpu.memory_space<vmem>> -> memref<40x768xf32, #tpu.memory_space<vmem>>
      %dma_wait3A_2668 = arith.constant 0 : i32
      %dma_wait3A_2669 = tpu.memref_slice %arg3[%select_n3A_2120, %mul3A_2125, %dma_wait3A_2668] : memref<256x1000x768xf32, #tpu.memory_space<hbm>> -> memref<1x40x768xf32, #tpu.memory_space<hbm>>
      %dma_wait3A_2670 = tpu.memref_squeeze %dma_wait3A_2669 : memref<1x40x768xf32, #tpu.memory_space<hbm>> -> memref<40x768xf32, #tpu.memory_space<hbm>>
      %dma_wait3A_2671 = arith.constant 0 : i32
      %dma_wait3A_2672 = tpu.memref_slice %arg3[%select_n3A_2120, %mul3A_2125, %dma_wait3A_2671] : memref<256x1000x768xf32, #tpu.memory_space<hbm>> -> memref<1x40x768xf32, #tpu.memory_space<hbm>>
      %dma_wait3A_2673 = tpu.memref_squeeze %dma_wait3A_2672 : memref<1x40x768xf32, #tpu.memory_space<hbm>> -> memref<40x768xf32, #tpu.memory_space<hbm>>
      %dma_wait3A_2674 = arith.constant 0 : i32
      %dma_wait3A_2675 = tpu.memref_slice %arg4[%mul3A_2123, %dma_wait3A_2674] : memref<80x768xf32, #tpu.memory_space<vmem>> -> memref<40x768xf32, #tpu.memory_space<vmem>>
      tpu.wait_dma2 semaphore(%arg5 : memref<!tpu.dma_semaphore, #tpu.memory_space<semaphore_mem>>) src(%dma_wait3A_2675 : memref<40x768xf32, #tpu.memory_space<vmem>>) dst(%dma_wait3A_2673 : memref<40x768xf32, #tpu.memory_space<hbm>>)
      %dma_wait3A_2676 = arith.constant 0 : i32
      %dma_wait3A_2677 = tpu.memref_slice %arg4[%mul3A_2180, %dma_wait3A_2676] : memref<80x768xf32, #tpu.memory_space<vmem>> -> memref<40x768xf32, #tpu.memory_space<vmem>>
      %dma_wait3A_2678 = arith.constant 0 : i32
      %dma_wait3A_2679 = tpu.memref_slice %arg3[%select_n3A_2177, %mul3A_2182, %dma_wait3A_2678] : memref<256x1000x768xf32, #tpu.memory_space<hbm>> -> memref<1x40x768xf32, #tpu.memory_space<hbm>>
      %dma_wait3A_2680 = tpu.memref_squeeze %dma_wait3A_2679 : memref<1x40x768xf32, #tpu.memory_space<hbm>> -> memref<40x768xf32, #tpu.memory_space<hbm>>
      %dma_wait3A_2681 = arith.constant 0 : i32
      %dma_wait3A_2682 = tpu.memref_slice %arg3[%select_n3A_2177, %mul3A_2182, %dma_wait3A_2681] : memref<256x1000x768xf32, #tpu.memory_space<hbm>> -> memref<1x40x768xf32, #tpu.memory_space<hbm>>
      %dma_wait3A_2683 = tpu.memref_squeeze %dma_wait3A_2682 : memref<1x40x768xf32, #tpu.memory_space<hbm>> -> memref<40x768xf32, #tpu.memory_space<hbm>>
      %dma_wait3A_2684 = arith.constant 0 : i32
      %dma_wait3A_2685 = tpu.memref_slice %arg4[%mul3A_2180, %dma_wait3A_2684] : memref<80x768xf32, #tpu.memory_space<vmem>> -> memref<40x768xf32, #tpu.memory_space<vmem>>
      tpu.wait_dma2 semaphore(%arg5 : memref<!tpu.dma_semaphore, #tpu.memory_space<semaphore_mem>>) src(%dma_wait3A_2685 : memref<40x768xf32, #tpu.memory_space<vmem>>) dst(%dma_wait3A_2683 : memref<40x768xf32, #tpu.memory_space<hbm>>)
      %dma_wait3A_2686 = arith.constant 0 : i32
      %dma_wait3A_2687 = tpu.memref_slice %arg4[%mul3A_2237, %dma_wait3A_2686] : memref<80x768xf32, #tpu.memory_space<vmem>> -> memref<40x768xf32, #tpu.memory_space<vmem>>
      %dma_wait3A_2688 = arith.constant 0 : i32
      %dma_wait3A_2689 = tpu.memref_slice %arg3[%select_n3A_2234, %mul3A_2239, %dma_wait3A_2688] : memref<256x1000x768xf32, #tpu.memory_space<hbm>> -> memref<1x40x768xf32, #tpu.memory_space<hbm>>
      %dma_wait3A_2690 = tpu.memref_squeeze %dma_wait3A_2689 : memref<1x40x768xf32, #tpu.memory_space<hbm>> -> memref<40x768xf32, #tpu.memory_space<hbm>>
      %dma_wait3A_2691 = arith.constant 0 : i32
      %dma_wait3A_2692 = tpu.memref_slice %arg3[%select_n3A_2234, %mul3A_2239, %dma_wait3A_2691] : memref<256x1000x768xf32, #tpu.memory_space<hbm>> -> memref<1x40x768xf32, #tpu.memory_space<hbm>>
      %dma_wait3A_2693 = tpu.memref_squeeze %dma_wait3A_2692 : memref<1x40x768xf32, #tpu.memory_space<hbm>> -> memref<40x768xf32, #tpu.memory_space<hbm>>
      %dma_wait3A_2694 = arith.constant 0 : i32
      %dma_wait3A_2695 = tpu.memref_slice %arg4[%mul3A_2237, %dma_wait3A_2694] : memref<80x768xf32, #tpu.memory_space<vmem>> -> memref<40x768xf32, #tpu.memory_space<vmem>>
      tpu.wait_dma2 semaphore(%arg5 : memref<!tpu.dma_semaphore, #tpu.memory_space<semaphore_mem>>) src(%dma_wait3A_2695 : memref<40x768xf32, #tpu.memory_space<vmem>>) dst(%dma_wait3A_2693 : memref<40x768xf32, #tpu.memory_space<hbm>>)
      %dma_wait3A_2696 = arith.constant 0 : i32
      %dma_wait3A_2697 = tpu.memref_slice %arg4[%mul3A_2294, %dma_wait3A_2696] : memref<80x768xf32, #tpu.memory_space<vmem>> -> memref<40x768xf32, #tpu.memory_space<vmem>>
      %dma_wait3A_2698 = arith.constant 0 : i32
      %dma_wait3A_2699 = tpu.memref_slice %arg3[%select_n3A_2291, %mul3A_2296, %dma_wait3A_2698] : memref<256x1000x768xf32, #tpu.memory_space<hbm>> -> memref<1x40x768xf32, #tpu.memory_space<hbm>>
      %dma_wait3A_2700 = tpu.memref_squeeze %dma_wait3A_2699 : memref<1x40x768xf32, #tpu.memory_space<hbm>> -> memref<40x768xf32, #tpu.memory_space<hbm>>
      %dma_wait3A_2701 = arith.constant 0 : i32
      %dma_wait3A_2702 = tpu.memref_slice %arg3[%select_n3A_2291, %mul3A_2296, %dma_wait3A_2701] : memref<256x1000x768xf32, #tpu.memory_space<hbm>> -> memref<1x40x768xf32, #tpu.memory_space<hbm>>
      %dma_wait3A_2703 = tpu.memref_squeeze %dma_wait3A_2702 : memref<1x40x768xf32, #tpu.memory_space<hbm>> -> memref<40x768xf32, #tpu.memory_space<hbm>>
      %dma_wait3A_2704 = arith.constant 0 : i32
      %dma_wait3A_2705 = tpu.memref_slice %arg4[%mul3A_2294, %dma_wait3A_2704] : memref<80x768xf32, #tpu.memory_space<vmem>> -> memref<40x768xf32, #tpu.memory_space<vmem>>
      tpu.wait_dma2 semaphore(%arg5 : memref<!tpu.dma_semaphore, #tpu.memory_space<semaphore_mem>>) src(%dma_wait3A_2705 : memref<40x768xf32, #tpu.memory_space<vmem>>) dst(%dma_wait3A_2703 : memref<40x768xf32, #tpu.memory_space<hbm>>)
    }
    %scan3A_25 = arith.constant 5 : i32
    return
  }
}

module attributes {stable_mosaic.version = 14 : i64} {
  func.func @_ln_body(%arg0: memref<1000x768xf32, #tpu.memory_space<vmem>>, %arg1: memref<768xf32, #tpu.memory_space<vmem>>, %arg2: memref<768xf32, #tpu.memory_space<vmem>>, %arg3: memref<1000x768xf32, #tpu.memory_space<vmem>>) attributes {dimension_semantics = [], scalar_prefetch = 0 : i64, scratch_operands = 0 : i64, tpu.core_type = #tpu.core_type<tc>} {
    %get3A = arith.constant 0 : index
    %get3A_0 = arith.constant 0 : index
    %get3A_1 = vector.load %arg0[%get3A, %get3A_0] : memref<1000x768xf32, #tpu.memory_space<vmem>>, vector<1000x768xf32>
    %reduce_sum3A = arith.constant dense<0.000000e+00> : vector<1000xf32>
    %reduce_sum3A_2 = vector.multi_reduction <add>, %get3A_1, %reduce_sum3A [1] : vector<1000x768xf32> to vector<1000xf32>
    %broadcast_in_dim3A = vector.shape_cast %reduce_sum3A_2 : vector<1000xf32> to vector<1000x1xf32>
    %div3A = arith.constant 7.680000e+02 : f32
    %div3A_3 = vector.broadcast %div3A : f32 to vector<1000x1xf32>
    %div3A_4 = arith.divf %broadcast_in_dim3A, %div3A_3 : vector<1000x1xf32>
    %sub3A = vector.broadcast %div3A_4 : vector<1000x1xf32> to vector<1000x768xf32>
    %sub3A_5 = arith.subf %get3A_1, %sub3A : vector<1000x768xf32>
    %square3A = arith.mulf %sub3A_5, %sub3A_5 : vector<1000x768xf32>
    %reduce_sum3A_6 = arith.constant dense<0.000000e+00> : vector<1000xf32>
    %reduce_sum3A_7 = vector.multi_reduction <add>, %square3A, %reduce_sum3A_6 [1] : vector<1000x768xf32> to vector<1000xf32>
    %broadcast_in_dim3A_8 = vector.shape_cast %reduce_sum3A_7 : vector<1000xf32> to vector<1000x1xf32>
    %div3A_9 = arith.constant 7.680000e+02 : f32
    %div3A_10 = vector.broadcast %div3A_9 : f32 to vector<1000x1xf32>
    %div3A_11 = arith.divf %broadcast_in_dim3A_8, %div3A_10 : vector<1000x1xf32>
    %sub3A_12 = vector.broadcast %div3A_4 : vector<1000x1xf32> to vector<1000x768xf32>
    %sub3A_13 = arith.subf %get3A_1, %sub3A_12 : vector<1000x768xf32>
    %add3A = arith.constant 9.99999996E-13 : f32
    %add3A_14 = vector.broadcast %add3A : f32 to vector<1000x1xf32>
    %add3A_15 = arith.addf %div3A_11, %add3A_14 : vector<1000x1xf32>
    %rsqrt3A = math.rsqrt %add3A_15 : vector<1000x1xf32>
    %mul3A = vector.broadcast %rsqrt3A : vector<1000x1xf32> to vector<1000x768xf32>
    %mul3A_16 = arith.mulf %sub3A_13, %mul3A : vector<1000x768xf32>
    %get3A_17 = arith.constant 0 : index
    %get3A_18 = vector.load %arg1[%get3A_17] : memref<768xf32, #tpu.memory_space<vmem>>, vector<768xf32>
    %broadcast_in_dim3A_19 = vector.shape_cast %get3A_18 : vector<768xf32> to vector<1x768xf32>
    %mul3A_20 = vector.broadcast %broadcast_in_dim3A_19 : vector<1x768xf32> to vector<1000x768xf32>
    %mul3A_21 = arith.mulf %mul3A_16, %mul3A_20 : vector<1000x768xf32>
    %get3A_22 = arith.constant 0 : index
    %get3A_23 = vector.load %arg2[%get3A_22] : memref<768xf32, #tpu.memory_space<vmem>>, vector<768xf32>
    %broadcast_in_dim3A_24 = vector.shape_cast %get3A_23 : vector<768xf32> to vector<1x768xf32>
    %add3A_25 = vector.broadcast %broadcast_in_dim3A_24 : vector<1x768xf32> to vector<1000x768xf32>
    %add3A_26 = arith.addf %mul3A_21, %add3A_25 : vector<1000x768xf32>
    %swap3A = arith.constant 0 : index
    %swap3A_27 = arith.constant 0 : index
    %swap3A_28 = vector.load %arg3[%swap3A, %swap3A_27] : memref<1000x768xf32, #tpu.memory_space<vmem>>, vector<1000x768xf32>
    tpu.vector_store %arg3[%swap3A, %swap3A_27], %add3A_26 {strides = array<i32>} : memref<1000x768xf32, #tpu.memory_space<vmem>>, vector<1000x768xf32>,
    return
  }
}

</mosaic_0001>

<sc_bundles>
// kernel: kernel.4.cloned.1.call-start
scs
__scs_entry_jumppad:
0x0: {  	(pc) =	sbr.rel $0x88, $3  }
0x1: {  	(tag) =	ssettag $0x0;
	lr =	simm.s32 $0x1  }
0x2: {  	[smem:$0x3F9E] =	sst lr;
	_ =	strace $0xD0000000  }
0x3: {  	_ = 	snop  }
0x4: {  	_ = 	snop  }
0x5: {  	_ = 	snop  }
0x6: {  	_ = 	snop  }
0x7: {  	_ = 	snop  }
__scs_overlays_trampoline_lowered:
0x8: {  	[smem:$0x3FAD] =	sst s0  }
0x9: {  	[smem:$0x3FAE] =	sst s1  }
0xa: {  	[smem:$0x3FAF] =	sst s2  }
0xb: {  	[smem:$0x3FB0] =	sst s3  }
0xc: {  	[smem:$0x3FB1] =	sst s4  }
0xd: {  	[smem:$0x3FB2] =	sst s5  }
0xe: {  	[smem:$0x3FB3] =	sst s6  }
0xf: {  	[smem:$0x3FB4] =	sst s7  }
0x10: {  	[smem:$0x3FB5] =	sst s8  }
0x11: {  	[smem:$0x3FB6] =	sst s9;
	s0 =	simm.s32 @!p0 $0x0  }
0x12: {  	s1 =	sld [smem:$0x3F9C];
	s0 =	simm.s32 @p0 $0x1  }
0x13: {  	[smem:$0x3FB7] =	sst s0;
	s0 =	simm.s32 @!p1 $0x0  }
0x14: {  	s2 =	sld [smem:$0x3F9B];
	s0 =	simm.s32 @p1 $0x1  }
0x15: {  	[smem:$0x3FB8] =	sst s0;
	s0 =	simm.s32 @!p2 $0x0  }
0x16: {  	s3 =	sld [smem:$0x3FDB];
	s0 =	simm.s32 @p2 $0x1  }
0x17: {  	s4 =	simm.s32 $0x1BF5;
	[smem:$0x3FBA] =	sst s0  }
0x18: {  	s0 =	sld [smem:$0x3F9D];
	_ =	swait.ge [sflag:s4], $0x0  }
0x19: {  	s7 =	sld [smem:$0x3F9E]  }
0x1a: {  	s8 =	sadd.s32 $0xFFFFE003, lr  }
0x1b: {  	s9 =	sadd.s32 $0xFFFFFEF7, lr;
	s5 =	simm.s32 $0xFFFFFFFF;
	p2 =	slt.u32 s8, $0xFFFFF086  }
0x1c: {  	p1 =	slt.u32 s9, $0xF7A;
	s5 =	simm.s32 @!p2 $0x0  }
0x1d: {  	s5 =	simm.s32 @p1 $0x1;
	p0 =	seq.s32 s7, s2  }
0x1e: {  	s7 =	smul.u32 @!p0 $0xF7A, s2;
	p2 =	seq.s32 @!p0 s5, $0x0  }
0x1f: {  	s9 =	smul.u32 $0xF7A, s1;
	s8 =	simm.s32 @!p0 $0x1BF5;
	p2 =	por !p2, p0  }
0x20: {  	[sflag:s8] =	ssyncset.s32 @!p0 $0xFFFFF086;
	s6 =	sadd.s32 @!p0 s3, s7;
	s7 =	simm.s32 @!p0 $0x108  }
0x21: {  	s3 =	sadd.s32 s3, s9;
	s6 =	sadd.s32 @!p0 $0x88, s6;
	s7 =	simm.s32 @p2 $0x1082  }
0x22: {  	[simem:s7], [sflag:s8] =	dma.local @!p0 [hbm:s6], $0xF7A  }
0x23: {  	s9 =	sor.u32 $0xD0000000, s2;
	s6 =	simm.s32 $0x108;
	_ =	swait.ge @!p0 [sflag:s8], $0x0  }
0x24: {  	s3 =	sadd.s32 $0x88, s3;
	s6 =	simm.s32 @!p1 $0x1082;
	[sflag:s4] =	ssyncset.s32 $0xFFFFF086  }
0x25: {  	[simem:s6], [sflag:s4] =	dma.local [hbm:s3], $0xF7A  }
0x26: {  	[smem:$0x3F9E] =	sst s1;
	(tag) =	ssettag s2;
	_ =	strace s9  }
0x27: {  	s1 =	sld [smem:$0x3FAE]  }
0x28: {  	s2 =	sld [smem:$0x3FAF]  }
0x29: {  	s4 =	sld [smem:$0x3FB1]  }
0x2a: {  	p0 =	seq.s32 s5, $0x0;
	s5 =	sld [smem:$0x3FB2]  }
0x2b: {  	s6 =	sld [smem:$0x3FB3]  }
0x2c: {  	s7 =	sld [smem:$0x3FB4]  }
0x2d: {  	s3 =	simm.s32 $0x108;
	s8 =	sld [smem:$0x3FB5]  }
0x2e: {  	s3 =	simm.s32 @!p0 $0x1082;
	s9 =	sld [smem:$0x3FB6]  }
0x2f: {  	lr =	sadd.s32 s0, s3;
	s0 =	sld [smem:$0x3FAD]  }
0x30: {  	s3 =	sld [smem:$0x3FB0]  }
0x31: {  	[smem:$0x3FB9] =	sst s10  }
0x32: {  	s10 =	sld [smem:$0x3FB7];
	_ =	sdelay $0x3  }
0x33: {  	p0 =	seq.s32 s10, $0x1;
	s10 =	sld [smem:$0x3FB9];
	_ =	sdelay $0x3  }
0x34: {  	[smem:$0x3FB9] =	sst s10  }
0x35: {  	s10 =	sld [smem:$0x3FB8];
	_ =	sdelay $0x3  }
0x36: {  	p1 =	seq.s32 s10, $0x1;
	s10 =	sld [smem:$0x3FB9];
	_ =	sdelay $0x3  }
0x37: {  	[smem:$0x3FB9] =	sst s10  }
0x38: {  	s10 =	sld [smem:$0x3FBA]  }
0x39: {  	_ = 	snop;
	(pc) =	sbr.ind lr, $3  }
0x3a: {  	_ = 	snop  }
0x3b: {  	_ = 	snop  }
0x3c: {  	p2 =	seq.s32 s10, $0x1;
	s10 =	sld [smem:$0x3FB9]  }
0x3d: {  	_ =	shalt  }
0x3e: {  	_ =	shalt  }
0x3f: {  	_ =	shalt  }
0x40: {  	_ =	shalt  }
0x41: {  	_ =	shalt  }
0x42: {  	_ =	shalt  }
0x43: {  	_ =	shalt  }
0x44: {  	_ =	shalt  }
0x45: {  	_ =	shalt  }
0x46: {  	_ =	shalt  }
0x47: {  	_ =	shalt  }
0x48: {  	_ =	shalt  }
0x49: {  	_ =	shalt  }
0x4a: {  	_ =	shalt  }
0x4b: {  	_ =	shalt  }
0x4c: {  	_ =	shalt  }
0x4d: {  	_ =	shalt  }
0x4e: {  	_ =	shalt  }
0x4f: {  	_ =	shalt  }
0x50: {  	_ =	shalt  }
0x51: {  	_ =	shalt  }
0x52: {  	_ =	shalt  }
0x53: {  	_ =	shalt  }
0x54: {  	_ =	shalt  }
0x55: {  	_ =	shalt  }
0x56: {  	_ =	shalt  }
0x57: {  	_ =	shalt  }
0x58: {  	_ =	shalt  }
0x59: {  	_ =	shalt  }
0x5a: {  	_ =	shalt  }
0x5b: {  	_ =	shalt  }
0x5c: {  	_ =	shalt  }
0x5d: {  	_ =	shalt  }
0x5e: {  	_ =	shalt  }
0x5f: {  	_ =	shalt  }
0x60: {  	_ =	shalt  }
0x61: {  	_ =	shalt  }
0x62: {  	_ =	shalt  }
0x63: {  	_ =	shalt  }
0x64: {  	_ =	shalt  }
0x65: {  	_ =	shalt  }
0x66: {  	_ =	shalt  }
0x67: {  	_ =	shalt  }
0x68: {  	_ =	shalt  }
0x69: {  	_ =	shalt  }
0x6a: {  	_ =	shalt  }
0x6b: {  	_ =	shalt  }
0x6c: {  	_ =	shalt  }
0x6d: {  	_ =	shalt  }
0x6e: {  	_ =	shalt  }
0x6f: {  	_ =	shalt  }
0x70: {  	_ =	shalt  }
0x71: {  	_ =	shalt  }
0x72: {  	_ =	shalt  }
0x73: {  	_ =	shalt  }
0x74: {  	_ =	shalt  }
0x75: {  	_ =	shalt  }
0x76: {  	_ =	shalt  }
0x77: {  	_ =	shalt  }
0x78: {  	_ =	shalt  }
0x79: {  	_ =	shalt  }
0x7a: {  	_ =	shalt  }
0x7b: {  	_ =	shalt  }
0x7c: {  	_ =	shalt  }
0x7d: {  	_ =	shalt  }
0x7e: {  	_ =	shalt  }
0x7f: {  	_ =	shalt  }
0x80: {  	_ =	shalt  }
0x81: {  	_ =	shalt  }
0x82: {  	_ =	shalt  }
0x83: {  	_ =	shalt  }
0x84: {  	_ =	shalt  }
0x85: {  	_ =	shalt  }
0x86: {  	_ =	shalt  }
0x87: {  	_ =	shalt  }
.Lfunc_end0:
.L_simem_size_0:
called_computation_lowered:
.L_overlay_start_0:
0x88: {  	s2 =	sld [smem:$0x3FD9]  }
0x89: {  	s3 =	sld [smem:$0x3FFE];
	_ =	sdelay $0x1  }
0x8a: {  	s1 =	srdreg.scid  }
0x8b: {  	s0 =	sand.u32 $0x1, s1  }
0x8c: {  	s17 =	sshll.u32 s0, $0xA;
	s2 =	sadd.s32 s3, s2  }
0x8d: {  	s2 =	sadd.s32 s2, s17  }
0x8e: {  	[smem:$0x3FC5] =	sst s2  }
0x8f: {  	_ = 	snop  }
0x90: {  	s2 =	sld [smem:$0x3FD0];
	(tm) =	ssettm $0x1  }
0x91: {  	s18 =	sld [smem:$0x3FFB];
	_ =	sdelay $0x3  }
0x92: {  	_ =	strace s18  }
0x93: {  	s3 =	sld [smem:$0x3FFC];
	_ =	sdelay $0x3  }
0x94: {  	_ =	strace s3  }
0x95: {  	s3 =	sld [smem:$0x3FFD];
	_ =	sdelay $0x3  }
0x96: {  	_ =	strace s3  }
0x97: {  	_ =	strace $0x8FFFFFFF  }
0x98: {  	s19 =	sld [smem:$0x3FDB];
	_ =	sdelay $0x1  }
0x99: {  	s4 =	simm.s32 $_scs_section_size  }
0x9a: {  	s5 =	simm.s32 $_size__tile_overlayer_lowered;
	s6 =	simm.s32 $_tile_overlayer_lowered  }
0x9b: {  	s22 =	simm.s32 $0x1BFF;
	s21 =	sshll.u32 s6, $0x1;
	s3 =	sadd.s32 s4, s19  }
0x9c: {  	s7 =	simm.s32 $0x0;
	s20 =	sshll.u32 s5, $0x1;
	s5 =	sadd.s32 s21, s3  }
0x9d: {  	[timem:s7], [sflag:s22] =	dma.local [hbm:s5], s20  }
0x9e: {  	_ =	swait.ge [sflag:s22], s20  }
0x9f: {  	s4 =	ssub.s32 $0x0, s20;
	[sflag:s22] =	ssyncset.done $0x0  }
0xa0: {  	[sflag:s22] =	ssyncadd.s32 s4;
	_ =	sdelay $0x1  }
0xa1: {  	s23 =	simm.s32 $0x1B8B  }
0xa2: {  	_ =	swait.ge [sflag:s23], $0x1  }
0xa3: {  	[sflag:s23] =	ssyncset.done $0x0  }
0xa4: {  	s25 =	simm.s32 $0x1B8E;
	s24 =	sld [smem:$0x3FFE];
	[sflag:s23] =	ssyncadd.s32 $0xFFFFFFFF  }
0xa5: {  	s26 =	simm.s32 $execute0_lowered;
	[smem:$0x3FD2] =	sst s25  }
0xa6: {  	s5 =	sshll.u32 s26, $0x1;
	_ =	strace $0x80000046;
	[dreg:$0x1] =	wrdreg $0xFFFFFFFF  }
0xa7: {  	s28 =	simm.s32 $_size_execute0_lowered;
	s3 =	sadd.s32 s3, s5;
	[dreg:$0x0] =	wrdreg $0x0  }
0xa8: {  	s5 =	sshll.u32 s28, $0x1;
	[dreg:$0x2] =	wrdreg s3  }
0xa9: {  	[dreg:$0x3] =	wrdreg s5  }
0xaa: {  	[dreg:$0x4] =	wrdreg $0xC0  }
0xab: {  	_ =	task [dreg:s7], $0x5FFFF  }
0xac: {  	[dreg:$0x1] =	wrdreg $0xFFFFFFFF  }
0xad: {  	[dreg:$0x0] =	wrdreg $0x60  }
0xae: {  	[dreg:$0x2] =	wrdreg s24  }
0xaf: {  	[dreg:$0x3] =	wrdreg s2  }
0xb0: {  	[dreg:$0x4] =	wrdreg $0x9  }
0xb1: {  	_ =	task.clear_ibuf [dreg:s7], $0x5FFFF;
	_ =	strace $0x90000046  }
0xb2: {  	s29 =	simm.s32 $0x9;
	_ =	strace $0x80000048  }
0xb3: {  	_ =	swait.ge [sflag:s29], $0x1  }
0xb4: {  	[sflag:s29] =	ssyncadd.s32 $0xFFFFFFFF  }
0xb5: {  	_ =	strace $0x90000048  }
0xb6: {  	_ =	sfence  }
0xb7: {  	s30 =	sld [smem:$0x0];
	_ =	sdelay $0x2  }
0xb8: {  	s31 =	sshll.u32 s1, $0xD;
	s1 =	sshrl.u32 s1, $0x2  }
0xb9: {  	s3 =	sand.u32 $0x4000, s31;
	s1 =	sadd.s32 s1, s30  }
0xba: {  	s0 =	sor.u32 s3, s0;
	s1 =	sshll.u32 s1, $0x11  }
0xbb: {  	s0 =	sor.u32 s1, s0  }
0xbc: {  	s0 =	sadd.s32 $0x8F2B, s0  }
0xbd: {  	[sflag:s0] =	ssyncadd.remote.s32 $0x1  }
0xbe: {  	_ =	sfence.sel $0xFFFF  }
0xbf: {  	[dreg:$0x0] =	wrdreg $0xFFFFFFFF;
	(pc) =	sbr.abs _section_cstart, $3  }
0xc0: {  	[dreg:$0x1] =	wrdreg $0xFFFFFFFF  }
0xc1: {  	_ =	task.clear_ibuf [dreg:s7], $0x2FFFF;
	_ =	strace $0x9FFFFFFF  }
0xc2: {  	(tm) =	ssettm $0x7FFFFFFF  }
0xc3: {  	_ =	shalt  }
tec
execute0_lowered:
.L_overlay_start_1:
0x0: {  	(tag) =	ssettag $0x1  }
0x1: {  	s1 =	srdreg.scid;
	s0 =	stileid.u32  }
0x2: {  	s5 =	sand.u32 $0x1, s1;
	s30 =	sshll.u32 s0, $0x1  }
0x3: {  	s1 =	sor.u32 s5, s30  }
0x4: {  	s6 =	rddreg [dreg:$0x0];
	s1 =	smul.u32 $0xC8, s1  }
0x5: {  	s3 =	rddreg [dreg:$0x1];
	s4 =	simm.s32 $0x0;
	s8 =	smul.u32 $0x190, s0  }
0x6: {  	s9 =	ssub.s32 $0x2, s5;
	s5 =	smul.u32 $0xC8, s5;
	s1 =	sshrl.u32 s1, $0x8  }
0x7: {  	[smem:$0x7FF] =	sst s4;
	s31 =	sshrl.u32 s9, $0x1;
	s2 =	smin.u32 s1, $0x17  }
0x8: {  	s8 =	sadd.s32 s5, s8;
	s1 =	rddreg [dreg:$0x2];
	s7 =	smul.u32 $0xF00, s2  }
0x9: {  	_ =	strace $0x80000047;
	[dreg:$0x3] =	wrdreg s8;
	s8 =	simm.s32 $0x1  }
0xa: {  	s6 =	sadd.s32 s7, s6;
	s7 =	ssub.s32 s9, s31;
	s9 =	simm.s32 $0x0  }
0xb: {  	s5 =	sadd.s32 $0xC00, s6;
	s6 =	smax.u32 s7, $0x1;
	s7 =	simm.s32 $0x2  }
.LBB2_1:
0xc: {  	[tilespmem:s4], [sflag:$0x2] =	stream.linear.gather [hbm4b:s5+s4], $0xF000, $0x38;
	[tilespmem:$0xF000] =	vst v63  }
0xd: {  	_ =	swait.ge [sflag:s7], $0xF000  }
0xe: {  	[sflag:s7] =	ssyncset.done $0x0  }
0xf: {  	s10 =	simm.s32 $0x0;
	[sflag:s7] =	ssyncadd.s32 $0xFFFF1000  }
.LBB2_2:
0x10: {  	s11 =	rddreg [dreg:$0x3]  }
0x11: {  	s11 =	sadd.s32 s10, s11  }
0x12: {  	s12 =	sand.u32 $0xF8, s11;
	s13 =	sshrl.u32 s11, $0x8  }
0x13: {  	s12 =	smul.u32 $0xBB800, s12;
	s14 =	ssub.s32 s13, s2  }
0x14: {  	s14 =	smul.u32 $0x28, s14  }
0x15: {  	s13 =	smul.u32 $0x7800, s13  }
0x16: {  	s14 =	sshrl.u32 s14, $0x3  }
0x17: {  	s12 =	sadd.s32 s13, s12;
	s25 =	smul.u32 $0x6000, s14  }
0x18: {  	s12 =	sshrl.u32 s12, $0x3  }
0x19: {  	s12 =	sadd.s32 s3, s12;
	s13 =	sshra.s32 s25, $0x2  }
0x1a: {  	[hbm4b:s12+s4] =	stream.linear.scatter [tilespmem:s13], [sflag:$0x1], $0x7800, $0x38;
	[tilespmem:$0xF000] =	vst v63  }
0x1b: {  	s26 =	sadd.s32 $0x17700, s12  }
0x1c: {  	[hbm4b:s26+s4] =	stream.linear.scatter [tilespmem:s13], [sflag:$0x1], $0x7800, $0x38;
	[tilespmem:$0xF000] =	vst v63  }
0x1d: {  	s28 =	sadd.s32 $0x2EE00, s12  }
0x1e: {  	[hbm4b:s28+s4] =	stream.linear.scatter [tilespmem:s13], [sflag:$0x1], $0x7800, $0x38;
	[tilespmem:$0xF000] =	vst v63  }
0x1f: {  	s29 =	sadd.s32 $0x46500, s12  }
0x20: {  	[hbm4b:s29+s4] =	stream.linear.scatter [tilespmem:s13], [sflag:$0x1], $0x7800, $0x38;
	[tilespmem:$0xF000] =	vst v63  }
0x21: {  	s30 =	sadd.s32 $0x5DC00, s12  }
0x22: {  	[hbm4b:s30+s4] =	stream.linear.scatter [tilespmem:s13], [sflag:$0x1], $0x7800, $0x38;
	[tilespmem:$0xF000] =	vst v63  }
0x23: {  	s31 =	sadd.s32 $0x75300, s12  }
0x24: {  	[hbm4b:s31+s4] =	stream.linear.scatter [tilespmem:s13], [sflag:$0x1], $0x7800, $0x38;
	[tilespmem:$0xF000] =	vst v63  }
0x25: {  	s15 =	sadd.s32 $0x8CA00, s12  }
0x26: {  	[hbm4b:s15+s4] =	stream.linear.scatter [tilespmem:s13], [sflag:$0x1], $0x7800, $0x38;
	[tilespmem:$0xF000] =	vst v63  }
0x27: {  	s16 =	sadd.s32 $0x8, s11;
	s12 =	sadd.s32 $0xA4100, s12  }
0x28: {  	[hbm4b:s12+s4] =	stream.linear.scatter [tilespmem:s13], [sflag:$0x1], $0x7800, $0x38;
	[tilespmem:$0xF000] =	vst v63  }
0x29: {  	s17 =	sand.u32 $0xF8, s16;
	s12 =	sshrl.u32 s16, $0x8  }
0x2a: {  	s13 =	smul.u32 $0xBB800, s17;
	s18 =	ssub.s32 s12, s2  }
0x2b: {  	s14 =	smul.u32 $0x28, s18  }
0x2c: {  	s12 =	smul.u32 $0x7800, s12  }
0x2d: {  	s14 =	sshrl.u32 s14, $0x3  }
0x2e: {  	s12 =	sadd.s32 s12, s13;
	s19 =	smul.u32 $0x6000, s14  }
0x2f: {  	s12 =	sshrl.u32 s12, $0x3  }
0x30: {  	s20 =	sadd.s32 $0x9, s11;
	s12 =	sadd.s32 s3, s12;
	s13 =	sshra.s32 s19, $0x2  }
0x31: {  	[hbm4b:s12+s4] =	stream.linear.scatter [tilespmem:s13], [sflag:$0x1], $0x7800, $0x38;
	[tilespmem:$0xF000] =	vst v63  }
0x32: {  	s21 =	sand.u32 $0xF9, s20;
	s12 =	sshrl.u32 s20, $0x8  }
0x33: {  	s13 =	smul.u32 $0xBB800, s21;
	s22 =	ssub.s32 s12, s2  }
0x34: {  	s14 =	smul.u32 $0x28, s22  }
0x35: {  	s12 =	smul.u32 $0x7800, s12  }
0x36: {  	s14 =	sshrl.u32 s14, $0x3  }
0x37: {  	s12 =	sadd.s32 s12, s13;
	s23 =	smul.u32 $0x6000, s14  }
0x38: {  	s12 =	sshrl.u32 s12, $0x3  }
0x39: {  	s24 =	sadd.s32 $0xA, s11;
	s12 =	sadd.s32 s3, s12;
	s13 =	sshra.s32 s23, $0x2  }
0x3a: {  	[hbm4b:s12+s4] =	stream.linear.scatter [tilespmem:s13], [sflag:$0x1], $0x7800, $0x38;
	[tilespmem:$0xF000] =	vst v63  }
0x3b: {  	s25 =	sand.u32 $0xFA, s24;
	s12 =	sshrl.u32 s24, $0x8  }
0x3c: {  	s13 =	smul.u32 $0xBB800, s25;
	s26 =	ssub.s32 s12, s2  }
0x3d: {  	s14 =	smul.u32 $0x28, s26  }
0x3e: {  	s12 =	smul.u32 $0x7800, s12  }
0x3f: {  	s14 =	sshrl.u32 s14, $0x3  }
0x40: {  	s12 =	sadd.s32 s12, s13;
	s28 =	smul.u32 $0x6000, s14  }
0x41: {  	s12 =	sshrl.u32 s12, $0x3  }
0x42: {  	s29 =	sadd.s32 $0xB, s11;
	s12 =	sadd.s32 s3, s12;
	s13 =	sshra.s32 s28, $0x2  }
0x43: {  	[hbm4b:s12+s4] =	stream.linear.scatter [tilespmem:s13], [sflag:$0x1], $0x7800, $0x38;
	[tilespmem:$0xF000] =	vst v63  }
0x44: {  	s30 =	sand.u32 $0xFB, s29;
	s12 =	sshrl.u32 s29, $0x8  }
0x45: {  	s13 =	smul.u32 $0xBB800, s30;
	s31 =	ssub.s32 s12, s2  }
0x46: {  	s14 =	smul.u32 $0x28, s31  }
0x47: {  	s12 =	smul.u32 $0x7800, s12  }
0x48: {  	s14 =	sshrl.u32 s14, $0x3  }
0x49: {  	s12 =	sadd.s32 s12, s13;
	s15 =	smul.u32 $0x6000, s14  }
0x4a: {  	s12 =	sshrl.u32 s12, $0x3  }
0x4b: {  	s16 =	sadd.s32 $0xC, s11;
	s12 =	sadd.s32 s3, s12;
	s13 =	sshra.s32 s15, $0x2  }
0x4c: {  	[hbm4b:s12+s4] =	stream.linear.scatter [tilespmem:s13], [sflag:$0x1], $0x7800, $0x38;
	[tilespmem:$0xF000] =	vst v63  }
0x4d: {  	s17 =	sand.u32 $0xFC, s16;
	s12 =	sshrl.u32 s16, $0x8  }
0x4e: {  	s13 =	smul.u32 $0xBB800, s17;
	s18 =	ssub.s32 s12, s2  }
0x4f: {  	s14 =	smul.u32 $0x28, s18  }
0x50: {  	s12 =	smul.u32 $0x7800, s12  }
0x51: {  	s14 =	sshrl.u32 s14, $0x3  }
0x52: {  	s12 =	sadd.s32 s12, s13;
	s19 =	smul.u32 $0x6000, s14  }
0x53: {  	s12 =	sshrl.u32 s12, $0x3  }
0x54: {  	s20 =	sadd.s32 $0xD, s11;
	s12 =	sadd.s32 s3, s12;
	s13 =	sshra.s32 s19, $0x2  }
0x55: {  	[hbm4b:s12+s4] =	stream.linear.scatter [tilespmem:s13], [sflag:$0x1], $0x7800, $0x38;
	[tilespmem:$0xF000] =	vst v63  }
0x56: {  	s21 =	sand.u32 $0xFD, s20;
	s12 =	sshrl.u32 s20, $0x8  }
0x57: {  	s13 =	smul.u32 $0xBB800, s21;
	s22 =	ssub.s32 s12, s2  }
0x58: {  	s14 =	smul.u32 $0x28, s22  }
0x59: {  	s12 =	smul.u32 $0x7800, s12  }
0x5a: {  	s14 =	sshrl.u32 s14, $0x3  }
0x5b: {  	s12 =	sadd.s32 s12, s13;
	s23 =	smul.u32 $0x6000, s14  }
0x5c: {  	s12 =	sshrl.u32 s12, $0x3  }
0x5d: {  	s24 =	sadd.s32 $0xE, s11;
	s12 =	sadd.s32 s3, s12;
	s13 =	sshra.s32 s23, $0x2  }
0x5e: {  	[hbm4b:s12+s4] =	stream.linear.scatter [tilespmem:s13], [sflag:$0x1], $0x7800, $0x38;
	[tilespmem:$0xF000] =	vst v63  }
0x5f: {  	s25 =	sand.u32 $0xFE, s24;
	s12 =	sshrl.u32 s24, $0x8  }
0x60: {  	s13 =	smul.u32 $0xBB800, s25;
	s26 =	ssub.s32 s12, s2  }
0x61: {  	s14 =	smul.u32 $0x28, s26  }
0x62: {  	s12 =	smul.u32 $0x7800, s12  }
0x63: {  	s14 =	sshrl.u32 s14, $0x3  }
0x64: {  	s12 =	sadd.s32 s12, s13;
	s28 =	smul.u32 $0x6000, s14  }
0x65: {  	s12 =	sshrl.u32 s12, $0x3  }
0x66: {  	s29 =	sadd.s32 $0xF, s11;
	s12 =	sadd.s32 s3, s12;
	s13 =	sshra.s32 s28, $0x2  }
0x67: {  	[hbm4b:s12+s4] =	stream.linear.scatter [tilespmem:s13], [sflag:$0x1], $0x7800, $0x38;
	[tilespmem:$0xF000] =	vst v63  }
0x68: {  	s30 =	sand.u32 $0xFF, s29;
	s12 =	sshrl.u32 s29, $0x8  }
0x69: {  	s13 =	smul.u32 $0xBB800, s30;
	s31 =	ssub.s32 s12, s2  }
0x6a: {  	s14 =	smul.u32 $0x28, s31  }
0x6b: {  	s12 =	smul.u32 $0x7800, s12  }
0x6c: {  	s14 =	sshrl.u32 s14, $0x3  }
0x6d: {  	s12 =	sadd.s32 s12, s13;
	s15 =	smul.u32 $0x6000, s14  }
0x6e: {  	s12 =	sshrl.u32 s12, $0x3  }
0x6f: {  	s16 =	sadd.s32 $0x10, s11;
	s12 =	sadd.s32 s3, s12;
	s13 =	sshra.s32 s15, $0x2  }
0x70: {  	[hbm4b:s12+s4] =	stream.linear.scatter [tilespmem:s13], [sflag:$0x1], $0x7800, $0x38;
	[tilespmem:$0xF000] =	vst v63  }
0x71: {  	s17 =	sand.u32 $0xF8, s16;
	s12 =	sshrl.u32 s16, $0x8  }
0x72: {  	s13 =	smul.u32 $0xBB800, s17;
	s18 =	ssub.s32 s12, s2  }
0x73: {  	s14 =	smul.u32 $0x28, s18  }
0x74: {  	s12 =	smul.u32 $0x7800, s12  }
0x75: {  	s14 =	sshrl.u32 s14, $0x3  }
0x76: {  	s12 =	sadd.s32 s12, s13;
	s19 =	smul.u32 $0x6000, s14  }
0x77: {  	s12 =	sshrl.u32 s12, $0x3  }
0x78: {  	s20 =	sadd.s32 $0x11, s11;
	s12 =	sadd.s32 s3, s12;
	s13 =	sshra.s32 s19, $0x2  }
0x79: {  	[hbm4b:s12+s4] =	stream.linear.scatter [tilespmem:s13], [sflag:$0x1], $0x7800, $0x38;
	[tilespmem:$0xF000] =	vst v63  }
0x7a: {  	s21 =	sand.u32 $0xF9, s20;
	s12 =	sshrl.u32 s20, $0x8  }
0x7b: {  	s13 =	smul.u32 $0xBB800, s21;
	s22 =	ssub.s32 s12, s2  }
0x7c: {  	s14 =	smul.u32 $0x28, s22  }
0x7d: {  	s12 =	smul.u32 $0x7800, s12  }
0x7e: {  	s14 =	sshrl.u32 s14, $0x3  }
0x7f: {  	s12 =	sadd.s32 s12, s13;
	s23 =	smul.u32 $0x6000, s14  }
0x80: {  	s12 =	sshrl.u32 s12, $0x3  }
0x81: {  	s24 =	sadd.s32 $0x12, s11;
	s12 =	sadd.s32 s3, s12;
	s13 =	sshra.s32 s23, $0x2  }
0x82: {  	[hbm4b:s12+s4] =	stream.linear.scatter [tilespmem:s13], [sflag:$0x1], $0x7800, $0x38;
	[tilespmem:$0xF000] =	vst v63  }
0x83: {  	s25 =	sand.u32 $0xFA, s24;
	s12 =	sshrl.u32 s24, $0x8  }
0x84: {  	s13 =	smul.u32 $0xBB800, s25;
	s26 =	ssub.s32 s12, s2  }
0x85: {  	s14 =	smul.u32 $0x28, s26  }
0x86: {  	s12 =	smul.u32 $0x7800, s12  }
0x87: {  	s14 =	sshrl.u32 s14, $0x3  }
0x88: {  	s12 =	sadd.s32 s12, s13;
	s28 =	smul.u32 $0x6000, s14  }
0x89: {  	s12 =	sshrl.u32 s12, $0x3  }
0x8a: {  	s29 =	sadd.s32 $0x13, s11;
	s12 =	sadd.s32 s3, s12;
	s13 =	sshra.s32 s28, $0x2  }
0x8b: {  	[hbm4b:s12+s4] =	stream.linear.scatter [tilespmem:s13], [sflag:$0x1], $0x7800, $0x38;
	[tilespmem:$0xF000] =	vst v63  }
0x8c: {  	s30 =	sand.u32 $0xFB, s29;
	s12 =	sshrl.u32 s29, $0x8  }
0x8d: {  	s13 =	smul.u32 $0xBB800, s30;
	s31 =	ssub.s32 s12, s2  }
0x8e: {  	s14 =	smul.u32 $0x28, s31  }
0x8f: {  	s12 =	smul.u32 $0x7800, s12  }
0x90: {  	s14 =	sshrl.u32 s14, $0x3  }
0x91: {  	s12 =	sadd.s32 s12, s13;
	s15 =	smul.u32 $0x6000, s14  }
0x92: {  	s12 =	sshrl.u32 s12, $0x3  }
0x93: {  	s16 =	sadd.s32 $0x14, s11;
	s12 =	sadd.s32 s3, s12;
	s13 =	sshra.s32 s15, $0x2  }
0x94: {  	[hbm4b:s12+s4] =	stream.linear.scatter [tilespmem:s13], [sflag:$0x1], $0x7800, $0x38;
	[tilespmem:$0xF000] =	vst v63  }
0x95: {  	s17 =	sand.u32 $0xFC, s16;
	s12 =	sshrl.u32 s16, $0x8  }
0x96: {  	s13 =	smul.u32 $0xBB800, s17;
	s18 =	ssub.s32 s12, s2  }
0x97: {  	s14 =	smul.u32 $0x28, s18  }
0x98: {  	s12 =	smul.u32 $0x7800, s12  }
0x99: {  	s14 =	sshrl.u32 s14, $0x3  }
0x9a: {  	s12 =	sadd.s32 s12, s13;
	s19 =	smul.u32 $0x6000, s14  }
0x9b: {  	s12 =	sshrl.u32 s12, $0x3  }
0x9c: {  	s20 =	sadd.s32 $0x15, s11;
	s12 =	sadd.s32 s3, s12;
	s13 =	sshra.s32 s19, $0x2  }
0x9d: {  	[hbm4b:s12+s4] =	stream.linear.scatter [tilespmem:s13], [sflag:$0x1], $0x7800, $0x38;
	[tilespmem:$0xF000] =	vst v63  }
0x9e: {  	s21 =	sand.u32 $0xFD, s20;
	s12 =	sshrl.u32 s20, $0x8  }
0x9f: {  	s13 =	smul.u32 $0xBB800, s21;
	s22 =	ssub.s32 s12, s2  }
0xa0: {  	s14 =	smul.u32 $0x28, s22  }
0xa1: {  	s12 =	smul.u32 $0x7800, s12  }
0xa2: {  	s14 =	sshrl.u32 s14, $0x3  }
0xa3: {  	s12 =	sadd.s32 s12, s13;
	s23 =	smul.u32 $0x6000, s14  }
0xa4: {  	s12 =	sshrl.u32 s12, $0x3  }
0xa5: {  	s24 =	sadd.s32 $0x16, s11;
	s12 =	sadd.s32 s3, s12;
	s13 =	sshra.s32 s23, $0x2  }
0xa6: {  	[hbm4b:s12+s4] =	stream.linear.scatter [tilespmem:s13], [sflag:$0x1], $0x7800, $0x38;
	[tilespmem:$0xF000] =	vst v63  }
0xa7: {  	s25 =	sand.u32 $0xFE, s24;
	s12 =	sshrl.u32 s24, $0x8  }
0xa8: {  	s13 =	smul.u32 $0xBB800, s25;
	s26 =	ssub.s32 s12, s2  }
0xa9: {  	s14 =	smul.u32 $0x28, s26  }
0xaa: {  	s12 =	smul.u32 $0x7800, s12  }
0xab: {  	s14 =	sshrl.u32 s14, $0x3  }
0xac: {  	s12 =	sadd.s32 s12, s13;
	s28 =	smul.u32 $0x6000, s14  }
0xad: {  	s12 =	sshrl.u32 s12, $0x3  }
0xae: {  	s29 =	sadd.s32 $0x17, s11;
	s12 =	sadd.s32 s3, s12;
	s13 =	sshra.s32 s28, $0x2  }
0xaf: {  	[hbm4b:s12+s4] =	stream.linear.scatter [tilespmem:s13], [sflag:$0x1], $0x7800, $0x38;
	[tilespmem:$0xF000] =	vst v63  }
0xb0: {  	s30 =	sand.u32 $0xFF, s29;
	s12 =	sshrl.u32 s29, $0x8  }
0xb1: {  	s13 =	smul.u32 $0xBB800, s30;
	s31 =	ssub.s32 s12, s2  }
0xb2: {  	s14 =	smul.u32 $0x28, s31  }
0xb3: {  	s12 =	smul.u32 $0x7800, s12  }
0xb4: {  	s14 =	sshrl.u32 s14, $0x3  }
0xb5: {  	s12 =	sadd.s32 s12, s13;
	s15 =	smul.u32 $0x6000, s14  }
0xb6: {  	s12 =	sshrl.u32 s12, $0x3  }
0xb7: {  	s16 =	sadd.s32 $0x18, s11;
	s12 =	sadd.s32 s3, s12;
	s13 =	sshra.s32 s15, $0x2  }
0xb8: {  	[hbm4b:s12+s4] =	stream.linear.scatter [tilespmem:s13], [sflag:$0x1], $0x7800, $0x38;
	[tilespmem:$0xF000] =	vst v63  }
0xb9: {  	s17 =	sand.u32 $0xF8, s16;
	s12 =	sshrl.u32 s16, $0x8  }
0xba: {  	s13 =	smul.u32 $0xBB800, s17;
	s18 =	ssub.s32 s12, s2  }
0xbb: {  	s14 =	smul.u32 $0x28, s18  }
0xbc: {  	s12 =	smul.u32 $0x7800, s12  }
0xbd: {  	s14 =	sshrl.u32 s14, $0x3  }
0xbe: {  	s12 =	sadd.s32 s12, s13;
	s19 =	smul.u32 $0x6000, s14  }
0xbf: {  	s12 =	sshrl.u32 s12, $0x3  }
0xc0: {  	s20 =	sadd.s32 $0x19, s11;
	s12 =	sadd.s32 s3, s12;
	s13 =	sshra.s32 s19, $0x2  }
0xc1: {  	[hbm4b:s12+s4] =	stream.linear.scatter [tilespmem:s13], [sflag:$0x1], $0x7800, $0x38;
	[tilespmem:$0xF000] =	vst v63  }
0xc2: {  	s21 =	sand.u32 $0xF9, s20;
	s12 =	sshrl.u32 s20, $0x8  }
0xc3: {  	s13 =	smul.u32 $0xBB800, s21;
	s22 =	ssub.s32 s12, s2  }
0xc4: {  	s14 =	smul.u32 $0x28, s22  }
0xc5: {  	s12 =	smul.u32 $0x7800, s12  }
0xc6: {  	s14 =	sshrl.u32 s14, $0x3  }
0xc7: {  	s12 =	sadd.s32 s12, s13;
	s23 =	smul.u32 $0x6000, s14  }
0xc8: {  	s12 =	sshrl.u32 s12, $0x3  }
0xc9: {  	s24 =	sadd.s32 $0x1A, s11;
	s12 =	sadd.s32 s3, s12;
	s13 =	sshra.s32 s23, $0x2  }
0xca: {  	[hbm4b:s12+s4] =	stream.linear.scatter [tilespmem:s13], [sflag:$0x1], $0x7800, $0x38;
	[tilespmem:$0xF000] =	vst v63  }
0xcb: {  	s25 =	sand.u32 $0xFA, s24;
	s12 =	sshrl.u32 s24, $0x8  }
0xcc: {  	s13 =	smul.u32 $0xBB800, s25;
	s26 =	ssub.s32 s12, s2  }
0xcd: {  	s14 =	smul.u32 $0x28, s26  }
0xce: {  	s12 =	smul.u32 $0x7800, s12  }
0xcf: {  	s14 =	sshrl.u32 s14, $0x3  }
0xd0: {  	s12 =	sadd.s32 s12, s13;
	s28 =	smul.u32 $0x6000, s14  }
0xd1: {  	s12 =	sshrl.u32 s12, $0x3  }
0xd2: {  	s29 =	sadd.s32 $0x1B, s11;
	s12 =	sadd.s32 s3, s12;
	s13 =	sshra.s32 s28, $0x2  }
0xd3: {  	[hbm4b:s12+s4] =	stream.linear.scatter [tilespmem:s13], [sflag:$0x1], $0x7800, $0x38;
	[tilespmem:$0xF000] =	vst v63  }
0xd4: {  	s30 =	sand.u32 $0xFB, s29;
	s12 =	sshrl.u32 s29, $0x8  }
0xd5: {  	s13 =	smul.u32 $0xBB800, s30;
	s31 =	ssub.s32 s12, s2  }
0xd6: {  	s14 =	smul.u32 $0x28, s31  }
0xd7: {  	s12 =	smul.u32 $0x7800, s12  }
0xd8: {  	s14 =	sshrl.u32 s14, $0x3  }
0xd9: {  	s12 =	sadd.s32 s12, s13;
	s15 =	smul.u32 $0x6000, s14  }
0xda: {  	s12 =	sshrl.u32 s12, $0x3  }
0xdb: {  	s16 =	sadd.s32 $0x1C, s11;
	s12 =	sadd.s32 s3, s12;
	s13 =	sshra.s32 s15, $0x2  }
0xdc: {  	[hbm4b:s12+s4] =	stream.linear.scatter [tilespmem:s13], [sflag:$0x1], $0x7800, $0x38;
	[tilespmem:$0xF000] =	vst v63  }
0xdd: {  	s17 =	sand.u32 $0xFC, s16;
	s12 =	sshrl.u32 s16, $0x8  }
0xde: {  	s13 =	smul.u32 $0xBB800, s17;
	s18 =	ssub.s32 s12, s2  }
0xdf: {  	s14 =	smul.u32 $0x28, s18  }
0xe0: {  	s12 =	smul.u32 $0x7800, s12  }
0xe1: {  	s14 =	sshrl.u32 s14, $0x3  }
0xe2: {  	s12 =	sadd.s32 s12, s13;
	s19 =	smul.u32 $0x6000, s14  }
0xe3: {  	s12 =	sshrl.u32 s12, $0x3  }
0xe4: {  	s20 =	sadd.s32 $0x1D, s11;
	s12 =	sadd.s32 s3, s12;
	s13 =	sshra.s32 s19, $0x2  }
0xe5: {  	[hbm4b:s12+s4] =	stream.linear.scatter [tilespmem:s13], [sflag:$0x1], $0x7800, $0x38;
	[tilespmem:$0xF000] =	vst v63  }
0xe6: {  	s21 =	sand.u32 $0xFD, s20;
	s12 =	sshrl.u32 s20, $0x8  }
0xe7: {  	s13 =	smul.u32 $0xBB800, s21;
	s22 =	ssub.s32 s12, s2  }
0xe8: {  	s14 =	smul.u32 $0x28, s22  }
0xe9: {  	s12 =	smul.u32 $0x7800, s12  }
0xea: {  	s14 =	sshrl.u32 s14, $0x3  }
0xeb: {  	s12 =	sadd.s32 s12, s13;
	s23 =	smul.u32 $0x6000, s14  }
0xec: {  	s12 =	sshrl.u32 s12, $0x3  }
0xed: {  	s24 =	sadd.s32 $0x1E, s11;
	s12 =	sadd.s32 s3, s12;
	s13 =	sshra.s32 s23, $0x2  }
0xee: {  	[hbm4b:s12+s4] =	stream.linear.scatter [tilespmem:s13], [sflag:$0x1], $0x7800, $0x38;
	[tilespmem:$0xF000] =	vst v63  }
0xef: {  	s25 =	sand.u32 $0xFE, s24;
	s12 =	sshrl.u32 s24, $0x8  }
0xf0: {  	s13 =	smul.u32 $0xBB800, s25;
	s26 =	ssub.s32 s12, s2  }
0xf1: {  	s14 =	smul.u32 $0x28, s26  }
0xf2: {  	s12 =	smul.u32 $0x7800, s12  }
0xf3: {  	s14 =	sshrl.u32 s14, $0x3  }
0xf4: {  	s12 =	sadd.s32 s12, s13;
	s28 =	smul.u32 $0x6000, s14  }
0xf5: {  	s12 =	sshrl.u32 s12, $0x3  }
0xf6: {  	s29 =	sadd.s32 $0x1F, s11;
	s12 =	sadd.s32 s3, s12;
	s13 =	sshra.s32 s28, $0x2  }
0xf7: {  	[hbm4b:s12+s4] =	stream.linear.scatter [tilespmem:s13], [sflag:$0x1], $0x7800, $0x38;
	[tilespmem:$0xF000] =	vst v63  }
0xf8: {  	s30 =	sand.u32 $0xFF, s29;
	s12 =	sshrl.u32 s29, $0x8  }
0xf9: {  	s13 =	smul.u32 $0xBB800, s30;
	s31 =	ssub.s32 s12, s2  }
0xfa: {  	s14 =	smul.u32 $0x28, s31  }
0xfb: {  	s12 =	smul.u32 $0x7800, s12  }
0xfc: {  	s14 =	sshrl.u32 s14, $0x3  }
0xfd: {  	s12 =	sadd.s32 s12, s13;
	s15 =	smul.u32 $0x6000, s14  }
0xfe: {  	s12 =	sshrl.u32 s12, $0x3  }
0xff: {  	s16 =	sadd.s32 $0x20, s11;
	s12 =	sadd.s32 s3, s12;
	s13 =	sshra.s32 s15, $0x2  }
0x100: {  	[hbm4b:s12+s4] =	stream.linear.scatter [tilespmem:s13], [sflag:$0x1], $0x7800, $0x38;
	[tilespmem:$0xF000] =	vst v63  }
0x101: {  	s17 =	sand.u32 $0xF8, s16;
	s12 =	sshrl.u32 s16, $0x8  }
0x102: {  	s13 =	smul.u32 $0xBB800, s17;
	s18 =	ssub.s32 s12, s2  }
0x103: {  	s14 =	smul.u32 $0x28, s18  }
0x104: {  	s12 =	smul.u32 $0x7800, s12  }
0x105: {  	s14 =	sshrl.u32 s14, $0x3  }
0x106: {  	s12 =	sadd.s32 s12, s13;
	s19 =	smul.u32 $0x6000, s14  }
0x107: {  	s12 =	sshrl.u32 s12, $0x3  }
0x108: {  	s20 =	sadd.s32 $0x21, s11;
	s12 =	sadd.s32 s3, s12;
	s13 =	sshra.s32 s19, $0x2  }
0x109: {  	[hbm4b:s12+s4] =	stream.linear.scatter [tilespmem:s13], [sflag:$0x1], $0x7800, $0x38;
	[tilespmem:$0xF000] =	vst v63  }
0x10a: {  	s21 =	sand.u32 $0xF9, s20;
	s12 =	sshrl.u32 s20, $0x8  }
0x10b: {  	s13 =	smul.u32 $0xBB800, s21;
	s22 =	ssub.s32 s12, s2  }
0x10c: {  	s14 =	smul.u32 $0x28, s22  }
0x10d: {  	s12 =	smul.u32 $0x7800, s12  }
0x10e: {  	s14 =	sshrl.u32 s14, $0x3  }
0x10f: {  	s12 =	sadd.s32 s12, s13;
	s23 =	smul.u32 $0x6000, s14  }
0x110: {  	s12 =	sshrl.u32 s12, $0x3  }
0x111: {  	s24 =	sadd.s32 $0x22, s11;
	s12 =	sadd.s32 s3, s12;
	s13 =	sshra.s32 s23, $0x2  }
0x112: {  	[hbm4b:s12+s4] =	stream.linear.scatter [tilespmem:s13], [sflag:$0x1], $0x7800, $0x38;
	[tilespmem:$0xF000] =	vst v63  }
0x113: {  	s25 =	sand.u32 $0xFA, s24;
	s12 =	sshrl.u32 s24, $0x8  }
0x114: {  	s13 =	smul.u32 $0xBB800, s25;
	s26 =	ssub.s32 s12, s2  }
0x115: {  	s14 =	smul.u32 $0x28, s26  }
0x116: {  	s12 =	smul.u32 $0x7800, s12  }
0x117: {  	s14 =	sshrl.u32 s14, $0x3  }
0x118: {  	s12 =	sadd.s32 s12, s13;
	s28 =	smul.u32 $0x6000, s14  }
0x119: {  	s12 =	sshrl.u32 s12, $0x3  }
0x11a: {  	s29 =	sadd.s32 $0x23, s11;
	s12 =	sadd.s32 s3, s12;
	s13 =	sshra.s32 s28, $0x2  }
0x11b: {  	[hbm4b:s12+s4] =	stream.linear.scatter [tilespmem:s13], [sflag:$0x1], $0x7800, $0x38;
	[tilespmem:$0xF000] =	vst v63  }
0x11c: {  	s30 =	sand.u32 $0xFB, s29;
	s12 =	sshrl.u32 s29, $0x8  }
0x11d: {  	s13 =	smul.u32 $0xBB800, s30;
	s31 =	ssub.s32 s12, s2  }
0x11e: {  	s14 =	smul.u32 $0x28, s31  }
0x11f: {  	s12 =	smul.u32 $0x7800, s12  }
0x120: {  	s14 =	sshrl.u32 s14, $0x3  }
0x121: {  	s12 =	sadd.s32 s12, s13;
	s15 =	smul.u32 $0x6000, s14  }
0x122: {  	s12 =	sshrl.u32 s12, $0x3  }
0x123: {  	s16 =	sadd.s32 $0x24, s11;
	s12 =	sadd.s32 s3, s12;
	s13 =	sshra.s32 s15, $0x2  }
0x124: {  	[hbm4b:s12+s4] =	stream.linear.scatter [tilespmem:s13], [sflag:$0x1], $0x7800, $0x38;
	[tilespmem:$0xF000] =	vst v63  }
0x125: {  	s17 =	sand.u32 $0xFC, s16;
	s12 =	sshrl.u32 s16, $0x8  }
0x126: {  	s13 =	smul.u32 $0xBB800, s17;
	s18 =	ssub.s32 s12, s2  }
0x127: {  	s14 =	smul.u32 $0x28, s18  }
0x128: {  	s12 =	smul.u32 $0x7800, s12  }
0x129: {  	s14 =	sshrl.u32 s14, $0x3  }
0x12a: {  	s12 =	sadd.s32 s12, s13;
	s19 =	smul.u32 $0x6000, s14  }
0x12b: {  	s12 =	sshrl.u32 s12, $0x3  }
0x12c: {  	s20 =	sadd.s32 $0x25, s11;
	s12 =	sadd.s32 s3, s12;
	s13 =	sshra.s32 s19, $0x2  }
0x12d: {  	[hbm4b:s12+s4] =	stream.linear.scatter [tilespmem:s13], [sflag:$0x1], $0x7800, $0x38;
	[tilespmem:$0xF000] =	vst v63  }
0x12e: {  	s21 =	sand.u32 $0xFD, s20;
	s12 =	sshrl.u32 s20, $0x8  }
0x12f: {  	s13 =	smul.u32 $0xBB800, s21;
	s22 =	ssub.s32 s12, s2  }
0x130: {  	s14 =	smul.u32 $0x28, s22  }
0x131: {  	s12 =	smul.u32 $0x7800, s12  }
0x132: {  	s14 =	sshrl.u32 s14, $0x3  }
0x133: {  	s12 =	sadd.s32 s12, s13;
	s23 =	smul.u32 $0x6000, s14  }
0x134: {  	s12 =	sshrl.u32 s12, $0x3  }
0x135: {  	s24 =	sadd.s32 $0x26, s11;
	s12 =	sadd.s32 s3, s12;
	s13 =	sshra.s32 s23, $0x2  }
0x136: {  	[hbm4b:s12+s4] =	stream.linear.scatter [tilespmem:s13], [sflag:$0x1], $0x7800, $0x38;
	[tilespmem:$0xF000] =	vst v63  }
0x137: {  	s25 =	sand.u32 $0xFE, s24;
	s12 =	sshrl.u32 s24, $0x8  }
0x138: {  	s13 =	smul.u32 $0xBB800, s25;
	s26 =	ssub.s32 s12, s2  }
0x139: {  	s14 =	smul.u32 $0x28, s26  }
0x13a: {  	s11 =	sadd.s32 $0x27, s11;
	s12 =	smul.u32 $0x7800, s12  }
0x13b: {  	s29 =	sand.u32 $0xFF, s11;
	s14 =	sshrl.u32 s14, $0x3  }
0x13c: {  	s11 =	sshrl.u32 s11, $0x8;
	s12 =	sadd.s32 s12, s13;
	s28 =	smul.u32 $0x6000, s14  }
0x13d: {  	s30 =	ssub.s32 s11, s2;
	s12 =	sshrl.u32 s12, $0x3  }
0x13e: {  	s11 =	smul.u32 $0x7800, s11;
	s12 =	sadd.s32 s3, s12;
	s13 =	sshra.s32 s28, $0x2  }
0x13f: {  	[hbm4b:s12+s4] =	stream.linear.scatter [tilespmem:s13], [sflag:$0x1], $0x7800, $0x38;
	[tilespmem:$0xF000] =	vst v63  }
0x140: {  	s13 =	smul.u32 $0x28, s30  }
0x141: {  	s12 =	smul.u32 $0xBB800, s29  }
0x142: {  	s13 =	sshrl.u32 s13, $0x3  }
0x143: {  	s11 =	sadd.s32 s11, s12;
	s31 =	smul.u32 $0x6000, s13  }
0x144: {  	s11 =	sshrl.u32 s11, $0x3  }
0x145: {  	s11 =	sadd.s32 s3, s11;
	s12 =	sshra.s32 s31, $0x2  }
0x146: {  	[hbm4b:s11+s4] =	stream.linear.scatter [tilespmem:s12], [sflag:$0x1], $0x7800, $0x38;
	[tilespmem:$0xF000] =	vst v63  }
0x147: {  	_ =	swait.ge [sflag:s8], $0x7800  }
0x148: {  	[sflag:s8] =	ssyncset.done $0x0  }
0x149: {  	[sflag:s8] =	ssyncadd.s32 $0xFFFF8800  }
0x14a: {  	_ =	swait.ge [sflag:s8], $0x7800  }
0x14b: {  	[sflag:s8] =	ssyncset.done $0x0  }
0x14c: {  	[sflag:s8] =	ssyncadd.s32 $0xFFFF8800  }
0x14d: {  	_ =	swait.ge [sflag:s8], $0x7800  }
0x14e: {  	[sflag:s8] =	ssyncset.done $0x0  }
0x14f: {  	[sflag:s8] =	ssyncadd.s32 $0xFFFF8800  }
0x150: {  	_ =	swait.ge [sflag:s8], $0x7800  }
0x151: {  	[sflag:s8] =	ssyncset.done $0x0  }
0x152: {  	[sflag:s8] =	ssyncadd.s32 $0xFFFF8800  }
0x153: {  	_ =	swait.ge [sflag:s8], $0x7800  }
0x154: {  	[sflag:s8] =	ssyncset.done $0x0  }
0x155: {  	[sflag:s8] =	ssyncadd.s32 $0xFFFF8800  }
0x156: {  	_ =	swait.ge [sflag:s8], $0x7800  }
0x157: {  	[sflag:s8] =	ssyncset.done $0x0  }
0x158: {  	[sflag:s8] =	ssyncadd.s32 $0xFFFF8800  }
0x159: {  	_ =	swait.ge [sflag:s8], $0x7800  }
0x15a: {  	[sflag:s8] =	ssyncset.done $0x0  }
0x15b: {  	[sflag:s8] =	ssyncadd.s32 $0xFFFF8800  }
0x15c: {  	_ =	swait.ge [sflag:s8], $0x7800  }
0x15d: {  	[sflag:s8] =	ssyncset.done $0x0  }
0x15e: {  	[sflag:s8] =	ssyncadd.s32 $0xFFFF8800  }
0x15f: {  	_ =	swait.ge [sflag:s8], $0x7800  }
0x160: {  	[sflag:s8] =	ssyncset.done $0x0  }
0x161: {  	[sflag:s8] =	ssyncadd.s32 $0xFFFF8800  }
0x162: {  	_ =	swait.ge [sflag:s8], $0x7800  }
0x163: {  	[sflag:s8] =	ssyncset.done $0x0  }
0x164: {  	[sflag:s8] =	ssyncadd.s32 $0xFFFF8800  }
0x165: {  	_ =	swait.ge [sflag:s8], $0x7800  }
0x166: {  	[sflag:s8] =	ssyncset.done $0x0  }
0x167: {  	[sflag:s8] =	ssyncadd.s32 $0xFFFF8800  }
0x168: {  	_ =	swait.ge [sflag:s8], $0x7800  }
0x169: {  	[sflag:s8] =	ssyncset.done $0x0  }
0x16a: {  	[sflag:s8] =	ssyncadd.s32 $0xFFFF8800  }
0x16b: {  	_ =	swait.ge [sflag:s8], $0x7800  }
0x16c: {  	[sflag:s8] =	ssyncset.done $0x0  }
0x16d: {  	[sflag:s8] =	ssyncadd.s32 $0xFFFF8800  }
0x16e: {  	_ =	swait.ge [sflag:s8], $0x7800  }
0x16f: {  	[sflag:s8] =	ssyncset.done $0x0  }
0x170: {  	[sflag:s8] =	ssyncadd.s32 $0xFFFF8800  }
0x171: {  	_ =	swait.ge [sflag:s8], $0x7800  }
0x172: {  	[sflag:s8] =	ssyncset.done $0x0  }
0x173: {  	[sflag:s8] =	ssyncadd.s32 $0xFFFF8800  }
0x174: {  	_ =	swait.ge [sflag:s8], $0x7800  }
0x175: {  	[sflag:s8] =	ssyncset.done $0x0  }
0x176: {  	[sflag:s8] =	ssyncadd.s32 $0xFFFF8800  }
0x177: {  	_ =	swait.ge [sflag:s8], $0x7800  }
0x178: {  	[sflag:s8] =	ssyncset.done $0x0  }
0x179: {  	[sflag:s8] =	ssyncadd.s32 $0xFFFF8800  }
0x17a: {  	_ =	swait.ge [sflag:s8], $0x7800  }
0x17b: {  	[sflag:s8] =	ssyncset.done $0x0  }
0x17c: {  	[sflag:s8] =	ssyncadd.s32 $0xFFFF8800  }
0x17d: {  	_ =	swait.ge [sflag:s8], $0x7800  }
0x17e: {  	[sflag:s8] =	ssyncset.done $0x0  }
0x17f: {  	[sflag:s8] =	ssyncadd.s32 $0xFFFF8800  }
0x180: {  	_ =	swait.ge [sflag:s8], $0x7800  }
0x181: {  	[sflag:s8] =	ssyncset.done $0x0  }
0x182: {  	[sflag:s8] =	ssyncadd.s32 $0xFFFF8800  }
0x183: {  	_ =	swait.ge [sflag:s8], $0x7800  }
0x184: {  	[sflag:s8] =	ssyncset.done $0x0  }
0x185: {  	[sflag:s8] =	ssyncadd.s32 $0xFFFF8800  }
0x186: {  	_ =	swait.ge [sflag:s8], $0x7800  }
0x187: {  	[sflag:s8] =	ssyncset.done $0x0  }
0x188: {  	[sflag:s8] =	ssyncadd.s32 $0xFFFF8800  }
0x189: {  	_ =	swait.ge [sflag:s8], $0x7800  }
0x18a: {  	[sflag:s8] =	ssyncset.done $0x0  }
0x18b: {  	[sflag:s8] =	ssyncadd.s32 $0xFFFF8800  }
0x18c: {  	_ =	swait.ge [sflag:s8], $0x7800  }
0x18d: {  	[sflag:s8] =	ssyncset.done $0x0  }
0x18e: {  	[sflag:s8] =	ssyncadd.s32 $0xFFFF8800  }
0x18f: {  	_ =	swait.ge [sflag:s8], $0x7800  }
0x190: {  	[sflag:s8] =	ssyncset.done $0x0  }
0x191: {  	[sflag:s8] =	ssyncadd.s32 $0xFFFF8800  }
0x192: {  	_ =	swait.ge [sflag:s8], $0x7800  }
0x193: {  	[sflag:s8] =	ssyncset.done $0x0  }
0x194: {  	[sflag:s8] =	ssyncadd.s32 $0xFFFF8800  }
0x195: {  	_ =	swait.ge [sflag:s8], $0x7800  }
0x196: {  	[sflag:s8] =	ssyncset.done $0x0  }
0x197: {  	[sflag:s8] =	ssyncadd.s32 $0xFFFF8800  }
0x198: {  	_ =	swait.ge [sflag:s8], $0x7800  }
0x199: {  	[sflag:s8] =	ssyncset.done $0x0  }
0x19a: {  	[sflag:s8] =	ssyncadd.s32 $0xFFFF8800  }
0x19b: {  	_ =	swait.ge [sflag:s8], $0x7800  }
0x19c: {  	[sflag:s8] =	ssyncset.done $0x0  }
0x19d: {  	[sflag:s8] =	ssyncadd.s32 $0xFFFF8800  }
0x19e: {  	_ =	swait.ge [sflag:s8], $0x7800  }
0x19f: {  	[sflag:s8] =	ssyncset.done $0x0  }
0x1a0: {  	[sflag:s8] =	ssyncadd.s32 $0xFFFF8800  }
0x1a1: {  	_ =	swait.ge [sflag:s8], $0x7800  }
0x1a2: {  	[sflag:s8] =	ssyncset.done $0x0  }
0x1a3: {  	[sflag:s8] =	ssyncadd.s32 $0xFFFF8800  }
0x1a4: {  	_ =	swait.ge [sflag:s8], $0x7800  }
0x1a5: {  	[sflag:s8] =	ssyncset.done $0x0  }
0x1a6: {  	[sflag:s8] =	ssyncadd.s32 $0xFFFF8800  }
0x1a7: {  	_ =	swait.ge [sflag:s8], $0x7800  }
0x1a8: {  	[sflag:s8] =	ssyncset.done $0x0  }
0x1a9: {  	[sflag:s8] =	ssyncadd.s32 $0xFFFF8800  }
0x1aa: {  	_ =	swait.ge [sflag:s8], $0x7800  }
0x1ab: {  	[sflag:s8] =	ssyncset.done $0x0  }
0x1ac: {  	[sflag:s8] =	ssyncadd.s32 $0xFFFF8800  }
0x1ad: {  	_ =	swait.ge [sflag:s8], $0x7800  }
0x1ae: {  	[sflag:s8] =	ssyncset.done $0x0  }
0x1af: {  	[sflag:s8] =	ssyncadd.s32 $0xFFFF8800  }
0x1b0: {  	_ =	swait.ge [sflag:s8], $0x7800  }
0x1b1: {  	[sflag:s8] =	ssyncset.done $0x0  }
0x1b2: {  	[sflag:s8] =	ssyncadd.s32 $0xFFFF8800  }
0x1b3: {  	_ =	swait.ge [sflag:s8], $0x7800  }
0x1b4: {  	[sflag:s8] =	ssyncset.done $0x0  }
0x1b5: {  	[sflag:s8] =	ssyncadd.s32 $0xFFFF8800  }
0x1b6: {  	_ =	swait.ge [sflag:s8], $0x7800  }
0x1b7: {  	[sflag:s8] =	ssyncset.done $0x0  }
0x1b8: {  	[sflag:s8] =	ssyncadd.s32 $0xFFFF8800  }
0x1b9: {  	p0 =	sne.s32 s10, $0xA0;
	_ =	swait.ge [sflag:s8], $0x7800  }
.Ltmp0:
0x1ba: {  	[sflag:s8] =	ssyncset.done $0x0;
	(pc) =	sbr.rel @p0 .LBB2_2-.Ltmp0, $4  }
0x1bb: {  	[sflag:s8] =	ssyncadd.s32 $0xFFFF8800  }
0x1bc: {  	_ =	swait.ge [sflag:s8], $0x7800  }
0x1bd: {  	[sflag:s8] =	ssyncset.done $0x0  }
0x1be: {  	s10 =	sadd.s32 $0x28, s10;
	[sflag:s8] =	ssyncadd.s32 $0xFFFF8800  }
0x1bf: {  	s9 =	sadd.s32 $0x1, s9  }
0x1c0: {  	p0 =	sne.s32 s9, s6  }
.Ltmp1:
0x1c1: {  	_ = 	snop;
	(pc) =	sbr.rel @p0 .LBB2_1-.Ltmp1, $1  }
0x1c2: {  	_ =	sdelay $0x3  }
0x1c3: {  	_ =	sfence.sel $0x180000  }
0x1c4: {  	[bflag:$0x0] =	sbarrier.arrive $0xFFFF  }
0x1c5: {  	p0 =	sne.s32 s0, $0x0;
	_ =	strace $0x90000047  }
0x1c6: {  	s0 =	sadd.s32 @!p0 $0x100000, s1;
	[bflag:$0x2] =	sbarrier.arrive $0xFFFF  }
0x1c7: {  	[sflag:s0] =	ssyncadd.tile.s32 @!p0 $0x1;
	_ =	shalt  }
.Lfunc_end2:
_tile_overlayer_lowered:
.L_overlay_start_2:
0x1c8: {  	(tag) =	ssettag $0x2  }
0x1c9: {  	s0 =	rddreg [dreg:$0x0];
	s2 =	stileid.u32  }
0x1ca: {  	s1 =	rddreg [dreg:$0x1];
	p0 =	sne.s32 s2, $0x0  }
0x1cb: {  	s3 =	rddreg [dreg:$0x2];
	[bflag:$0x3] =	sbarrier.arrive $0xFFFF;
	s2 =	simm.s32 @!p0 $0x1C02  }
0x1cc: {  	[timem:s3], [sflag:s2] =	dma.local @!p0 [hbm:s0], s1  }
0x1cd: {  	s0 =	simm.s32 @!p0 $0x2  }
0x1ce: {  	_ =	swait.ge @!p0 [sflag:s0], s1  }
0x1cf: {  	s1 =	ssub.s32 @!p0 $0x0, s1;
	[sflag:s0] =	ssyncset.done @!p0 $0x0  }
0x1d0: {  	[sflag:s0] =	ssyncadd.s32 @!p0 s1  }
0x1d1: {  	[bflag:$0x3] =	sbarrier.arrive $0xFFFF  }
0x1d2: {  	_ =	shalt  }

</sc_bundles>
